<compile_context>
chip_gen: v7x
topology: tpu7x:2x2x1
jax: 0.10.2.dev20260603
libtpu: 0.0.44.dev20260713+nightly
codegen_flags: <defaults>
</compile_context>

<pallas_src>
import jax
import jax.numpy as jnp
from jax import lax
from jax.experimental import pallas as pl
from jax.experimental.pallas import tpu as pltpu
from jax.experimental.pallas import tpu_sc as plsc

NC = 2
NS = 16
LANES = 16
EDGE_BLK = 80
NBUF = 3


def _fill(buf, nrows, d, val):
    nv = d // LANES

    def row(i, c):
        for j in range(nv):
            buf[i, pl.ds(j * LANES, LANES)] = jnp.full((LANES,), val,
                                                       jnp.float32)
        return c
    lax.fori_loop(0, nrows, row, 0)


def _zero_chunks(zbuf, acc, sid, nchunk, chunk):
    for c in range((nchunk + NS - 1) // NS):
        ci = sid + c * NS

        @pl.when(ci < nchunk)
        def _():
            r = pl.multiple_of(ci * chunk, chunk)
            pltpu.sync_copy(zbuf, acc.at[pl.ds(r, chunk)])


def _dump_chunks(acc, out2d, sid, nchunk, chunk):
    for c in range((nchunk + NS - 1) // NS):
        ci = sid + c * NS

        @pl.when(ci < nchunk)
        def _():
            r = pl.multiple_of(ci * chunk, chunk)
            pltpu.sync_copy(acc.at[pl.ds(r, chunk)], out2d.at[pl.ds(r, chunk)])


def _sc_degree_pass(dst2, n):
    d = LANES
    chunk = 400
    nblk = dst2.shape[0] // (NC * NS)
    nchunk = n // chunk
    mesh = plsc.VectorSubcoreMesh(core_axis_name="c", subcore_axis_name="s")

    def body(dst_h, out_h, didx, ones, zbuf, acc, isem):
        cid = lax.axis_index("c")
        sid = lax.axis_index("s")
        tile = cid * NS + sid

        ih = pltpu.async_copy(dst_h.at[pl.ds(tile * nblk, nblk)], didx, isem)
        _fill(ones, EDGE_BLK, d, 1.0)
        _fill(zbuf, chunk, d, 0.0)
        _zero_chunks(zbuf, acc, sid, nchunk, chunk)
        ih.wait()
        plsc.subcore_barrier()

        def blk(k, c):
            pltpu.sync_copy(ones, acc.at[didx.at[k]], add=True)
            return c
        lax.fori_loop(0, nblk, blk, 0)

        plsc.subcore_barrier()
        _dump_chunks(acc, out_h.at[cid], sid, nchunk, chunk)

    return pl.kernel(
        body,
        out_type=jax.ShapeDtypeStruct((NC, n, d), jnp.float32),
        mesh=mesh,
        scratch_types=[
            pltpu.VMEM((nblk, EDGE_BLK), jnp.int32),
            pltpu.VMEM((EDGE_BLK, d), jnp.float32),
            pltpu.VMEM((chunk, d), jnp.float32),
            pltpu.VMEM_SHARED((n, d), jnp.float32),
            pltpu.SemaphoreType.DMA,
        ],
        compiler_params=pltpu.CompilerParams(use_tc_tiling_on_sc=False),
    )(dst2)


def _sc_gather_pass(table, src2, dst2, n, d):
    nblk = dst2.shape[0] // (NC * NS)
    chunk = EDGE_BLK
    nchunk = n // chunk
    nmain = (nblk // NBUF) * NBUF
    mesh = plsc.VectorSubcoreMesh(core_axis_name="c", subcore_axis_name="s")

    def body(*refs):
        (tab, src_h, dst_h, out_h, sidx, didx) = refs[:6]
        rows = refs[6:6 + NBUF]
        acc = refs[6 + NBUF]
        gsem = refs[7 + NBUF:7 + 2 * NBUF]
        ssem = refs[7 + 2 * NBUF]
        isem = refs[8 + 2 * NBUF]
        cid = lax.axis_index("c")
        sid = lax.axis_index("s")
        tile = cid * NS + sid

        ih1 = pltpu.async_copy(src_h.at[pl.ds(tile * nblk, nblk)], sidx, isem)
        ih2 = pltpu.async_copy(dst_h.at[pl.ds(tile * nblk, nblk)], didx, isem)

        _fill(rows[0], chunk, d, 0.0)
        _zero_chunks(rows[0], acc, sid, nchunk, chunk)
        ih1.wait()
        ih2.wait()
        plsc.subcore_barrier()

        for b in range(NBUF - 1):
            pltpu.async_copy(tab.at[sidx.at[b]], rows[b], gsem[b])

        def outer(i, c):
            h = [None]
            for b in range(NBUF):
                blk = i * NBUF + b
                nb = (b + NBUF - 1) % NBUF
                if h[0] is not None:
                    h[0].wait()

                @pl.when(blk + NBUF - 1 < nblk)
                def _():
                    pltpu.async_copy(tab.at[sidx.at[blk + NBUF - 1]],
                                     rows[nb], gsem[nb])
                pltpu.make_async_copy(tab.at[sidx.at[blk]], rows[b],
                                      gsem[b]).wait()
                h[0] = pltpu.async_copy(rows[b], acc.at[didx.at[blk]],
                                        ssem, add=True)
            h[0].wait()
            return c
        lax.fori_loop(0, nblk // NBUF, outer, 0)

        for t in range(nblk - nmain):
            blk = nmain + t
            b = blk % NBUF
            pltpu.make_async_copy(tab.at[sidx.at[blk]], rows[b],
                                  gsem[b]).wait()
            pltpu.sync_copy(rows[b], acc.at[didx.at[blk]], add=True)

        plsc.subcore_barrier()
        _dump_chunks(acc, out_h.at[cid], sid, nchunk, chunk)

    scratch = [
        pltpu.VMEM((nblk, EDGE_BLK), jnp.int32),
        pltpu.VMEM((nblk, EDGE_BLK), jnp.int32),
    ]
    scratch += [pltpu.VMEM((EDGE_BLK, d), jnp.float32) for _ in range(NBUF)]
    scratch += [pltpu.VMEM_SHARED((n, d), jnp.float32)]
    scratch += [pltpu.SemaphoreType.DMA for _ in range(NBUF + 2)]

    return pl.kernel(
        body,
        out_type=jax.ShapeDtypeStruct((NC, n, d), jnp.float32),
        mesh=mesh,
        scratch_types=scratch,
        compiler_params=pltpu.CompilerParams(use_tc_tiling_on_sc=False),
    )(table, src2, dst2)


def _dis_from_cnt(cnt_ref):
    c = cnt_ref[0, :, 0:1] + cnt_ref[1, :, 0:1]
    return lax.rsqrt(c + 1.0)


def _tc_mm(x, w):
    n, din = x.shape
    dout = w.shape[1]
    blk = 400

    def body(x_ref, w_ref, h_ref):
        h_ref[...] = jnp.dot(x_ref[...], w_ref[...],
                             preferred_element_type=jnp.float32)

    return pl.pallas_call(
        body,
        grid=(n // blk,),
        in_specs=[
            pl.BlockSpec((blk, din), lambda i: (i, 0)),
            pl.BlockSpec((din, dout), lambda i: (0, 0)),
        ],
        out_specs=pl.BlockSpec((blk, dout), lambda i: (i, 0)),
        out_shape=jax.ShapeDtypeStruct((n, dout), jnp.float32),
    )(x, w)


def _tc_scale(cnt16, h, b):
    n, dout = h.shape
    blk = 400

    def body(cnt_ref, h_ref, b_ref, hs_ref, sc_ref):
        dis = _dis_from_cnt(cnt_ref)
        h = h_ref[...]
        hs_ref[...] = h * dis
        sc_ref[...] = h * (dis * dis) + b_ref[...]

    return pl.pallas_call(
        body,
        grid=(n // blk,),
        in_specs=[
            pl.BlockSpec((NC, blk, 16), lambda i: (0, i, 0)),
            pl.BlockSpec((blk, dout), lambda i: (i, 0)),
            pl.BlockSpec((1, dout), lambda i: (0, 0)),
        ],
        out_specs=[
            pl.BlockSpec((blk, dout), lambda i: (i, 0)),
            pl.BlockSpec((blk, dout), lambda i: (i, 0)),
        ],
        out_shape=[
            jax.ShapeDtypeStruct((n, dout), jnp.float32),
            jax.ShapeDtypeStruct((n, dout), jnp.float32),
        ],
    )(cnt16, h, b)


def _tc_combine_mm(acc, cnt16, sc, w, b):
    n = sc.shape[0]
    d = sc.shape[1]
    dout = w.shape[1]
    blk = 400

    def body(acc_ref, cnt_ref, sc_ref, w_ref, b_ref, hs_ref, sc2_ref):
        dis = _dis_from_cnt(cnt_ref)
        agg = (acc_ref[0] + acc_ref[1]) * dis
        z = jnp.maximum(agg + sc_ref[...], 0.0)
        h = jnp.dot(z, w_ref[...], preferred_element_type=jnp.float32)
        hs_ref[...] = h * dis
        sc2_ref[...] = h * (dis * dis) + b_ref[...]

    return pl.pallas_call(
        body,
        grid=(n // blk,),
        in_specs=[
            pl.BlockSpec((NC, blk, d), lambda i: (0, i, 0)),
            pl.BlockSpec((NC, blk, 16), lambda i: (0, i, 0)),
            pl.BlockSpec((blk, d), lambda i: (i, 0)),
            pl.BlockSpec((d, dout), lambda i: (0, 0)),
            pl.BlockSpec((1, dout), lambda i: (0, 0)),
        ],
        out_specs=[
            pl.BlockSpec((blk, dout), lambda i: (i, 0)),
            pl.BlockSpec((blk, dout), lambda i: (i, 0)),
        ],
        out_shape=[
            jax.ShapeDtypeStruct((n, dout), jnp.float32),
            jax.ShapeDtypeStruct((n, dout), jnp.float32),
        ],
    )(acc, cnt16, sc, w, b)


def _tc_final(acc, cnt16, sc, wl, bl):
    n = sc.shape[0]
    d = sc.shape[1]
    dout = wl.shape[1]
    blk = 400

    def body(acc_ref, cnt_ref, sc_ref, w_ref, b_ref, o_ref):
        dis = _dis_from_cnt(cnt_ref)
        agg = (acc_ref[0] + acc_ref[1]) * dis
        z = jnp.maximum(agg + sc_ref[...], 0.0)
        o_ref[...] = jnp.dot(z, w_ref[...],
                             preferred_element_type=jnp.float32) + b_ref[...]

    return pl.pallas_call(
        body,
        grid=(n // blk,),
        in_specs=[
            pl.BlockSpec((NC, blk, d), lambda i: (0, i, 0)),
            pl.BlockSpec((NC, blk, 16), lambda i: (0, i, 0)),
            pl.BlockSpec((blk, d), lambda i: (i, 0)),
            pl.BlockSpec((d, dout), lambda i: (0, 0)),
            pl.BlockSpec((1, dout), lambda i: (0, 0)),
        ],
        out_specs=pl.BlockSpec((blk, dout), lambda i: (i, 0)),
        out_shape=jax.ShapeDtypeStruct((n, dout), jnp.float32),
    )(acc, cnt16, sc, wl, bl)


def kernel(x, edge_index, W1, b1, W2, b2, Wl, bl):
    n = x.shape[0]
    src2 = edge_index[0].reshape(-1, EDGE_BLK)
    dst2 = edge_index[1].reshape(-1, EDGE_BLK)
    b1r = b1.reshape(1, -1)
    b2r = b2.reshape(1, -1)
    blr = bl.reshape(1, -1)

    cnt16 = _sc_degree_pass(dst2, n)
    h1 = _tc_mm(x, W1)
    hs1, sc1 = _tc_scale(cnt16, h1, b1r)

    acc1 = _sc_gather_pass(hs1, src2, dst2, n, hs1.shape[1])
    hs2, sc2 = _tc_combine_mm(acc1, cnt16, sc1, W2, b2r)

    acc2 = _sc_gather_pass(hs2, src2, dst2, n, hs2.shape[1])
    return _tc_final(acc2, cnt16, sc2, Wl, blr)

# --- scband reference (transcript-rebuilt; emitter-appended) ---
"""Pipeline reference for scband-gcn-model-18167711662671 (READ-ONLY COPY).

The authoritative reference and input builder live on the scoring server;
editing this copy changes nothing except your own understanding.
"""

import jax, jax.numpy as jnp
import numpy as np

N_NODES = 10000
N_EDGES = 320000
D_FEAT = 128
HIDDEN = 128
OUT = 40


def gcn_conv(x, edge_index, W, b):
    # Faithful PyG GCNConv: add self-loops, symmetric deg^{-1/2} normalization,
    # linear transform, scatter-add aggregation, bias.
    n = x.shape[0]
    sl = jnp.arange(n, dtype=edge_index.dtype)
    src = jnp.concatenate([edge_index[0], sl])
    dst = jnp.concatenate([edge_index[1], sl])
    deg = jnp.zeros((n,), dtype=x.dtype).at[dst].add(1.0)
    deg_inv_sqrt = jnp.where(deg > 0, 1.0 / jnp.sqrt(deg), 0.0)
    norm = deg_inv_sqrt[src] * deg_inv_sqrt[dst]
    h = x @ W
    msg = h[src] * norm[:, None]
    out = jnp.zeros((n, W.shape[1]), dtype=x.dtype).at[dst].add(msg)
    return out + b


def setup_inputs(seed: int = 0) -> dict:
    key = jax.random.key(seed)
    ks = jax.random.split(key, 8)
    x = jax.random.normal(ks[0], (N_NODES, D_FEAT), dtype=jnp.float32)
    edge_index = jax.random.randint(ks[1], (2, N_EDGES), 0, N_NODES, dtype=jnp.int32)
    s1 = 1.0 / np.sqrt(D_FEAT)
    s2 = 1.0 / np.sqrt(HIDDEN)
    W1 = jax.random.uniform(ks[2], (D_FEAT, HIDDEN), jnp.float32, -s1, s1)
    b1 = jnp.zeros((HIDDEN,), jnp.float32)
    W2 = jax.random.uniform(ks[3], (HIDDEN, HIDDEN), jnp.float32, -s2, s2)
    b2 = jnp.zeros((HIDDEN,), jnp.float32)
    Wl = jax.random.uniform(ks[4], (HIDDEN, OUT), jnp.float32, -s2, s2)
    bl = jax.random.uniform(ks[5], (OUT,), jnp.float32, -s2, s2)
    return {"x": x, "edge_index": edge_index, "W1": W1, "b1": b1, "W2": W2, "b2": b2, "Wl": Wl, "bl": bl}


def reference(x, edge_index, W1, b1, W2, b2, Wl, bl):
    h = jax.nn.relu(gcn_conv(x, edge_index, W1, b1))
    h = jax.nn.relu(gcn_conv(h, edge_index, W2, b2))
    pred = h @ Wl + bl
    return pred

if __name__ == "__main__":
    import jax
    _d = setup_inputs()
    print(jax.jit(kernel)(*tuple(_d.values())))

</pallas_src>

<mosaic_0001>
#map = affine_map<(d0, d1) -> (0, 0)>
#map1 = affine_map<(d0, d1) -> (0, 0, 0)>
module attributes {stable_mosaic.version = 14 : i64} {
  func.func @body(%arg0: i32, %arg1: i32, %arg2: memref<4000x80xi32, #tpu.memory_space<hbm>>, %arg3: memref<2x10000x16xf32, #tpu.memory_space<hbm>>, %arg4: memref<125x80xi32, #tpu.memory_space<vmem>>, %arg5: memref<80x16xf32, #tpu.memory_space<vmem>>, %arg6: memref<400x16xf32, #tpu.memory_space<vmem>>, %arg7: memref<10000x16xf32, #tpu.memory_space<vmem_shared>>, %arg8: memref<!tpu.dma_semaphore, #tpu.memory_space<semaphore_mem>>) attributes {dimension_semantics = [#tpu.dimension_semantics<core_parallel>, #tpu.dimension_semantics<subcore_parallel>], iteration_bounds = array<i64: 2, 16>, scalar_prefetch = 0 : i64, scratch_operands = 5 : i64, tpu.core_type = #tpu.core_type<sc_vector_subcore>, window_params = [{transform_indices = #map}, {transform_indices = #map1}]} {
    %mul3A = arith.constant 16 : i32
    %mul3A_0 = arith.muli %arg0, %mul3A : i32
    %add3A = arith.addi %mul3A_0, %arg1 : i32
    %mul3A_1 = arith.constant 125 : i32
    %mul3A_2 = arith.muli %add3A, %mul3A_1 : i32
    %dma_start3A = arith.constant 0 : i32
    %dma_start3A_3 = tpu.memref_slice %arg2[%mul3A_2, %dma_start3A] : memref<4000x80xi32, #tpu.memory_space<hbm>> -> memref<125x80xi32, #tpu.memory_space<hbm>>
    %dma_start3A_4 = arith.constant 0 : i32
    %dma_start3A_5 = tpu.memref_slice %arg2[%mul3A_2, %dma_start3A_4] : memref<4000x80xi32, #tpu.memory_space<hbm>> -> memref<125x80xi32, #tpu.memory_space<hbm>>
    tpu.enqueue_dma source(%dma_start3A_5 : memref<125x80xi32, #tpu.memory_space<hbm>>) target(%arg4 : memref<125x80xi32, #tpu.memory_space<vmem>>) target_semaphore(%arg8 : memref<!tpu.dma_semaphore, #tpu.memory_space<semaphore_mem>>)
    %scan3A = arith.constant 0 : i32
    %scan3A_6 = arith.constant 0 : i32
    %scan3A_7 = arith.constant 80 : i32
    %scan3A_8 = arith.addi %scan3A_6, %scan3A_7 : i32
    %scan3A_9 = arith.constant 1 : i32
    scf.for %scan3A_52 = %scan3A_6 to %scan3A_8 step %scan3A_9  : i32 {
      %broadcast_in_dim3A = arith.constant 1.000000e+00 : f32
      %broadcast_in_dim3A_53 = vector.broadcast %broadcast_in_dim3A : f32 to vector<16xf32>
      %swap3A = arith.index_cast %scan3A_52 : i32 to index
      %swap3A_54 = arith.constant 0 : index
      %swap3A_55 = tpu.vector_load %arg5[%swap3A, %swap3A_54] {strides = array<i32>} : memref<80x16xf32, #tpu.memory_space<vmem>>, vector<1x16xf32>,
      %swap3A_56 = vector.shape_cast %swap3A_55 : vector<1x16xf32> to vector<16xf32>
      %swap3A_57 = vector.shape_cast %broadcast_in_dim3A_53 : vector<16xf32> to vector<1x16xf32>
      tpu.vector_store %arg5[%swap3A, %swap3A_54], %swap3A_57 {strides = array<i32>} : memref<80x16xf32, #tpu.memory_space<vmem>>, vector<1x16xf32>,
    }
    %scan3A_10 = arith.constant 80 : i32
    %scan3A_11 = arith.constant 0 : i32
    %scan3A_12 = arith.constant 0 : i32
    %scan3A_13 = arith.constant 400 : i32
    %scan3A_14 = arith.addi %scan3A_12, %scan3A_13 : i32
    %scan3A_15 = arith.constant 1 : i32
    scf.for %scan3A_52 = %scan3A_12 to %scan3A_14 step %scan3A_15  : i32 {
      %broadcast_in_dim3A = arith.constant 0.000000e+00 : f32
      %broadcast_in_dim3A_53 = vector.broadcast %broadcast_in_dim3A : f32 to vector<16xf32>
      %swap3A = arith.index_cast %scan3A_52 : i32 to index
      %swap3A_54 = arith.constant 0 : index
      %swap3A_55 = tpu.vector_load %arg6[%swap3A, %swap3A_54] {strides = array<i32>} : memref<400x16xf32, #tpu.memory_space<vmem>>, vector<1x16xf32>,
      %swap3A_56 = vector.shape_cast %swap3A_55 : vector<1x16xf32> to vector<16xf32>
      %swap3A_57 = vector.shape_cast %broadcast_in_dim3A_53 : vector<16xf32> to vector<1x16xf32>
      tpu.vector_store %arg6[%swap3A, %swap3A_54], %swap3A_57 {strides = array<i32>} : memref<400x16xf32, #tpu.memory_space<vmem>>, vector<1x16xf32>,
    }
    %scan3A_16 = arith.constant 400 : i32
    %add3A_17 = arith.constant 0 : i32
    %add3A_18 = arith.addi %arg1, %add3A_17 : i32
    %lt3A = arith.constant 25 : i32
    %lt3A_19 = arith.cmpi slt, %add3A_18, %lt3A : i32
    %convert_element_type3A = arith.extui %lt3A_19 : i1 to i32
    %cond3A = arith.constant 0 : i32
    %cond3A_20 = arith.cmpi ne, %convert_element_type3A, %cond3A : i32
    scf.if %cond3A_20 {
      %mul3A_52 = arith.constant 400 : i32
      %mul3A_53 = arith.muli %add3A_18, %mul3A_52 : i32
      %multiple_of3A = tpu.assume_multiple %mul3A_53, 400 : i32
      "tpu.region"() ({
        %run_scoped3A = tpu.sem_alloc : memref<!tpu.dma_semaphore, #tpu.memory_space<semaphore_mem>>
        %dma_start3A_54 = arith.constant 0 : i32
        %dma_start3A_55 = tpu.memref_slice %arg7[%multiple_of3A, %dma_start3A_54] : memref<10000x16xf32, #tpu.memory_space<vmem_shared>> -> memref<400x16xf32, #tpu.memory_space<vmem_shared>>
        %dma_start3A_56 = arith.constant 0 : i32
        %dma_start3A_57 = tpu.memref_slice %arg7[%multiple_of3A, %dma_start3A_56] : memref<10000x16xf32, #tpu.memory_space<vmem_shared>> -> memref<400x16xf32, #tpu.memory_space<vmem_shared>>
        tpu.enqueue_dma source(%arg6 : memref<400x16xf32, #tpu.memory_space<vmem>>) target(%dma_start3A_57 : memref<400x16xf32, #tpu.memory_space<vmem_shared>>) target_semaphore(%run_scoped3A : memref<!tpu.dma_semaphore, #tpu.memory_space<semaphore_mem>>)
        %dma_wait3A_58 = arith.constant 0 : i32
        %dma_wait3A_59 = tpu.memref_slice %arg7[%multiple_of3A, %dma_wait3A_58] : memref<10000x16xf32, #tpu.memory_space<vmem_shared>> -> memref<400x16xf32, #tpu.memory_space<vmem_shared>>
        %dma_wait3A_60 = arith.constant 0 : i32
        %dma_wait3A_61 = tpu.memref_slice %arg7[%multiple_of3A, %dma_wait3A_60] : memref<10000x16xf32, #tpu.memory_space<vmem_shared>> -> memref<400x16xf32, #tpu.memory_space<vmem_shared>>
        tpu.wait_dma2 semaphore(%run_scoped3A : memref<!tpu.dma_semaphore, #tpu.memory_space<semaphore_mem>>) src(%arg6 : memref<400x16xf32, #tpu.memory_space<vmem>>) dst(%dma_wait3A_61 : memref<400x16xf32, #tpu.memory_space<vmem_shared>>)
        tpu.yield
      }) : () -> ()
    } else {
    }
    %add3A_21 = arith.constant 16 : i32
    %add3A_22 = arith.addi %arg1, %add3A_21 : i32
    %lt3A_23 = arith.constant 25 : i32
    %lt3A_24 = arith.cmpi slt, %add3A_22, %lt3A_23 : i32
    %convert_element_type3A_25 = arith.extui %lt3A_24 : i1 to i32
    %cond3A_26 = arith.constant 0 : i32
    %cond3A_27 = arith.cmpi ne, %convert_element_type3A_25, %cond3A_26 : i32
    scf.if %cond3A_27 {
      %mul3A_52 = arith.constant 400 : i32
      %mul3A_53 = arith.muli %add3A_22, %mul3A_52 : i32
      %multiple_of3A = tpu.assume_multiple %mul3A_53, 400 : i32
      "tpu.region"() ({
        %run_scoped3A = tpu.sem_alloc : memref<!tpu.dma_semaphore, #tpu.memory_space<semaphore_mem>>
        %dma_start3A_54 = arith.constant 0 : i32
        %dma_start3A_55 = tpu.memref_slice %arg7[%multiple_of3A, %dma_start3A_54] : memref<10000x16xf32, #tpu.memory_space<vmem_shared>> -> memref<400x16xf32, #tpu.memory_space<vmem_shared>>
        %dma_start3A_56 = arith.constant 0 : i32
        %dma_start3A_57 = tpu.memref_slice %arg7[%multiple_of3A, %dma_start3A_56] : memref<10000x16xf32, #tpu.memory_space<vmem_shared>> -> memref<400x16xf32, #tpu.memory_space<vmem_shared>>
        tpu.enqueue_dma source(%arg6 : memref<400x16xf32, #tpu.memory_space<vmem>>) target(%dma_start3A_57 : memref<400x16xf32, #tpu.memory_space<vmem_shared>>) target_semaphore(%run_scoped3A : memref<!tpu.dma_semaphore, #tpu.memory_space<semaphore_mem>>)
        %dma_wait3A_58 = arith.constant 0 : i32
        %dma_wait3A_59 = tpu.memref_slice %arg7[%multiple_of3A, %dma_wait3A_58] : memref<10000x16xf32, #tpu.memory_space<vmem_shared>> -> memref<400x16xf32, #tpu.memory_space<vmem_shared>>
        %dma_wait3A_60 = arith.constant 0 : i32
        %dma_wait3A_61 = tpu.memref_slice %arg7[%multiple_of3A, %dma_wait3A_60] : memref<10000x16xf32, #tpu.memory_space<vmem_shared>> -> memref<400x16xf32, #tpu.memory_space<vmem_shared>>
        tpu.wait_dma2 semaphore(%run_scoped3A : memref<!tpu.dma_semaphore, #tpu.memory_space<semaphore_mem>>) src(%arg6 : memref<400x16xf32, #tpu.memory_space<vmem>>) dst(%dma_wait3A_61 : memref<400x16xf32, #tpu.memory_space<vmem_shared>>)
        tpu.yield
      }) : () -> ()
    } else {
    }
    %dma_wait3A = arith.constant 0 : i32
    %dma_wait3A_28 = tpu.memref_slice %arg2[%mul3A_2, %dma_wait3A] : memref<4000x80xi32, #tpu.memory_space<hbm>> -> memref<125x80xi32, #tpu.memory_space<hbm>>
    %dma_wait3A_29 = arith.constant 0 : i32
    %dma_wait3A_30 = tpu.memref_slice %arg2[%mul3A_2, %dma_wait3A_29] : memref<4000x80xi32, #tpu.memory_space<hbm>> -> memref<125x80xi32, #tpu.memory_space<hbm>>
    tpu.wait_dma2 semaphore(%arg8 : memref<!tpu.dma_semaphore, #tpu.memory_space<semaphore_mem>>) src(%dma_wait3A_30 : memref<125x80xi32, #tpu.memory_space<hbm>>) dst(%arg4 : memref<125x80xi32, #tpu.memory_space<vmem>>)
    %barrier3A = arith.constant 0 : index
    tpu.barrier barrier_id(%barrier3A)
    %scan3A_31 = arith.constant 0 : i32
    %scan3A_32 = arith.constant 0 : i32
    %scan3A_33 = arith.constant 125 : i32
    %scan3A_34 = arith.addi %scan3A_32, %scan3A_33 : i32
    %scan3A_35 = arith.constant 1 : i32
    scf.for %scan3A_52 = %scan3A_32 to %scan3A_34 step %scan3A_35  : i32 {
      "tpu.region"() ({
        %run_scoped3A = tpu.sem_alloc : memref<!tpu.dma_semaphore, #tpu.memory_space<semaphore_mem>>
        %dma_start3A_53 = arith.constant 0 : i32
        %dma_start3A_54 = tpu.memref_slice %arg4[%scan3A_52, %dma_start3A_53] : memref<125x80xi32, #tpu.memory_space<vmem>> -> memref<1x80xi32, #tpu.memory_space<vmem>>
        %dma_start3A_55 = tpu.memref_squeeze %dma_start3A_54 : memref<1x80xi32, #tpu.memory_space<vmem>> -> memref<80xi32, #tpu.memory_space<vmem>>
        %dma_start3A_56 = arith.constant 0 : i32
        %dma_start3A_57 = arith.constant 0 : i32
        %dma_start3A_58 = tpu.memref_slice %arg7[%dma_start3A_56, %dma_start3A_57] : memref<10000x16xf32, #tpu.memory_space<vmem_shared>> -> memref<10000x16xf32, #tpu.memory_space<vmem_shared>>
        tpu.enqueue_indirect_dma source(%arg5 : memref<80x16xf32, #tpu.memory_space<vmem>>) target(%dma_start3A_58 : memref<10000x16xf32, #tpu.memory_space<vmem_shared>>) offsets(%dma_start3A_55 : memref<80xi32, #tpu.memory_space<vmem>>) semaphore(%run_scoped3A : memref<!tpu.dma_semaphore, #tpu.memory_space<semaphore_mem>>) {add = true}
        %dma_wait3A_59 = arith.constant 0 : i32
        %dma_wait3A_60 = tpu.memref_slice %arg4[%scan3A_52, %dma_wait3A_59] : memref<125x80xi32, #tpu.memory_space<vmem>> -> memref<1x80xi32, #tpu.memory_space<vmem>>
        %dma_wait3A_61 = tpu.memref_squeeze %dma_wait3A_60 : memref<1x80xi32, #tpu.memory_space<vmem>> -> memref<80xi32, #tpu.memory_space<vmem>>
        %dma_wait3A_62 = arith.constant 0 : i32
        %dma_wait3A_63 = arith.constant 0 : i32
        %dma_wait3A_64 = tpu.memref_slice %arg7[%dma_wait3A_62, %dma_wait3A_63] : memref<10000x16xf32, #tpu.memory_space<vmem_shared>> -> memref<10000x16xf32, #tpu.memory_space<vmem_shared>>
        tpu.wait_indirect_dma semaphore(%run_scoped3A : memref<!tpu.dma_semaphore, #tpu.memory_space<semaphore_mem>>) src(%arg5 : memref<80x16xf32, #tpu.memory_space<vmem>>) dst(%dma_wait3A_64 : memref<10000x16xf32, #tpu.memory_space<vmem_shared>>)
        tpu.yield
      }) : () -> ()
    }
    %scan3A_36 = arith.constant 125 : i32
    %barrier3A_37 = arith.constant 0 : index
    tpu.barrier barrier_id(%barrier3A_37)
    %add3A_38 = arith.constant 0 : i32
    %add3A_39 = arith.addi %arg1, %add3A_38 : i32
    %lt3A_40 = arith.constant 25 : i32
    %lt3A_41 = arith.cmpi slt, %add3A_39, %lt3A_40 : i32
    %convert_element_type3A_42 = arith.extui %lt3A_41 : i1 to i32
    %cond3A_43 = arith.constant 0 : i32
    %cond3A_44 = arith.cmpi ne, %convert_element_type3A_42, %cond3A_43 : i32
    scf.if %cond3A_44 {
      %mul3A_52 = arith.constant 400 : i32
      %mul3A_53 = arith.muli %add3A_39, %mul3A_52 : i32
      %multiple_of3A = tpu.assume_multiple %mul3A_53, 400 : i32
      "tpu.region"() ({
        %run_scoped3A = tpu.sem_alloc : memref<!tpu.dma_semaphore, #tpu.memory_space<semaphore_mem>>
        %dma_start3A_54 = arith.constant 0 : i32
        %dma_start3A_55 = arith.constant 0 : i32
        %dma_start3A_56 = tpu.memref_slice %arg3[%arg0, %dma_start3A_54, %dma_start3A_55] : memref<2x10000x16xf32, #tpu.memory_space<hbm>> -> memref<1x10000x16xf32, #tpu.memory_space<hbm>>
        %dma_start3A_57 = tpu.memref_squeeze %dma_start3A_56 : memref<1x10000x16xf32, #tpu.memory_space<hbm>> -> memref<10000x16xf32, #tpu.memory_space<hbm>>
        %dma_start3A_58 = arith.constant 0 : i32
        %dma_start3A_59 = tpu.memref_slice %dma_start3A_57[%multiple_of3A, %dma_start3A_58] : memref<10000x16xf32, #tpu.memory_space<hbm>> -> memref<400x16xf32, #tpu.memory_space<hbm>>
        %dma_start3A_60 = arith.constant 0 : i32
        %dma_start3A_61 = tpu.memref_slice %arg7[%multiple_of3A, %dma_start3A_60] : memref<10000x16xf32, #tpu.memory_space<vmem_shared>> -> memref<400x16xf32, #tpu.memory_space<vmem_shared>>
        tpu.enqueue_dma source(%dma_start3A_61 : memref<400x16xf32, #tpu.memory_space<vmem_shared>>) target(%dma_start3A_59 : memref<400x16xf32, #tpu.memory_space<hbm>>) target_semaphore(%run_scoped3A : memref<!tpu.dma_semaphore, #tpu.memory_space<semaphore_mem>>)
        %dma_wait3A_62 = arith.constant 0 : i32
        %dma_wait3A_63 = arith.constant 0 : i32
        %dma_wait3A_64 = tpu.memref_slice %arg3[%arg0, %dma_wait3A_62, %dma_wait3A_63] : memref<2x10000x16xf32, #tpu.memory_space<hbm>> -> memref<1x10000x16xf32, #tpu.memory_space<hbm>>
        %dma_wait3A_65 = tpu.memref_squeeze %dma_wait3A_64 : memref<1x10000x16xf32, #tpu.memory_space<hbm>> -> memref<10000x16xf32, #tpu.memory_space<hbm>>
        %dma_wait3A_66 = arith.constant 0 : i32
        %dma_wait3A_67 = tpu.memref_slice %dma_wait3A_65[%multiple_of3A, %dma_wait3A_66] : memref<10000x16xf32, #tpu.memory_space<hbm>> -> memref<400x16xf32, #tpu.memory_space<hbm>>
        %dma_wait3A_68 = arith.constant 0 : i32
        %dma_wait3A_69 = tpu.memref_slice %arg7[%multiple_of3A, %dma_wait3A_68] : memref<10000x16xf32, #tpu.memory_space<vmem_shared>> -> memref<400x16xf32, #tpu.memory_space<vmem_shared>>
        tpu.wait_dma2 semaphore(%run_scoped3A : memref<!tpu.dma_semaphore, #tpu.memory_space<semaphore_mem>>) src(%dma_wait3A_69 : memref<400x16xf32, #tpu.memory_space<vmem_shared>>) dst(%dma_wait3A_67 : memref<400x16xf32, #tpu.memory_space<hbm>>)
        tpu.yield
      }) : () -> ()
    } else {
    }
    %add3A_45 = arith.constant 16 : i32
    %add3A_46 = arith.addi %arg1, %add3A_45 : i32
    %lt3A_47 = arith.constant 25 : i32
    %lt3A_48 = arith.cmpi slt, %add3A_46, %lt3A_47 : i32
    %convert_element_type3A_49 = arith.extui %lt3A_48 : i1 to i32
    %cond3A_50 = arith.constant 0 : i32
    %cond3A_51 = arith.cmpi ne, %convert_element_type3A_49, %cond3A_50 : i32
    scf.if %cond3A_51 {
      %mul3A_52 = arith.constant 400 : i32
      %mul3A_53 = arith.muli %add3A_46, %mul3A_52 : i32
      %multiple_of3A = tpu.assume_multiple %mul3A_53, 400 : i32
      "tpu.region"() ({
        %run_scoped3A = tpu.sem_alloc : memref<!tpu.dma_semaphore, #tpu.memory_space<semaphore_mem>>
        %dma_start3A_54 = arith.constant 0 : i32
        %dma_start3A_55 = arith.constant 0 : i32
        %dma_start3A_56 = tpu.memref_slice %arg3[%arg0, %dma_start3A_54, %dma_start3A_55] : memref<2x10000x16xf32, #tpu.memory_space<hbm>> -> memref<1x10000x16xf32, #tpu.memory_space<hbm>>
        %dma_start3A_57 = tpu.memref_squeeze %dma_start3A_56 : memref<1x10000x16xf32, #tpu.memory_space<hbm>> -> memref<10000x16xf32, #tpu.memory_space<hbm>>
        %dma_start3A_58 = arith.constant 0 : i32
        %dma_start3A_59 = tpu.memref_slice %dma_start3A_57[%multiple_of3A, %dma_start3A_58] : memref<10000x16xf32, #tpu.memory_space<hbm>> -> memref<400x16xf32, #tpu.memory_space<hbm>>
        %dma_start3A_60 = arith.constant 0 : i32
        %dma_start3A_61 = tpu.memref_slice %arg7[%multiple_of3A, %dma_start3A_60] : memref<10000x16xf32, #tpu.memory_space<vmem_shared>> -> memref<400x16xf32, #tpu.memory_space<vmem_shared>>
        tpu.enqueue_dma source(%dma_start3A_61 : memref<400x16xf32, #tpu.memory_space<vmem_shared>>) target(%dma_start3A_59 : memref<400x16xf32, #tpu.memory_space<hbm>>) target_semaphore(%run_scoped3A : memref<!tpu.dma_semaphore, #tpu.memory_space<semaphore_mem>>)
        %dma_wait3A_62 = arith.constant 0 : i32
        %dma_wait3A_63 = arith.constant 0 : i32
        %dma_wait3A_64 = tpu.memref_slice %arg3[%arg0, %dma_wait3A_62, %dma_wait3A_63] : memref<2x10000x16xf32, #tpu.memory_space<hbm>> -> memref<1x10000x16xf32, #tpu.memory_space<hbm>>
        %dma_wait3A_65 = tpu.memref_squeeze %dma_wait3A_64 : memref<1x10000x16xf32, #tpu.memory_space<hbm>> -> memref<10000x16xf32, #tpu.memory_space<hbm>>
        %dma_wait3A_66 = arith.constant 0 : i32
        %dma_wait3A_67 = tpu.memref_slice %dma_wait3A_65[%multiple_of3A, %dma_wait3A_66] : memref<10000x16xf32, #tpu.memory_space<hbm>> -> memref<400x16xf32, #tpu.memory_space<hbm>>
        %dma_wait3A_68 = arith.constant 0 : i32
        %dma_wait3A_69 = tpu.memref_slice %arg7[%multiple_of3A, %dma_wait3A_68] : memref<10000x16xf32, #tpu.memory_space<vmem_shared>> -> memref<400x16xf32, #tpu.memory_space<vmem_shared>>
        tpu.wait_dma2 semaphore(%run_scoped3A : memref<!tpu.dma_semaphore, #tpu.memory_space<semaphore_mem>>) src(%dma_wait3A_69 : memref<400x16xf32, #tpu.memory_space<vmem_shared>>) dst(%dma_wait3A_67 : memref<400x16xf32, #tpu.memory_space<hbm>>)
        tpu.yield
      }) : () -> ()
    } else {
    }
    return
  }
}

#map = affine_map<(d0, d1) -> (0, 0)>
#map1 = affine_map<(d0, d1) -> (0, 0, 0)>
module attributes {stable_mosaic.version = 14 : i64} {
  func.func @body(%arg0: i32, %arg1: i32, %arg2: memref<10000x128xf32, #tpu.memory_space<hbm>>, %arg3: memref<4000x80xi32, #tpu.memory_space<hbm>>, %arg4: memref<4000x80xi32, #tpu.memory_space<hbm>>, %arg5: memref<2x10000x128xf32, #tpu.memory_space<hbm>>, %arg6: memref<125x80xi32, #tpu.memory_space<vmem>>, %arg7: memref<125x80xi32, #tpu.memory_space<vmem>>, %arg8: memref<80x128xf32, #tpu.memory_space<vmem>>, %arg9: memref<80x128xf32, #tpu.memory_space<vmem>>, %arg10: memref<80x128xf32, #tpu.memory_space<vmem>>, %arg11: memref<10000x128xf32, #tpu.memory_space<vmem_shared>>, %arg12: memref<!tpu.dma_semaphore, #tpu.memory_space<semaphore_mem>>, %arg13: memref<!tpu.dma_semaphore, #tpu.memory_space<semaphore_mem>>, %arg14: memref<!tpu.dma_semaphore, #tpu.memory_space<semaphore_mem>>, %arg15: memref<!tpu.dma_semaphore, #tpu.memory_space<semaphore_mem>>, %arg16: memref<!tpu.dma_semaphore, #tpu.memory_space<semaphore_mem>>) attributes {dimension_semantics = [#tpu.dimension_semantics<core_parallel>, #tpu.dimension_semantics<subcore_parallel>], iteration_bounds = array<i64: 2, 16>, scalar_prefetch = 0 : i64, scratch_operands = 11 : i64, tpu.core_type = #tpu.core_type<sc_vector_subcore>, window_params = [{transform_indices = #map}, {transform_indices = #map}, {transform_indices = #map}, {transform_indices = #map1}]} {
    %mul3A = arith.constant 16 : i32
    %mul3A_0 = arith.muli %arg0, %mul3A : i32
    %add3A = arith.addi %mul3A_0, %arg1 : i32
    %mul3A_1 = arith.constant 125 : i32
    %mul3A_2 = arith.muli %add3A, %mul3A_1 : i32
    %dma_start3A = arith.constant 0 : i32
    %dma_start3A_3 = tpu.memref_slice %arg3[%mul3A_2, %dma_start3A] : memref<4000x80xi32, #tpu.memory_space<hbm>> -> memref<125x80xi32, #tpu.memory_space<hbm>>
    %dma_start3A_4 = arith.constant 0 : i32
    %dma_start3A_5 = tpu.memref_slice %arg3[%mul3A_2, %dma_start3A_4] : memref<4000x80xi32, #tpu.memory_space<hbm>> -> memref<125x80xi32, #tpu.memory_space<hbm>>
    tpu.enqueue_dma source(%dma_start3A_5 : memref<125x80xi32, #tpu.memory_space<hbm>>) target(%arg6 : memref<125x80xi32, #tpu.memory_space<vmem>>) target_semaphore(%arg16 : memref<!tpu.dma_semaphore, #tpu.memory_space<semaphore_mem>>)
    %mul3A_6 = arith.constant 125 : i32
    %mul3A_7 = arith.muli %add3A, %mul3A_6 : i32
    %dma_start3A_8 = arith.constant 0 : i32
    %dma_start3A_9 = tpu.memref_slice %arg4[%mul3A_7, %dma_start3A_8] : memref<4000x80xi32, #tpu.memory_space<hbm>> -> memref<125x80xi32, #tpu.memory_space<hbm>>
    %dma_start3A_10 = arith.constant 0 : i32
    %dma_start3A_11 = tpu.memref_slice %arg4[%mul3A_7, %dma_start3A_10] : memref<4000x80xi32, #tpu.memory_space<hbm>> -> memref<125x80xi32, #tpu.memory_space<hbm>>
    tpu.enqueue_dma source(%dma_start3A_11 : memref<125x80xi32, #tpu.memory_space<hbm>>) target(%arg7 : memref<125x80xi32, #tpu.memory_space<vmem>>) target_semaphore(%arg16 : memref<!tpu.dma_semaphore, #tpu.memory_space<semaphore_mem>>)
    %scan3A = arith.constant 0 : i32
    %scan3A_12 = arith.constant 0 : i32
    %scan3A_13 = arith.constant 80 : i32
    %scan3A_14 = arith.addi %scan3A_12, %scan3A_13 : i32
    %scan3A_15 = arith.constant 1 : i32
    scf.for %scan3A_169 = %scan3A_12 to %scan3A_14 step %scan3A_15  : i32 {
      %broadcast_in_dim3A = arith.constant 0.000000e+00 : f32
      %broadcast_in_dim3A_170 = vector.broadcast %broadcast_in_dim3A : f32 to vector<16xf32>
      %swap3A = arith.index_cast %scan3A_169 : i32 to index
      %swap3A_171 = arith.constant 0 : index
      %swap3A_172 = tpu.vector_load %arg8[%swap3A, %swap3A_171] {strides = array<i32>} : memref<80x128xf32, #tpu.memory_space<vmem>>, vector<1x16xf32>,
      %swap3A_173 = vector.shape_cast %swap3A_172 : vector<1x16xf32> to vector<16xf32>
      %swap3A_174 = vector.shape_cast %broadcast_in_dim3A_170 : vector<16xf32> to vector<1x16xf32>
      tpu.vector_store %arg8[%swap3A, %swap3A_171], %swap3A_174 {strides = array<i32>} : memref<80x128xf32, #tpu.memory_space<vmem>>, vector<1x16xf32>,
      %broadcast_in_dim3A_175 = arith.constant 0.000000e+00 : f32
      %broadcast_in_dim3A_176 = vector.broadcast %broadcast_in_dim3A_175 : f32 to vector<16xf32>
      %swap3A_177 = arith.index_cast %scan3A_169 : i32 to index
      %swap3A_178 = arith.constant 16 : index
      %swap3A_179 = tpu.vector_load %arg8[%swap3A_177, %swap3A_178] {strides = array<i32>} : memref<80x128xf32, #tpu.memory_space<vmem>>, vector<1x16xf32>,
      %swap3A_180 = vector.shape_cast %swap3A_179 : vector<1x16xf32> to vector<16xf32>
      %swap3A_181 = vector.shape_cast %broadcast_in_dim3A_176 : vector<16xf32> to vector<1x16xf32>
      tpu.vector_store %arg8[%swap3A_177, %swap3A_178], %swap3A_181 {strides = array<i32>} : memref<80x128xf32, #tpu.memory_space<vmem>>, vector<1x16xf32>,
      %broadcast_in_dim3A_182 = arith.constant 0.000000e+00 : f32
      %broadcast_in_dim3A_183 = vector.broadcast %broadcast_in_dim3A_182 : f32 to vector<16xf32>
      %swap3A_184 = arith.index_cast %scan3A_169 : i32 to index
      %swap3A_185 = arith.constant 32 : index
      %swap3A_186 = tpu.vector_load %arg8[%swap3A_184, %swap3A_185] {strides = array<i32>} : memref<80x128xf32, #tpu.memory_space<vmem>>, vector<1x16xf32>,
      %swap3A_187 = vector.shape_cast %swap3A_186 : vector<1x16xf32> to vector<16xf32>
      %swap3A_188 = vector.shape_cast %broadcast_in_dim3A_183 : vector<16xf32> to vector<1x16xf32>
      tpu.vector_store %arg8[%swap3A_184, %swap3A_185], %swap3A_188 {strides = array<i32>} : memref<80x128xf32, #tpu.memory_space<vmem>>, vector<1x16xf32>,
      %broadcast_in_dim3A_189 = arith.constant 0.000000e+00 : f32
      %broadcast_in_dim3A_190 = vector.broadcast %broadcast_in_dim3A_189 : f32 to vector<16xf32>
      %swap3A_191 = arith.index_cast %scan3A_169 : i32 to index
      %swap3A_192 = arith.constant 48 : index
      %swap3A_193 = tpu.vector_load %arg8[%swap3A_191, %swap3A_192] {strides = array<i32>} : memref<80x128xf32, #tpu.memory_space<vmem>>, vector<1x16xf32>,
      %swap3A_194 = vector.shape_cast %swap3A_193 : vector<1x16xf32> to vector<16xf32>
      %swap3A_195 = vector.shape_cast %broadcast_in_dim3A_190 : vector<16xf32> to vector<1x16xf32>
      tpu.vector_store %arg8[%swap3A_191, %swap3A_192], %swap3A_195 {strides = array<i32>} : memref<80x128xf32, #tpu.memory_space<vmem>>, vector<1x16xf32>,
      %broadcast_in_dim3A_196 = arith.constant 0.000000e+00 : f32
      %broadcast_in_dim3A_197 = vector.broadcast %broadcast_in_dim3A_196 : f32 to vector<16xf32>
      %swap3A_198 = arith.index_cast %scan3A_169 : i32 to index
      %swap3A_199 = arith.constant 64 : index
      %swap3A_200 = tpu.vector_load %arg8[%swap3A_198, %swap3A_199] {strides = array<i32>} : memref<80x128xf32, #tpu.memory_space<vmem>>, vector<1x16xf32>,
      %swap3A_201 = vector.shape_cast %swap3A_200 : vector<1x16xf32> to vector<16xf32>
      %swap3A_202 = vector.shape_cast %broadcast_in_dim3A_197 : vector<16xf32> to vector<1x16xf32>
      tpu.vector_store %arg8[%swap3A_198, %swap3A_199], %swap3A_202 {strides = array<i32>} : memref<80x128xf32, #tpu.memory_space<vmem>>, vector<1x16xf32>,
      %broadcast_in_dim3A_203 = arith.constant 0.000000e+00 : f32
      %broadcast_in_dim3A_204 = vector.broadcast %broadcast_in_dim3A_203 : f32 to vector<16xf32>
      %swap3A_205 = arith.index_cast %scan3A_169 : i32 to index
      %swap3A_206 = arith.constant 80 : index
      %swap3A_207 = tpu.vector_load %arg8[%swap3A_205, %swap3A_206] {strides = array<i32>} : memref<80x128xf32, #tpu.memory_space<vmem>>, vector<1x16xf32>,
      %swap3A_208 = vector.shape_cast %swap3A_207 : vector<1x16xf32> to vector<16xf32>
      %swap3A_209 = vector.shape_cast %broadcast_in_dim3A_204 : vector<16xf32> to vector<1x16xf32>
      tpu.vector_store %arg8[%swap3A_205, %swap3A_206], %swap3A_209 {strides = array<i32>} : memref<80x128xf32, #tpu.memory_space<vmem>>, vector<1x16xf32>,
      %broadcast_in_dim3A_210 = arith.constant 0.000000e+00 : f32
      %broadcast_in_dim3A_211 = vector.broadcast %broadcast_in_dim3A_210 : f32 to vector<16xf32>
      %swap3A_212 = arith.index_cast %scan3A_169 : i32 to index
      %swap3A_213 = arith.constant 96 : index
      %swap3A_214 = tpu.vector_load %arg8[%swap3A_212, %swap3A_213] {strides = array<i32>} : memref<80x128xf32, #tpu.memory_space<vmem>>, vector<1x16xf32>,
      %swap3A_215 = vector.shape_cast %swap3A_214 : vector<1x16xf32> to vector<16xf32>
      %swap3A_216 = vector.shape_cast %broadcast_in_dim3A_211 : vector<16xf32> to vector<1x16xf32>
      tpu.vector_store %arg8[%swap3A_212, %swap3A_213], %swap3A_216 {strides = array<i32>} : memref<80x128xf32, #tpu.memory_space<vmem>>, vector<1x16xf32>,
      %broadcast_in_dim3A_217 = arith.constant 0.000000e+00 : f32
      %broadcast_in_dim3A_218 = vector.broadcast %broadcast_in_dim3A_217 : f32 to vector<16xf32>
      %swap3A_219 = arith.index_cast %scan3A_169 : i32 to index
      %swap3A_220 = arith.constant 112 : index
      %swap3A_221 = tpu.vector_load %arg8[%swap3A_219, %swap3A_220] {strides = array<i32>} : memref<80x128xf32, #tpu.memory_space<vmem>>, vector<1x16xf32>,
      %swap3A_222 = vector.shape_cast %swap3A_221 : vector<1x16xf32> to vector<16xf32>
      %swap3A_223 = vector.shape_cast %broadcast_in_dim3A_218 : vector<16xf32> to vector<1x16xf32>
      tpu.vector_store %arg8[%swap3A_219, %swap3A_220], %swap3A_223 {strides = array<i32>} : memref<80x128xf32, #tpu.memory_space<vmem>>, vector<1x16xf32>,
    }
    %scan3A_16 = arith.constant 80 : i32
    %add3A_17 = arith.constant 0 : i32
    %add3A_18 = arith.addi %arg1, %add3A_17 : i32
    %lt3A = arith.constant 125 : i32
    %lt3A_19 = arith.cmpi slt, %add3A_18, %lt3A : i32
    %convert_element_type3A = arith.extui %lt3A_19 : i1 to i32
    %cond3A = arith.constant 0 : i32
    %cond3A_20 = arith.cmpi ne, %convert_element_type3A, %cond3A : i32
    scf.if %cond3A_20 {
      %mul3A_169 = arith.constant 80 : i32
      %mul3A_170 = arith.muli %add3A_18, %mul3A_169 : i32
      %multiple_of3A = tpu.assume_multiple %mul3A_170, 80 : i32
      "tpu.region"() ({
        %run_scoped3A_171 = tpu.sem_alloc : memref<!tpu.dma_semaphore, #tpu.memory_space<semaphore_mem>>
        %dma_start3A_172 = arith.constant 0 : i32
        %dma_start3A_173 = tpu.memref_slice %arg11[%multiple_of3A, %dma_start3A_172] : memref<10000x128xf32, #tpu.memory_space<vmem_shared>> -> memref<80x128xf32, #tpu.memory_space<vmem_shared>>
        %dma_start3A_174 = arith.constant 0 : i32
        %dma_start3A_175 = tpu.memref_slice %arg11[%multiple_of3A, %dma_start3A_174] : memref<10000x128xf32, #tpu.memory_space<vmem_shared>> -> memref<80x128xf32, #tpu.memory_space<vmem_shared>>
        tpu.enqueue_dma source(%arg8 : memref<80x128xf32, #tpu.memory_space<vmem>>) target(%dma_start3A_175 : memref<80x128xf32, #tpu.memory_space<vmem_shared>>) target_semaphore(%run_scoped3A_171 : memref<!tpu.dma_semaphore, #tpu.memory_space<semaphore_mem>>)
        %dma_wait3A_176 = arith.constant 0 : i32
        %dma_wait3A_177 = tpu.memref_slice %arg11[%multiple_of3A, %dma_wait3A_176] : memref<10000x128xf32, #tpu.memory_space<vmem_shared>> -> memref<80x128xf32, #tpu.memory_space<vmem_shared>>
        %dma_wait3A_178 = arith.constant 0 : i32
        %dma_wait3A_179 = tpu.memref_slice %arg11[%multiple_of3A, %dma_wait3A_178] : memref<10000x128xf32, #tpu.memory_space<vmem_shared>> -> memref<80x128xf32, #tpu.memory_space<vmem_shared>>
        tpu.wait_dma2 semaphore(%run_scoped3A_171 : memref<!tpu.dma_semaphore, #tpu.memory_space<semaphore_mem>>) src(%arg8 : memref<80x128xf32, #tpu.memory_space<vmem>>) dst(%dma_wait3A_179 : memref<80x128xf32, #tpu.memory_space<vmem_shared>>)
        tpu.yield
      }) : () -> ()
    } else {
    }
    %add3A_21 = arith.constant 16 : i32
    %add3A_22 = arith.addi %arg1, %add3A_21 : i32
    %lt3A_23 = arith.constant 125 : i32
    %lt3A_24 = arith.cmpi slt, %add3A_22, %lt3A_23 : i32
    %convert_element_type3A_25 = arith.extui %lt3A_24 : i1 to i32
    %cond3A_26 = arith.constant 0 : i32
    %cond3A_27 = arith.cmpi ne, %convert_element_type3A_25, %cond3A_26 : i32
    scf.if %cond3A_27 {
      %mul3A_169 = arith.constant 80 : i32
      %mul3A_170 = arith.muli %add3A_22, %mul3A_169 : i32
      %multiple_of3A = tpu.assume_multiple %mul3A_170, 80 : i32
      "tpu.region"() ({
        %run_scoped3A_171 = tpu.sem_alloc : memref<!tpu.dma_semaphore, #tpu.memory_space<semaphore_mem>>
        %dma_start3A_172 = arith.constant 0 : i32
        %dma_start3A_173 = tpu.memref_slice %arg11[%multiple_of3A, %dma_start3A_172] : memref<10000x128xf32, #tpu.memory_space<vmem_shared>> -> memref<80x128xf32, #tpu.memory_space<vmem_shared>>
        %dma_start3A_174 = arith.constant 0 : i32
        %dma_start3A_175 = tpu.memref_slice %arg11[%multiple_of3A, %dma_start3A_174] : memref<10000x128xf32, #tpu.memory_space<vmem_shared>> -> memref<80x128xf32, #tpu.memory_space<vmem_shared>>
        tpu.enqueue_dma source(%arg8 : memref<80x128xf32, #tpu.memory_space<vmem>>) target(%dma_start3A_175 : memref<80x128xf32, #tpu.memory_space<vmem_shared>>) target_semaphore(%run_scoped3A_171 : memref<!tpu.dma_semaphore, #tpu.memory_space<semaphore_mem>>)
        %dma_wait3A_176 = arith.constant 0 : i32
        %dma_wait3A_177 = tpu.memref_slice %arg11[%multiple_of3A, %dma_wait3A_176] : memref<10000x128xf32, #tpu.memory_space<vmem_shared>> -> memref<80x128xf32, #tpu.memory_space<vmem_shared>>
        %dma_wait3A_178 = arith.constant 0 : i32
        %dma_wait3A_179 = tpu.memref_slice %arg11[%multiple_of3A, %dma_wait3A_178] : memref<10000x128xf32, #tpu.memory_space<vmem_shared>> -> memref<80x128xf32, #tpu.memory_space<vmem_shared>>
        tpu.wait_dma2 semaphore(%run_scoped3A_171 : memref<!tpu.dma_semaphore, #tpu.memory_space<semaphore_mem>>) src(%arg8 : memref<80x128xf32, #tpu.memory_space<vmem>>) dst(%dma_wait3A_179 : memref<80x128xf32, #tpu.memory_space<vmem_shared>>)
        tpu.yield
      }) : () -> ()
    } else {
    }
    %add3A_28 = arith.constant 32 : i32
    %add3A_29 = arith.addi %arg1, %add3A_28 : i32
    %lt3A_30 = arith.constant 125 : i32
    %lt3A_31 = arith.cmpi slt, %add3A_29, %lt3A_30 : i32
    %convert_element_type3A_32 = arith.extui %lt3A_31 : i1 to i32
    %cond3A_33 = arith.constant 0 : i32
    %cond3A_34 = arith.cmpi ne, %convert_element_type3A_32, %cond3A_33 : i32
    scf.if %cond3A_34 {
      %mul3A_169 = arith.constant 80 : i32
      %mul3A_170 = arith.muli %add3A_29, %mul3A_169 : i32
      %multiple_of3A = tpu.assume_multiple %mul3A_170, 80 : i32
      "tpu.region"() ({
        %run_scoped3A_171 = tpu.sem_alloc : memref<!tpu.dma_semaphore, #tpu.memory_space<semaphore_mem>>
        %dma_start3A_172 = arith.constant 0 : i32
        %dma_start3A_173 = tpu.memref_slice %arg11[%multiple_of3A, %dma_start3A_172] : memref<10000x128xf32, #tpu.memory_space<vmem_shared>> -> memref<80x128xf32, #tpu.memory_space<vmem_shared>>
        %dma_start3A_174 = arith.constant 0 : i32
        %dma_start3A_175 = tpu.memref_slice %arg11[%multiple_of3A, %dma_start3A_174] : memref<10000x128xf32, #tpu.memory_space<vmem_shared>> -> memref<80x128xf32, #tpu.memory_space<vmem_shared>>
        tpu.enqueue_dma source(%arg8 : memref<80x128xf32, #tpu.memory_space<vmem>>) target(%dma_start3A_175 : memref<80x128xf32, #tpu.memory_space<vmem_shared>>) target_semaphore(%run_scoped3A_171 : memref<!tpu.dma_semaphore, #tpu.memory_space<semaphore_mem>>)
        %dma_wait3A_176 = arith.constant 0 : i32
        %dma_wait3A_177 = tpu.memref_slice %arg11[%multiple_of3A, %dma_wait3A_176] : memref<10000x128xf32, #tpu.memory_space<vmem_shared>> -> memref<80x128xf32, #tpu.memory_space<vmem_shared>>
        %dma_wait3A_178 = arith.constant 0 : i32
        %dma_wait3A_179 = tpu.memref_slice %arg11[%multiple_of3A, %dma_wait3A_178] : memref<10000x128xf32, #tpu.memory_space<vmem_shared>> -> memref<80x128xf32, #tpu.memory_space<vmem_shared>>
        tpu.wait_dma2 semaphore(%run_scoped3A_171 : memref<!tpu.dma_semaphore, #tpu.memory_space<semaphore_mem>>) src(%arg8 : memref<80x128xf32, #tpu.memory_space<vmem>>) dst(%dma_wait3A_179 : memref<80x128xf32, #tpu.memory_space<vmem_shared>>)
        tpu.yield
      }) : () -> ()
    } else {
    }
    %add3A_35 = arith.constant 48 : i32
    %add3A_36 = arith.addi %arg1, %add3A_35 : i32
    %lt3A_37 = arith.constant 125 : i32
    %lt3A_38 = arith.cmpi slt, %add3A_36, %lt3A_37 : i32
    %convert_element_type3A_39 = arith.extui %lt3A_38 : i1 to i32
    %cond3A_40 = arith.constant 0 : i32
    %cond3A_41 = arith.cmpi ne, %convert_element_type3A_39, %cond3A_40 : i32
    scf.if %cond3A_41 {
      %mul3A_169 = arith.constant 80 : i32
      %mul3A_170 = arith.muli %add3A_36, %mul3A_169 : i32
      %multiple_of3A = tpu.assume_multiple %mul3A_170, 80 : i32
      "tpu.region"() ({
        %run_scoped3A_171 = tpu.sem_alloc : memref<!tpu.dma_semaphore, #tpu.memory_space<semaphore_mem>>
        %dma_start3A_172 = arith.constant 0 : i32
        %dma_start3A_173 = tpu.memref_slice %arg11[%multiple_of3A, %dma_start3A_172] : memref<10000x128xf32, #tpu.memory_space<vmem_shared>> -> memref<80x128xf32, #tpu.memory_space<vmem_shared>>
        %dma_start3A_174 = arith.constant 0 : i32
        %dma_start3A_175 = tpu.memref_slice %arg11[%multiple_of3A, %dma_start3A_174] : memref<10000x128xf32, #tpu.memory_space<vmem_shared>> -> memref<80x128xf32, #tpu.memory_space<vmem_shared>>
        tpu.enqueue_dma source(%arg8 : memref<80x128xf32, #tpu.memory_space<vmem>>) target(%dma_start3A_175 : memref<80x128xf32, #tpu.memory_space<vmem_shared>>) target_semaphore(%run_scoped3A_171 : memref<!tpu.dma_semaphore, #tpu.memory_space<semaphore_mem>>)
        %dma_wait3A_176 = arith.constant 0 : i32
        %dma_wait3A_177 = tpu.memref_slice %arg11[%multiple_of3A, %dma_wait3A_176] : memref<10000x128xf32, #tpu.memory_space<vmem_shared>> -> memref<80x128xf32, #tpu.memory_space<vmem_shared>>
        %dma_wait3A_178 = arith.constant 0 : i32
        %dma_wait3A_179 = tpu.memref_slice %arg11[%multiple_of3A, %dma_wait3A_178] : memref<10000x128xf32, #tpu.memory_space<vmem_shared>> -> memref<80x128xf32, #tpu.memory_space<vmem_shared>>
        tpu.wait_dma2 semaphore(%run_scoped3A_171 : memref<!tpu.dma_semaphore, #tpu.memory_space<semaphore_mem>>) src(%arg8 : memref<80x128xf32, #tpu.memory_space<vmem>>) dst(%dma_wait3A_179 : memref<80x128xf32, #tpu.memory_space<vmem_shared>>)
        tpu.yield
      }) : () -> ()
    } else {
    }
    %add3A_42 = arith.constant 64 : i32
    %add3A_43 = arith.addi %arg1, %add3A_42 : i32
    %lt3A_44 = arith.constant 125 : i32
    %lt3A_45 = arith.cmpi slt, %add3A_43, %lt3A_44 : i32
    %convert_element_type3A_46 = arith.extui %lt3A_45 : i1 to i32
    %cond3A_47 = arith.constant 0 : i32
    %cond3A_48 = arith.cmpi ne, %convert_element_type3A_46, %cond3A_47 : i32
    scf.if %cond3A_48 {
      %mul3A_169 = arith.constant 80 : i32
      %mul3A_170 = arith.muli %add3A_43, %mul3A_169 : i32
      %multiple_of3A = tpu.assume_multiple %mul3A_170, 80 : i32
      "tpu.region"() ({
        %run_scoped3A_171 = tpu.sem_alloc : memref<!tpu.dma_semaphore, #tpu.memory_space<semaphore_mem>>
        %dma_start3A_172 = arith.constant 0 : i32
        %dma_start3A_173 = tpu.memref_slice %arg11[%multiple_of3A, %dma_start3A_172] : memref<10000x128xf32, #tpu.memory_space<vmem_shared>> -> memref<80x128xf32, #tpu.memory_space<vmem_shared>>
        %dma_start3A_174 = arith.constant 0 : i32
        %dma_start3A_175 = tpu.memref_slice %arg11[%multiple_of3A, %dma_start3A_174] : memref<10000x128xf32, #tpu.memory_space<vmem_shared>> -> memref<80x128xf32, #tpu.memory_space<vmem_shared>>
        tpu.enqueue_dma source(%arg8 : memref<80x128xf32, #tpu.memory_space<vmem>>) target(%dma_start3A_175 : memref<80x128xf32, #tpu.memory_space<vmem_shared>>) target_semaphore(%run_scoped3A_171 : memref<!tpu.dma_semaphore, #tpu.memory_space<semaphore_mem>>)
        %dma_wait3A_176 = arith.constant 0 : i32
        %dma_wait3A_177 = tpu.memref_slice %arg11[%multiple_of3A, %dma_wait3A_176] : memref<10000x128xf32, #tpu.memory_space<vmem_shared>> -> memref<80x128xf32, #tpu.memory_space<vmem_shared>>
        %dma_wait3A_178 = arith.constant 0 : i32
        %dma_wait3A_179 = tpu.memref_slice %arg11[%multiple_of3A, %dma_wait3A_178] : memref<10000x128xf32, #tpu.memory_space<vmem_shared>> -> memref<80x128xf32, #tpu.memory_space<vmem_shared>>
        tpu.wait_dma2 semaphore(%run_scoped3A_171 : memref<!tpu.dma_semaphore, #tpu.memory_space<semaphore_mem>>) src(%arg8 : memref<80x128xf32, #tpu.memory_space<vmem>>) dst(%dma_wait3A_179 : memref<80x128xf32, #tpu.memory_space<vmem_shared>>)
        tpu.yield
      }) : () -> ()
    } else {
    }
    %add3A_49 = arith.constant 80 : i32
    %add3A_50 = arith.addi %arg1, %add3A_49 : i32
    %lt3A_51 = arith.constant 125 : i32
    %lt3A_52 = arith.cmpi slt, %add3A_50, %lt3A_51 : i32
    %convert_element_type3A_53 = arith.extui %lt3A_52 : i1 to i32
    %cond3A_54 = arith.constant 0 : i32
    %cond3A_55 = arith.cmpi ne, %convert_element_type3A_53, %cond3A_54 : i32
    scf.if %cond3A_55 {
      %mul3A_169 = arith.constant 80 : i32
      %mul3A_170 = arith.muli %add3A_50, %mul3A_169 : i32
      %multiple_of3A = tpu.assume_multiple %mul3A_170, 80 : i32
      "tpu.region"() ({
        %run_scoped3A_171 = tpu.sem_alloc : memref<!tpu.dma_semaphore, #tpu.memory_space<semaphore_mem>>
        %dma_start3A_172 = arith.constant 0 : i32
        %dma_start3A_173 = tpu.memref_slice %arg11[%multiple_of3A, %dma_start3A_172] : memref<10000x128xf32, #tpu.memory_space<vmem_shared>> -> memref<80x128xf32, #tpu.memory_space<vmem_shared>>
        %dma_start3A_174 = arith.constant 0 : i32
        %dma_start3A_175 = tpu.memref_slice %arg11[%multiple_of3A, %dma_start3A_174] : memref<10000x128xf32, #tpu.memory_space<vmem_shared>> -> memref<80x128xf32, #tpu.memory_space<vmem_shared>>
        tpu.enqueue_dma source(%arg8 : memref<80x128xf32, #tpu.memory_space<vmem>>) target(%dma_start3A_175 : memref<80x128xf32, #tpu.memory_space<vmem_shared>>) target_semaphore(%run_scoped3A_171 : memref<!tpu.dma_semaphore, #tpu.memory_space<semaphore_mem>>)
        %dma_wait3A_176 = arith.constant 0 : i32
        %dma_wait3A_177 = tpu.memref_slice %arg11[%multiple_of3A, %dma_wait3A_176] : memref<10000x128xf32, #tpu.memory_space<vmem_shared>> -> memref<80x128xf32, #tpu.memory_space<vmem_shared>>
        %dma_wait3A_178 = arith.constant 0 : i32
        %dma_wait3A_179 = tpu.memref_slice %arg11[%multiple_of3A, %dma_wait3A_178] : memref<10000x128xf32, #tpu.memory_space<vmem_shared>> -> memref<80x128xf32, #tpu.memory_space<vmem_shared>>
        tpu.wait_dma2 semaphore(%run_scoped3A_171 : memref<!tpu.dma_semaphore, #tpu.memory_space<semaphore_mem>>) src(%arg8 : memref<80x128xf32, #tpu.memory_space<vmem>>) dst(%dma_wait3A_179 : memref<80x128xf32, #tpu.memory_space<vmem_shared>>)
        tpu.yield
      }) : () -> ()
    } else {
    }
    %add3A_56 = arith.constant 96 : i32
    %add3A_57 = arith.addi %arg1, %add3A_56 : i32
    %lt3A_58 = arith.constant 125 : i32
    %lt3A_59 = arith.cmpi slt, %add3A_57, %lt3A_58 : i32
    %convert_element_type3A_60 = arith.extui %lt3A_59 : i1 to i32
    %cond3A_61 = arith.constant 0 : i32
    %cond3A_62 = arith.cmpi ne, %convert_element_type3A_60, %cond3A_61 : i32
    scf.if %cond3A_62 {
      %mul3A_169 = arith.constant 80 : i32
      %mul3A_170 = arith.muli %add3A_57, %mul3A_169 : i32
      %multiple_of3A = tpu.assume_multiple %mul3A_170, 80 : i32
      "tpu.region"() ({
        %run_scoped3A_171 = tpu.sem_alloc : memref<!tpu.dma_semaphore, #tpu.memory_space<semaphore_mem>>
        %dma_start3A_172 = arith.constant 0 : i32
        %dma_start3A_173 = tpu.memref_slice %arg11[%multiple_of3A, %dma_start3A_172] : memref<10000x128xf32, #tpu.memory_space<vmem_shared>> -> memref<80x128xf32, #tpu.memory_space<vmem_shared>>
        %dma_start3A_174 = arith.constant 0 : i32
        %dma_start3A_175 = tpu.memref_slice %arg11[%multiple_of3A, %dma_start3A_174] : memref<10000x128xf32, #tpu.memory_space<vmem_shared>> -> memref<80x128xf32, #tpu.memory_space<vmem_shared>>
        tpu.enqueue_dma source(%arg8 : memref<80x128xf32, #tpu.memory_space<vmem>>) target(%dma_start3A_175 : memref<80x128xf32, #tpu.memory_space<vmem_shared>>) target_semaphore(%run_scoped3A_171 : memref<!tpu.dma_semaphore, #tpu.memory_space<semaphore_mem>>)
        %dma_wait3A_176 = arith.constant 0 : i32
        %dma_wait3A_177 = tpu.memref_slice %arg11[%multiple_of3A, %dma_wait3A_176] : memref<10000x128xf32, #tpu.memory_space<vmem_shared>> -> memref<80x128xf32, #tpu.memory_space<vmem_shared>>
        %dma_wait3A_178 = arith.constant 0 : i32
        %dma_wait3A_179 = tpu.memref_slice %arg11[%multiple_of3A, %dma_wait3A_178] : memref<10000x128xf32, #tpu.memory_space<vmem_shared>> -> memref<80x128xf32, #tpu.memory_space<vmem_shared>>
        tpu.wait_dma2 semaphore(%run_scoped3A_171 : memref<!tpu.dma_semaphore, #tpu.memory_space<semaphore_mem>>) src(%arg8 : memref<80x128xf32, #tpu.memory_space<vmem>>) dst(%dma_wait3A_179 : memref<80x128xf32, #tpu.memory_space<vmem_shared>>)
        tpu.yield
      }) : () -> ()
    } else {
    }
    %add3A_63 = arith.constant 112 : i32
    %add3A_64 = arith.addi %arg1, %add3A_63 : i32
    %lt3A_65 = arith.constant 125 : i32
    %lt3A_66 = arith.cmpi slt, %add3A_64, %lt3A_65 : i32
    %convert_element_type3A_67 = arith.extui %lt3A_66 : i1 to i32
    %cond3A_68 = arith.constant 0 : i32
    %cond3A_69 = arith.cmpi ne, %convert_element_type3A_67, %cond3A_68 : i32
    scf.if %cond3A_69 {
      %mul3A_169 = arith.constant 80 : i32
      %mul3A_170 = arith.muli %add3A_64, %mul3A_169 : i32
      %multiple_of3A = tpu.assume_multiple %mul3A_170, 80 : i32
      "tpu.region"() ({
        %run_scoped3A_171 = tpu.sem_alloc : memref<!tpu.dma_semaphore, #tpu.memory_space<semaphore_mem>>
        %dma_start3A_172 = arith.constant 0 : i32
        %dma_start3A_173 = tpu.memref_slice %arg11[%multiple_of3A, %dma_start3A_172] : memref<10000x128xf32, #tpu.memory_space<vmem_shared>> -> memref<80x128xf32, #tpu.memory_space<vmem_shared>>
        %dma_start3A_174 = arith.constant 0 : i32
        %dma_start3A_175 = tpu.memref_slice %arg11[%multiple_of3A, %dma_start3A_174] : memref<10000x128xf32, #tpu.memory_space<vmem_shared>> -> memref<80x128xf32, #tpu.memory_space<vmem_shared>>
        tpu.enqueue_dma source(%arg8 : memref<80x128xf32, #tpu.memory_space<vmem>>) target(%dma_start3A_175 : memref<80x128xf32, #tpu.memory_space<vmem_shared>>) target_semaphore(%run_scoped3A_171 : memref<!tpu.dma_semaphore, #tpu.memory_space<semaphore_mem>>)
        %dma_wait3A_176 = arith.constant 0 : i32
        %dma_wait3A_177 = tpu.memref_slice %arg11[%multiple_of3A, %dma_wait3A_176] : memref<10000x128xf32, #tpu.memory_space<vmem_shared>> -> memref<80x128xf32, #tpu.memory_space<vmem_shared>>
        %dma_wait3A_178 = arith.constant 0 : i32
        %dma_wait3A_179 = tpu.memref_slice %arg11[%multiple_of3A, %dma_wait3A_178] : memref<10000x128xf32, #tpu.memory_space<vmem_shared>> -> memref<80x128xf32, #tpu.memory_space<vmem_shared>>
        tpu.wait_dma2 semaphore(%run_scoped3A_171 : memref<!tpu.dma_semaphore, #tpu.memory_space<semaphore_mem>>) src(%arg8 : memref<80x128xf32, #tpu.memory_space<vmem>>) dst(%dma_wait3A_179 : memref<80x128xf32, #tpu.memory_space<vmem_shared>>)
        tpu.yield
      }) : () -> ()
    } else {
    }
    %dma_wait3A = arith.constant 0 : i32
    %dma_wait3A_70 = tpu.memref_slice %arg3[%mul3A_2, %dma_wait3A] : memref<4000x80xi32, #tpu.memory_space<hbm>> -> memref<125x80xi32, #tpu.memory_space<hbm>>
    %dma_wait3A_71 = arith.constant 0 : i32
    %dma_wait3A_72 = tpu.memref_slice %arg3[%mul3A_2, %dma_wait3A_71] : memref<4000x80xi32, #tpu.memory_space<hbm>> -> memref<125x80xi32, #tpu.memory_space<hbm>>
    tpu.wait_dma2 semaphore(%arg16 : memref<!tpu.dma_semaphore, #tpu.memory_space<semaphore_mem>>) src(%dma_wait3A_72 : memref<125x80xi32, #tpu.memory_space<hbm>>) dst(%arg6 : memref<125x80xi32, #tpu.memory_space<vmem>>)
    %dma_wait3A_73 = arith.constant 0 : i32
    %dma_wait3A_74 = tpu.memref_slice %arg4[%mul3A_7, %dma_wait3A_73] : memref<4000x80xi32, #tpu.memory_space<hbm>> -> memref<125x80xi32, #tpu.memory_space<hbm>>
    %dma_wait3A_75 = arith.constant 0 : i32
    %dma_wait3A_76 = tpu.memref_slice %arg4[%mul3A_7, %dma_wait3A_75] : memref<4000x80xi32, #tpu.memory_space<hbm>> -> memref<125x80xi32, #tpu.memory_space<hbm>>
    tpu.wait_dma2 semaphore(%arg16 : memref<!tpu.dma_semaphore, #tpu.memory_space<semaphore_mem>>) src(%dma_wait3A_76 : memref<125x80xi32, #tpu.memory_space<hbm>>) dst(%arg7 : memref<125x80xi32, #tpu.memory_space<vmem>>)
    %barrier3A = arith.constant 0 : index
    tpu.barrier barrier_id(%barrier3A)
    %dma_start3A_77 = arith.constant 0 : i32
    %dma_start3A_78 = arith.constant 0 : i32
    %dma_start3A_79 = tpu.memref_slice %arg6[%dma_start3A_77, %dma_start3A_78] : memref<125x80xi32, #tpu.memory_space<vmem>> -> memref<1x80xi32, #tpu.memory_space<vmem>>
    %dma_start3A_80 = tpu.memref_squeeze %dma_start3A_79 : memref<1x80xi32, #tpu.memory_space<vmem>> -> memref<80xi32, #tpu.memory_space<vmem>>
    %dma_start3A_81 = arith.constant 0 : i32
    %dma_start3A_82 = arith.constant 0 : i32
    %dma_start3A_83 = tpu.memref_slice %arg2[%dma_start3A_81, %dma_start3A_82] : memref<10000x128xf32, #tpu.memory_space<hbm>> -> memref<10000x128xf32, #tpu.memory_space<hbm>>
    tpu.enqueue_indirect_dma source(%dma_start3A_83 : memref<10000x128xf32, #tpu.memory_space<hbm>>) target(%arg8 : memref<80x128xf32, #tpu.memory_space<vmem>>) offsets(%dma_start3A_80 : memref<80xi32, #tpu.memory_space<vmem>>) semaphore(%arg12 : memref<!tpu.dma_semaphore, #tpu.memory_space<semaphore_mem>>)
    %dma_start3A_84 = arith.constant 1 : i32
    %dma_start3A_85 = arith.constant 0 : i32
    %dma_start3A_86 = tpu.memref_slice %arg6[%dma_start3A_84, %dma_start3A_85] : memref<125x80xi32, #tpu.memory_space<vmem>> -> memref<1x80xi32, #tpu.memory_space<vmem>>
    %dma_start3A_87 = tpu.memref_squeeze %dma_start3A_86 : memref<1x80xi32, #tpu.memory_space<vmem>> -> memref<80xi32, #tpu.memory_space<vmem>>
    %dma_start3A_88 = arith.constant 0 : i32
    %dma_start3A_89 = arith.constant 0 : i32
    %dma_start3A_90 = tpu.memref_slice %arg2[%dma_start3A_88, %dma_start3A_89] : memref<10000x128xf32, #tpu.memory_space<hbm>> -> memref<10000x128xf32, #tpu.memory_space<hbm>>
    tpu.enqueue_indirect_dma source(%dma_start3A_90 : memref<10000x128xf32, #tpu.memory_space<hbm>>) target(%arg9 : memref<80x128xf32, #tpu.memory_space<vmem>>) offsets(%dma_start3A_87 : memref<80xi32, #tpu.memory_space<vmem>>) semaphore(%arg13 : memref<!tpu.dma_semaphore, #tpu.memory_space<semaphore_mem>>)
    %scan3A_91 = arith.constant 0 : i32
    %scan3A_92 = arith.constant 0 : i32
    %scan3A_93 = arith.constant 41 : i32
    %scan3A_94 = arith.addi %scan3A_92, %scan3A_93 : i32
    %scan3A_95 = arith.constant 1 : i32
    scf.for %scan3A_169 = %scan3A_92 to %scan3A_94 step %scan3A_95  : i32 {
      %mul3A_170 = arith.constant 3 : i32
      %mul3A_171 = arith.muli %scan3A_169, %mul3A_170 : i32
      %add3A_172 = arith.constant 0 : i32
      %add3A_173 = arith.addi %mul3A_171, %add3A_172 : i32
      %add3A_174 = arith.constant 3 : i32
      %add3A_175 = arith.addi %add3A_173, %add3A_174 : i32
      %sub3A = arith.constant 1 : i32
      %sub3A_176 = arith.subi %add3A_175, %sub3A : i32
      %lt3A_177 = arith.constant 125 : i32
      %lt3A_178 = arith.cmpi slt, %sub3A_176, %lt3A_177 : i32
      %convert_element_type3A_179 = arith.extui %lt3A_178 : i1 to i32
      %cond3A_180 = arith.constant 0 : i32
      %cond3A_181 = arith.cmpi ne, %convert_element_type3A_179, %cond3A_180 : i32
      scf.if %cond3A_181 {
        %add3A_262 = arith.constant 3 : i32
        %add3A_263 = arith.addi %add3A_173, %add3A_262 : i32
        %sub3A_264 = arith.constant 1 : i32
        %sub3A_265 = arith.subi %add3A_263, %sub3A_264 : i32
        %dma_start3A_266 = arith.constant 0 : i32
        %dma_start3A_267 = tpu.memref_slice %arg6[%sub3A_265, %dma_start3A_266] : memref<125x80xi32, #tpu.memory_space<vmem>> -> memref<1x80xi32, #tpu.memory_space<vmem>>
        %dma_start3A_268 = tpu.memref_squeeze %dma_start3A_267 : memref<1x80xi32, #tpu.memory_space<vmem>> -> memref<80xi32, #tpu.memory_space<vmem>>
        %dma_start3A_269 = arith.constant 0 : i32
        %dma_start3A_270 = arith.constant 0 : i32
        %dma_start3A_271 = tpu.memref_slice %arg2[%dma_start3A_269, %dma_start3A_270] : memref<10000x128xf32, #tpu.memory_space<hbm>> -> memref<10000x128xf32, #tpu.memory_space<hbm>>
        tpu.enqueue_indirect_dma source(%dma_start3A_271 : memref<10000x128xf32, #tpu.memory_space<hbm>>) target(%arg10 : memref<80x128xf32, #tpu.memory_space<vmem>>) offsets(%dma_start3A_268 : memref<80xi32, #tpu.memory_space<vmem>>) semaphore(%arg14 : memref<!tpu.dma_semaphore, #tpu.memory_space<semaphore_mem>>)
      } else {
      }
      %dma_wait3A_182 = arith.constant 0 : i32
      %dma_wait3A_183 = tpu.memref_slice %arg6[%add3A_173, %dma_wait3A_182] : memref<125x80xi32, #tpu.memory_space<vmem>> -> memref<1x80xi32, #tpu.memory_space<vmem>>
      %dma_wait3A_184 = tpu.memref_squeeze %dma_wait3A_183 : memref<1x80xi32, #tpu.memory_space<vmem>> -> memref<80xi32, #tpu.memory_space<vmem>>
      %dma_wait3A_185 = arith.constant 0 : i32
      %dma_wait3A_186 = arith.constant 0 : i32
      %dma_wait3A_187 = tpu.memref_slice %arg2[%dma_wait3A_185, %dma_wait3A_186] : memref<10000x128xf32, #tpu.memory_space<hbm>> -> memref<10000x128xf32, #tpu.memory_space<hbm>>
      tpu.wait_indirect_dma semaphore(%arg12 : memref<!tpu.dma_semaphore, #tpu.memory_space<semaphore_mem>>) src(%dma_wait3A_187 : memref<10000x128xf32, #tpu.memory_space<hbm>>) dst(%arg8 : memref<80x128xf32, #tpu.memory_space<vmem>>)
      %dma_start3A_188 = arith.constant 0 : i32
      %dma_start3A_189 = tpu.memref_slice %arg7[%add3A_173, %dma_start3A_188] : memref<125x80xi32, #tpu.memory_space<vmem>> -> memref<1x80xi32, #tpu.memory_space<vmem>>
      %dma_start3A_190 = tpu.memref_squeeze %dma_start3A_189 : memref<1x80xi32, #tpu.memory_space<vmem>> -> memref<80xi32, #tpu.memory_space<vmem>>
      %dma_start3A_191 = arith.constant 0 : i32
      %dma_start3A_192 = arith.constant 0 : i32
      %dma_start3A_193 = tpu.memref_slice %arg11[%dma_start3A_191, %dma_start3A_192] : memref<10000x128xf32, #tpu.memory_space<vmem_shared>> -> memref<10000x128xf32, #tpu.memory_space<vmem_shared>>
      tpu.enqueue_indirect_dma source(%arg8 : memref<80x128xf32, #tpu.memory_space<vmem>>) target(%dma_start3A_193 : memref<10000x128xf32, #tpu.memory_space<vmem_shared>>) offsets(%dma_start3A_190 : memref<80xi32, #tpu.memory_space<vmem>>) semaphore(%arg15 : memref<!tpu.dma_semaphore, #tpu.memory_space<semaphore_mem>>) {add = true}
      %mul3A_194 = arith.constant 3 : i32
      %mul3A_195 = arith.muli %scan3A_169, %mul3A_194 : i32
      %add3A_196 = arith.constant 1 : i32
      %add3A_197 = arith.addi %mul3A_195, %add3A_196 : i32
      %dma_wait3A_198 = arith.constant 0 : i32
      %dma_wait3A_199 = tpu.memref_slice %arg7[%add3A_173, %dma_wait3A_198] : memref<125x80xi32, #tpu.memory_space<vmem>> -> memref<1x80xi32, #tpu.memory_space<vmem>>
      %dma_wait3A_200 = tpu.memref_squeeze %dma_wait3A_199 : memref<1x80xi32, #tpu.memory_space<vmem>> -> memref<80xi32, #tpu.memory_space<vmem>>
      %dma_wait3A_201 = arith.constant 0 : i32
      %dma_wait3A_202 = arith.constant 0 : i32
      %dma_wait3A_203 = tpu.memref_slice %arg11[%dma_wait3A_201, %dma_wait3A_202] : memref<10000x128xf32, #tpu.memory_space<vmem_shared>> -> memref<10000x128xf32, #tpu.memory_space<vmem_shared>>
      tpu.wait_indirect_dma semaphore(%arg15 : memref<!tpu.dma_semaphore, #tpu.memory_space<semaphore_mem>>) src(%arg8 : memref<80x128xf32, #tpu.memory_space<vmem>>) dst(%dma_wait3A_203 : memref<10000x128xf32, #tpu.memory_space<vmem_shared>>)
      %add3A_204 = arith.constant 3 : i32
      %add3A_205 = arith.addi %add3A_197, %add3A_204 : i32
      %sub3A_206 = arith.constant 1 : i32
      %sub3A_207 = arith.subi %add3A_205, %sub3A_206 : i32
      %lt3A_208 = arith.constant 125 : i32
      %lt3A_209 = arith.cmpi slt, %sub3A_207, %lt3A_208 : i32
      %convert_element_type3A_210 = arith.extui %lt3A_209 : i1 to i32
      %cond3A_211 = arith.constant 0 : i32
      %cond3A_212 = arith.cmpi ne, %convert_element_type3A_210, %cond3A_211 : i32
      scf.if %cond3A_212 {
        %add3A_262 = arith.constant 3 : i32
        %add3A_263 = arith.addi %add3A_197, %add3A_262 : i32
        %sub3A_264 = arith.constant 1 : i32
        %sub3A_265 = arith.subi %add3A_263, %sub3A_264 : i32
        %dma_start3A_266 = arith.constant 0 : i32
        %dma_start3A_267 = tpu.memref_slice %arg6[%sub3A_265, %dma_start3A_266] : memref<125x80xi32, #tpu.memory_space<vmem>> -> memref<1x80xi32, #tpu.memory_space<vmem>>
        %dma_start3A_268 = tpu.memref_squeeze %dma_start3A_267 : memref<1x80xi32, #tpu.memory_space<vmem>> -> memref<80xi32, #tpu.memory_space<vmem>>
        %dma_start3A_269 = arith.constant 0 : i32
        %dma_start3A_270 = arith.constant 0 : i32
        %dma_start3A_271 = tpu.memref_slice %arg2[%dma_start3A_269, %dma_start3A_270] : memref<10000x128xf32, #tpu.memory_space<hbm>> -> memref<10000x128xf32, #tpu.memory_space<hbm>>
        tpu.enqueue_indirect_dma source(%dma_start3A_271 : memref<10000x128xf32, #tpu.memory_space<hbm>>) target(%arg8 : memref<80x128xf32, #tpu.memory_space<vmem>>) offsets(%dma_start3A_268 : memref<80xi32, #tpu.memory_space<vmem>>) semaphore(%arg12 : memref<!tpu.dma_semaphore, #tpu.memory_space<semaphore_mem>>)
      } else {
      }
      %dma_wait3A_213 = arith.constant 0 : i32
      %dma_wait3A_214 = tpu.memref_slice %arg6[%add3A_197, %dma_wait3A_213] : memref<125x80xi32, #tpu.memory_space<vmem>> -> memref<1x80xi32, #tpu.memory_space<vmem>>
      %dma_wait3A_215 = tpu.memref_squeeze %dma_wait3A_214 : memref<1x80xi32, #tpu.memory_space<vmem>> -> memref<80xi32, #tpu.memory_space<vmem>>
      %dma_wait3A_216 = arith.constant 0 : i32
      %dma_wait3A_217 = arith.constant 0 : i32
      %dma_wait3A_218 = tpu.memref_slice %arg2[%dma_wait3A_216, %dma_wait3A_217] : memref<10000x128xf32, #tpu.memory_space<hbm>> -> memref<10000x128xf32, #tpu.memory_space<hbm>>
      tpu.wait_indirect_dma semaphore(%arg13 : memref<!tpu.dma_semaphore, #tpu.memory_space<semaphore_mem>>) src(%dma_wait3A_218 : memref<10000x128xf32, #tpu.memory_space<hbm>>) dst(%arg9 : memref<80x128xf32, #tpu.memory_space<vmem>>)
      %dma_start3A_219 = arith.constant 0 : i32
      %dma_start3A_220 = tpu.memref_slice %arg7[%add3A_197, %dma_start3A_219] : memref<125x80xi32, #tpu.memory_space<vmem>> -> memref<1x80xi32, #tpu.memory_space<vmem>>
      %dma_start3A_221 = tpu.memref_squeeze %dma_start3A_220 : memref<1x80xi32, #tpu.memory_space<vmem>> -> memref<80xi32, #tpu.memory_space<vmem>>
      %dma_start3A_222 = arith.constant 0 : i32
      %dma_start3A_223 = arith.constant 0 : i32
      %dma_start3A_224 = tpu.memref_slice %arg11[%dma_start3A_222, %dma_start3A_223] : memref<10000x128xf32, #tpu.memory_space<vmem_shared>> -> memref<10000x128xf32, #tpu.memory_space<vmem_shared>>
      tpu.enqueue_indirect_dma source(%arg9 : memref<80x128xf32, #tpu.memory_space<vmem>>) target(%dma_start3A_224 : memref<10000x128xf32, #tpu.memory_space<vmem_shared>>) offsets(%dma_start3A_221 : memref<80xi32, #tpu.memory_space<vmem>>) semaphore(%arg15 : memref<!tpu.dma_semaphore, #tpu.memory_space<semaphore_mem>>) {add = true}
      %mul3A_225 = arith.constant 3 : i32
      %mul3A_226 = arith.muli %scan3A_169, %mul3A_225 : i32
      %add3A_227 = arith.constant 2 : i32
      %add3A_228 = arith.addi %mul3A_226, %add3A_227 : i32
      %dma_wait3A_229 = arith.constant 0 : i32
      %dma_wait3A_230 = tpu.memref_slice %arg7[%add3A_197, %dma_wait3A_229] : memref<125x80xi32, #tpu.memory_space<vmem>> -> memref<1x80xi32, #tpu.memory_space<vmem>>
      %dma_wait3A_231 = tpu.memref_squeeze %dma_wait3A_230 : memref<1x80xi32, #tpu.memory_space<vmem>> -> memref<80xi32, #tpu.memory_space<vmem>>
      %dma_wait3A_232 = arith.constant 0 : i32
      %dma_wait3A_233 = arith.constant 0 : i32
      %dma_wait3A_234 = tpu.memref_slice %arg11[%dma_wait3A_232, %dma_wait3A_233] : memref<10000x128xf32, #tpu.memory_space<vmem_shared>> -> memref<10000x128xf32, #tpu.memory_space<vmem_shared>>
      tpu.wait_indirect_dma semaphore(%arg15 : memref<!tpu.dma_semaphore, #tpu.memory_space<semaphore_mem>>) src(%arg9 : memref<80x128xf32, #tpu.memory_space<vmem>>) dst(%dma_wait3A_234 : memref<10000x128xf32, #tpu.memory_space<vmem_shared>>)
      %add3A_235 = arith.constant 3 : i32
      %add3A_236 = arith.addi %add3A_228, %add3A_235 : i32
      %sub3A_237 = arith.constant 1 : i32
      %sub3A_238 = arith.subi %add3A_236, %sub3A_237 : i32
      %lt3A_239 = arith.constant 125 : i32
      %lt3A_240 = arith.cmpi slt, %sub3A_238, %lt3A_239 : i32
      %convert_element_type3A_241 = arith.extui %lt3A_240 : i1 to i32
      %cond3A_242 = arith.constant 0 : i32
      %cond3A_243 = arith.cmpi ne, %convert_element_type3A_241, %cond3A_242 : i32
      scf.if %cond3A_243 {
        %add3A_262 = arith.constant 3 : i32
        %add3A_263 = arith.addi %add3A_228, %add3A_262 : i32
        %sub3A_264 = arith.constant 1 : i32
        %sub3A_265 = arith.subi %add3A_263, %sub3A_264 : i32
        %dma_start3A_266 = arith.constant 0 : i32
        %dma_start3A_267 = tpu.memref_slice %arg6[%sub3A_265, %dma_start3A_266] : memref<125x80xi32, #tpu.memory_space<vmem>> -> memref<1x80xi32, #tpu.memory_space<vmem>>
        %dma_start3A_268 = tpu.memref_squeeze %dma_start3A_267 : memref<1x80xi32, #tpu.memory_space<vmem>> -> memref<80xi32, #tpu.memory_space<vmem>>
        %dma_start3A_269 = arith.constant 0 : i32
        %dma_start3A_270 = arith.constant 0 : i32
        %dma_start3A_271 = tpu.memref_slice %arg2[%dma_start3A_269, %dma_start3A_270] : memref<10000x128xf32, #tpu.memory_space<hbm>> -> memref<10000x128xf32, #tpu.memory_space<hbm>>
        tpu.enqueue_indirect_dma source(%dma_start3A_271 : memref<10000x128xf32, #tpu.memory_space<hbm>>) target(%arg9 : memref<80x128xf32, #tpu.memory_space<vmem>>) offsets(%dma_start3A_268 : memref<80xi32, #tpu.memory_space<vmem>>) semaphore(%arg13 : memref<!tpu.dma_semaphore, #tpu.memory_space<semaphore_mem>>)
      } else {
      }
      %dma_wait3A_244 = arith.constant 0 : i32
      %dma_wait3A_245 = tpu.memref_slice %arg6[%add3A_228, %dma_wait3A_244] : memref<125x80xi32, #tpu.memory_space<vmem>> -> memref<1x80xi32, #tpu.memory_space<vmem>>
      %dma_wait3A_246 = tpu.memref_squeeze %dma_wait3A_245 : memref<1x80xi32, #tpu.memory_space<vmem>> -> memref<80xi32, #tpu.memory_space<vmem>>
      %dma_wait3A_247 = arith.constant 0 : i32
      %dma_wait3A_248 = arith.constant 0 : i32
      %dma_wait3A_249 = tpu.memref_slice %arg2[%dma_wait3A_247, %dma_wait3A_248] : memref<10000x128xf32, #tpu.memory_space<hbm>> -> memref<10000x128xf32, #tpu.memory_space<hbm>>
      tpu.wait_indirect_dma semaphore(%arg14 : memref<!tpu.dma_semaphore, #tpu.memory_space<semaphore_mem>>) src(%dma_wait3A_249 : memref<10000x128xf32, #tpu.memory_space<hbm>>) dst(%arg10 : memref<80x128xf32, #tpu.memory_space<vmem>>)
      %dma_start3A_250 = arith.constant 0 : i32
      %dma_start3A_251 = tpu.memref_slice %arg7[%add3A_228, %dma_start3A_250] : memref<125x80xi32, #tpu.memory_space<vmem>> -> memref<1x80xi32, #tpu.memory_space<vmem>>
      %dma_start3A_252 = tpu.memref_squeeze %dma_start3A_251 : memref<1x80xi32, #tpu.memory_space<vmem>> -> memref<80xi32, #tpu.memory_space<vmem>>
      %dma_start3A_253 = arith.constant 0 : i32
      %dma_start3A_254 = arith.constant 0 : i32
      %dma_start3A_255 = tpu.memref_slice %arg11[%dma_start3A_253, %dma_start3A_254] : memref<10000x128xf32, #tpu.memory_space<vmem_shared>> -> memref<10000x128xf32, #tpu.memory_space<vmem_shared>>
      tpu.enqueue_indirect_dma source(%arg10 : memref<80x128xf32, #tpu.memory_space<vmem>>) target(%dma_start3A_255 : memref<10000x128xf32, #tpu.memory_space<vmem_shared>>) offsets(%dma_start3A_252 : memref<80xi32, #tpu.memory_space<vmem>>) semaphore(%arg15 : memref<!tpu.dma_semaphore, #tpu.memory_space<semaphore_mem>>) {add = true}
      %dma_wait3A_256 = arith.constant 0 : i32
      %dma_wait3A_257 = tpu.memref_slice %arg7[%add3A_228, %dma_wait3A_256] : memref<125x80xi32, #tpu.memory_space<vmem>> -> memref<1x80xi32, #tpu.memory_space<vmem>>
      %dma_wait3A_258 = tpu.memref_squeeze %dma_wait3A_257 : memref<1x80xi32, #tpu.memory_space<vmem>> -> memref<80xi32, #tpu.memory_space<vmem>>
      %dma_wait3A_259 = arith.constant 0 : i32
      %dma_wait3A_260 = arith.constant 0 : i32
      %dma_wait3A_261 = tpu.memref_slice %arg11[%dma_wait3A_259, %dma_wait3A_260] : memref<10000x128xf32, #tpu.memory_space<vmem_shared>> -> memref<10000x128xf32, #tpu.memory_space<vmem_shared>>
      tpu.wait_indirect_dma semaphore(%arg15 : memref<!tpu.dma_semaphore, #tpu.memory_space<semaphore_mem>>) src(%arg10 : memref<80x128xf32, #tpu.memory_space<vmem>>) dst(%dma_wait3A_261 : memref<10000x128xf32, #tpu.memory_space<vmem_shared>>)
    }
    %scan3A_96 = arith.constant 41 : i32
    %dma_wait3A_97 = arith.constant 123 : i32
    %dma_wait3A_98 = arith.constant 0 : i32
    %dma_wait3A_99 = tpu.memref_slice %arg6[%dma_wait3A_97, %dma_wait3A_98] : memref<125x80xi32, #tpu.memory_space<vmem>> -> memref<1x80xi32, #tpu.memory_space<vmem>>
    %dma_wait3A_100 = tpu.memref_squeeze %dma_wait3A_99 : memref<1x80xi32, #tpu.memory_space<vmem>> -> memref<80xi32, #tpu.memory_space<vmem>>
    %dma_wait3A_101 = arith.constant 0 : i32
    %dma_wait3A_102 = arith.constant 0 : i32
    %dma_wait3A_103 = tpu.memref_slice %arg2[%dma_wait3A_101, %dma_wait3A_102] : memref<10000x128xf32, #tpu.memory_space<hbm>> -> memref<10000x128xf32, #tpu.memory_space<hbm>>
    tpu.wait_indirect_dma semaphore(%arg12 : memref<!tpu.dma_semaphore, #tpu.memory_space<semaphore_mem>>) src(%dma_wait3A_103 : memref<10000x128xf32, #tpu.memory_space<hbm>>) dst(%arg8 : memref<80x128xf32, #tpu.memory_space<vmem>>)
    %run_scoped3A = arith.constant 123 : i32
    "tpu.region"() ({
      %run_scoped3A_169 = tpu.sem_alloc : memref<!tpu.dma_semaphore, #tpu.memory_space<semaphore_mem>>
      %dma_start3A_170 = arith.constant 0 : i32
      %dma_start3A_171 = tpu.memref_slice %arg7[%run_scoped3A, %dma_start3A_170] : memref<125x80xi32, #tpu.memory_space<vmem>> -> memref<1x80xi32, #tpu.memory_space<vmem>>
      %dma_start3A_172 = tpu.memref_squeeze %dma_start3A_171 : memref<1x80xi32, #tpu.memory_space<vmem>> -> memref<80xi32, #tpu.memory_space<vmem>>
      %dma_start3A_173 = arith.constant 0 : i32
      %dma_start3A_174 = arith.constant 0 : i32
      %dma_start3A_175 = tpu.memref_slice %arg11[%dma_start3A_173, %dma_start3A_174] : memref<10000x128xf32, #tpu.memory_space<vmem_shared>> -> memref<10000x128xf32, #tpu.memory_space<vmem_shared>>
      tpu.enqueue_indirect_dma source(%arg8 : memref<80x128xf32, #tpu.memory_space<vmem>>) target(%dma_start3A_175 : memref<10000x128xf32, #tpu.memory_space<vmem_shared>>) offsets(%dma_start3A_172 : memref<80xi32, #tpu.memory_space<vmem>>) semaphore(%run_scoped3A_169 : memref<!tpu.dma_semaphore, #tpu.memory_space<semaphore_mem>>) {add = true}
      %dma_wait3A_176 = arith.constant 0 : i32
      %dma_wait3A_177 = tpu.memref_slice %arg7[%run_scoped3A, %dma_wait3A_176] : memref<125x80xi32, #tpu.memory_space<vmem>> -> memref<1x80xi32, #tpu.memory_space<vmem>>
      %dma_wait3A_178 = tpu.memref_squeeze %dma_wait3A_177 : memref<1x80xi32, #tpu.memory_space<vmem>> -> memref<80xi32, #tpu.memory_space<vmem>>
      %dma_wait3A_179 = arith.constant 0 : i32
      %dma_wait3A_180 = arith.constant 0 : i32
      %dma_wait3A_181 = tpu.memref_slice %arg11[%dma_wait3A_179, %dma_wait3A_180] : memref<10000x128xf32, #tpu.memory_space<vmem_shared>> -> memref<10000x128xf32, #tpu.memory_space<vmem_shared>>
      tpu.wait_indirect_dma semaphore(%run_scoped3A_169 : memref<!tpu.dma_semaphore, #tpu.memory_space<semaphore_mem>>) src(%arg8 : memref<80x128xf32, #tpu.memory_space<vmem>>) dst(%dma_wait3A_181 : memref<10000x128xf32, #tpu.memory_space<vmem_shared>>)
      tpu.yield
    }) : () -> ()
    %dma_wait3A_104 = arith.constant 124 : i32
    %dma_wait3A_105 = arith.constant 0 : i32
    %dma_wait3A_106 = tpu.memref_slice %arg6[%dma_wait3A_104, %dma_wait3A_105] : memref<125x80xi32, #tpu.memory_space<vmem>> -> memref<1x80xi32, #tpu.memory_space<vmem>>
    %dma_wait3A_107 = tpu.memref_squeeze %dma_wait3A_106 : memref<1x80xi32, #tpu.memory_space<vmem>> -> memref<80xi32, #tpu.memory_space<vmem>>
    %dma_wait3A_108 = arith.constant 0 : i32
    %dma_wait3A_109 = arith.constant 0 : i32
    %dma_wait3A_110 = tpu.memref_slice %arg2[%dma_wait3A_108, %dma_wait3A_109] : memref<10000x128xf32, #tpu.memory_space<hbm>> -> memref<10000x128xf32, #tpu.memory_space<hbm>>
    tpu.wait_indirect_dma semaphore(%arg13 : memref<!tpu.dma_semaphore, #tpu.memory_space<semaphore_mem>>) src(%dma_wait3A_110 : memref<10000x128xf32, #tpu.memory_space<hbm>>) dst(%arg9 : memref<80x128xf32, #tpu.memory_space<vmem>>)
    %run_scoped3A_111 = arith.constant 124 : i32
    "tpu.region"() ({
      %run_scoped3A_169 = tpu.sem_alloc : memref<!tpu.dma_semaphore, #tpu.memory_space<semaphore_mem>>
      %dma_start3A_170 = arith.constant 0 : i32
      %dma_start3A_171 = tpu.memref_slice %arg7[%run_scoped3A_111, %dma_start3A_170] : memref<125x80xi32, #tpu.memory_space<vmem>> -> memref<1x80xi32, #tpu.memory_space<vmem>>
      %dma_start3A_172 = tpu.memref_squeeze %dma_start3A_171 : memref<1x80xi32, #tpu.memory_space<vmem>> -> memref<80xi32, #tpu.memory_space<vmem>>
      %dma_start3A_173 = arith.constant 0 : i32
      %dma_start3A_174 = arith.constant 0 : i32
      %dma_start3A_175 = tpu.memref_slice %arg11[%dma_start3A_173, %dma_start3A_174] : memref<10000x128xf32, #tpu.memory_space<vmem_shared>> -> memref<10000x128xf32, #tpu.memory_space<vmem_shared>>
      tpu.enqueue_indirect_dma source(%arg9 : memref<80x128xf32, #tpu.memory_space<vmem>>) target(%dma_start3A_175 : memref<10000x128xf32, #tpu.memory_space<vmem_shared>>) offsets(%dma_start3A_172 : memref<80xi32, #tpu.memory_space<vmem>>) semaphore(%run_scoped3A_169 : memref<!tpu.dma_semaphore, #tpu.memory_space<semaphore_mem>>) {add = true}
      %dma_wait3A_176 = arith.constant 0 : i32
      %dma_wait3A_177 = tpu.memref_slice %arg7[%run_scoped3A_111, %dma_wait3A_176] : memref<125x80xi32, #tpu.memory_space<vmem>> -> memref<1x80xi32, #tpu.memory_space<vmem>>
      %dma_wait3A_178 = tpu.memref_squeeze %dma_wait3A_177 : memref<1x80xi32, #tpu.memory_space<vmem>> -> memref<80xi32, #tpu.memory_space<vmem>>
      %dma_wait3A_179 = arith.constant 0 : i32
      %dma_wait3A_180 = arith.constant 0 : i32
      %dma_wait3A_181 = tpu.memref_slice %arg11[%dma_wait3A_179, %dma_wait3A_180] : memref<10000x128xf32, #tpu.memory_space<vmem_shared>> -> memref<10000x128xf32, #tpu.memory_space<vmem_shared>>
      tpu.wait_indirect_dma semaphore(%run_scoped3A_169 : memref<!tpu.dma_semaphore, #tpu.memory_space<semaphore_mem>>) src(%arg9 : memref<80x128xf32, #tpu.memory_space<vmem>>) dst(%dma_wait3A_181 : memref<10000x128xf32, #tpu.memory_space<vmem_shared>>)
      tpu.yield
    }) : () -> ()
    %barrier3A_112 = arith.constant 0 : index
    tpu.barrier barrier_id(%barrier3A_112)
    %add3A_113 = arith.constant 0 : i32
    %add3A_114 = arith.addi %arg1, %add3A_113 : i32
    %lt3A_115 = arith.constant 125 : i32
    %lt3A_116 = arith.cmpi slt, %add3A_114, %lt3A_115 : i32
    %convert_element_type3A_117 = arith.extui %lt3A_116 : i1 to i32
    %cond3A_118 = arith.constant 0 : i32
    %cond3A_119 = arith.cmpi ne, %convert_element_type3A_117, %cond3A_118 : i32
    scf.if %cond3A_119 {
      %mul3A_169 = arith.constant 80 : i32
      %mul3A_170 = arith.muli %add3A_114, %mul3A_169 : i32
      %multiple_of3A = tpu.assume_multiple %mul3A_170, 80 : i32
      "tpu.region"() ({
        %run_scoped3A_171 = tpu.sem_alloc : memref<!tpu.dma_semaphore, #tpu.memory_space<semaphore_mem>>
        %dma_start3A_172 = arith.constant 0 : i32
        %dma_start3A_173 = arith.constant 0 : i32
        %dma_start3A_174 = tpu.memref_slice %arg5[%arg0, %dma_start3A_172, %dma_start3A_173] : memref<2x10000x128xf32, #tpu.memory_space<hbm>> -> memref<1x10000x128xf32, #tpu.memory_space<hbm>>
        %dma_start3A_175 = tpu.memref_squeeze %dma_start3A_174 : memref<1x10000x128xf32, #tpu.memory_space<hbm>> -> memref<10000x128xf32, #tpu.memory_space<hbm>>
        %dma_start3A_176 = arith.constant 0 : i32
        %dma_start3A_177 = tpu.memref_slice %dma_start3A_175[%multiple_of3A, %dma_start3A_176] : memref<10000x128xf32, #tpu.memory_space<hbm>> -> memref<80x128xf32, #tpu.memory_space<hbm>>
        %dma_start3A_178 = arith.constant 0 : i32
        %dma_start3A_179 = tpu.memref_slice %arg11[%multiple_of3A, %dma_start3A_178] : memref<10000x128xf32, #tpu.memory_space<vmem_shared>> -> memref<80x128xf32, #tpu.memory_space<vmem_shared>>
        tpu.enqueue_dma source(%dma_start3A_179 : memref<80x128xf32, #tpu.memory_space<vmem_shared>>) target(%dma_start3A_177 : memref<80x128xf32, #tpu.memory_space<hbm>>) target_semaphore(%run_scoped3A_171 : memref<!tpu.dma_semaphore, #tpu.memory_space<semaphore_mem>>)
        %dma_wait3A_180 = arith.constant 0 : i32
        %dma_wait3A_181 = arith.constant 0 : i32
        %dma_wait3A_182 = tpu.memref_slice %arg5[%arg0, %dma_wait3A_180, %dma_wait3A_181] : memref<2x10000x128xf32, #tpu.memory_space<hbm>> -> memref<1x10000x128xf32, #tpu.memory_space<hbm>>
        %dma_wait3A_183 = tpu.memref_squeeze %dma_wait3A_182 : memref<1x10000x128xf32, #tpu.memory_space<hbm>> -> memref<10000x128xf32, #tpu.memory_space<hbm>>
        %dma_wait3A_184 = arith.constant 0 : i32
        %dma_wait3A_185 = tpu.memref_slice %dma_wait3A_183[%multiple_of3A, %dma_wait3A_184] : memref<10000x128xf32, #tpu.memory_space<hbm>> -> memref<80x128xf32, #tpu.memory_space<hbm>>
        %dma_wait3A_186 = arith.constant 0 : i32
        %dma_wait3A_187 = tpu.memref_slice %arg11[%multiple_of3A, %dma_wait3A_186] : memref<10000x128xf32, #tpu.memory_space<vmem_shared>> -> memref<80x128xf32, #tpu.memory_space<vmem_shared>>
        tpu.wait_dma2 semaphore(%run_scoped3A_171 : memref<!tpu.dma_semaphore, #tpu.memory_space<semaphore_mem>>) src(%dma_wait3A_187 : memref<80x128xf32, #tpu.memory_space<vmem_shared>>) dst(%dma_wait3A_185 : memref<80x128xf32, #tpu.memory_space<hbm>>)
        tpu.yield
      }) : () -> ()
    } else {
    }
    %add3A_120 = arith.constant 16 : i32
    %add3A_121 = arith.addi %arg1, %add3A_120 : i32
    %lt3A_122 = arith.constant 125 : i32
    %lt3A_123 = arith.cmpi slt, %add3A_121, %lt3A_122 : i32
    %convert_element_type3A_124 = arith.extui %lt3A_123 : i1 to i32
    %cond3A_125 = arith.constant 0 : i32
    %cond3A_126 = arith.cmpi ne, %convert_element_type3A_124, %cond3A_125 : i32
    scf.if %cond3A_126 {
      %mul3A_169 = arith.constant 80 : i32
      %mul3A_170 = arith.muli %add3A_121, %mul3A_169 : i32
      %multiple_of3A = tpu.assume_multiple %mul3A_170, 80 : i32
      "tpu.region"() ({
        %run_scoped3A_171 = tpu.sem_alloc : memref<!tpu.dma_semaphore, #tpu.memory_space<semaphore_mem>>
        %dma_start3A_172 = arith.constant 0 : i32
        %dma_start3A_173 = arith.constant 0 : i32
        %dma_start3A_174 = tpu.memref_slice %arg5[%arg0, %dma_start3A_172, %dma_start3A_173] : memref<2x10000x128xf32, #tpu.memory_space<hbm>> -> memref<1x10000x128xf32, #tpu.memory_space<hbm>>
        %dma_start3A_175 = tpu.memref_squeeze %dma_start3A_174 : memref<1x10000x128xf32, #tpu.memory_space<hbm>> -> memref<10000x128xf32, #tpu.memory_space<hbm>>
        %dma_start3A_176 = arith.constant 0 : i32
        %dma_start3A_177 = tpu.memref_slice %dma_start3A_175[%multiple_of3A, %dma_start3A_176] : memref<10000x128xf32, #tpu.memory_space<hbm>> -> memref<80x128xf32, #tpu.memory_space<hbm>>
        %dma_start3A_178 = arith.constant 0 : i32
        %dma_start3A_179 = tpu.memref_slice %arg11[%multiple_of3A, %dma_start3A_178] : memref<10000x128xf32, #tpu.memory_space<vmem_shared>> -> memref<80x128xf32, #tpu.memory_space<vmem_shared>>
        tpu.enqueue_dma source(%dma_start3A_179 : memref<80x128xf32, #tpu.memory_space<vmem_shared>>) target(%dma_start3A_177 : memref<80x128xf32, #tpu.memory_space<hbm>>) target_semaphore(%run_scoped3A_171 : memref<!tpu.dma_semaphore, #tpu.memory_space<semaphore_mem>>)
        %dma_wait3A_180 = arith.constant 0 : i32
        %dma_wait3A_181 = arith.constant 0 : i32
        %dma_wait3A_182 = tpu.memref_slice %arg5[%arg0, %dma_wait3A_180, %dma_wait3A_181] : memref<2x10000x128xf32, #tpu.memory_space<hbm>> -> memref<1x10000x128xf32, #tpu.memory_space<hbm>>
        %dma_wait3A_183 = tpu.memref_squeeze %dma_wait3A_182 : memref<1x10000x128xf32, #tpu.memory_space<hbm>> -> memref<10000x128xf32, #tpu.memory_space<hbm>>
        %dma_wait3A_184 = arith.constant 0 : i32
        %dma_wait3A_185 = tpu.memref_slice %dma_wait3A_183[%multiple_of3A, %dma_wait3A_184] : memref<10000x128xf32, #tpu.memory_space<hbm>> -> memref<80x128xf32, #tpu.memory_space<hbm>>
        %dma_wait3A_186 = arith.constant 0 : i32
        %dma_wait3A_187 = tpu.memref_slice %arg11[%multiple_of3A, %dma_wait3A_186] : memref<10000x128xf32, #tpu.memory_space<vmem_shared>> -> memref<80x128xf32, #tpu.memory_space<vmem_shared>>
        tpu.wait_dma2 semaphore(%run_scoped3A_171 : memref<!tpu.dma_semaphore, #tpu.memory_space<semaphore_mem>>) src(%dma_wait3A_187 : memref<80x128xf32, #tpu.memory_space<vmem_shared>>) dst(%dma_wait3A_185 : memref<80x128xf32, #tpu.memory_space<hbm>>)
        tpu.yield
      }) : () -> ()
    } else {
    }
    %add3A_127 = arith.constant 32 : i32
    %add3A_128 = arith.addi %arg1, %add3A_127 : i32
    %lt3A_129 = arith.constant 125 : i32
    %lt3A_130 = arith.cmpi slt, %add3A_128, %lt3A_129 : i32
    %convert_element_type3A_131 = arith.extui %lt3A_130 : i1 to i32
    %cond3A_132 = arith.constant 0 : i32
    %cond3A_133 = arith.cmpi ne, %convert_element_type3A_131, %cond3A_132 : i32
    scf.if %cond3A_133 {
      %mul3A_169 = arith.constant 80 : i32
      %mul3A_170 = arith.muli %add3A_128, %mul3A_169 : i32
      %multiple_of3A = tpu.assume_multiple %mul3A_170, 80 : i32
      "tpu.region"() ({
        %run_scoped3A_171 = tpu.sem_alloc : memref<!tpu.dma_semaphore, #tpu.memory_space<semaphore_mem>>
        %dma_start3A_172 = arith.constant 0 : i32
        %dma_start3A_173 = arith.constant 0 : i32
        %dma_start3A_174 = tpu.memref_slice %arg5[%arg0, %dma_start3A_172, %dma_start3A_173] : memref<2x10000x128xf32, #tpu.memory_space<hbm>> -> memref<1x10000x128xf32, #tpu.memory_space<hbm>>
        %dma_start3A_175 = tpu.memref_squeeze %dma_start3A_174 : memref<1x10000x128xf32, #tpu.memory_space<hbm>> -> memref<10000x128xf32, #tpu.memory_space<hbm>>
        %dma_start3A_176 = arith.constant 0 : i32
        %dma_start3A_177 = tpu.memref_slice %dma_start3A_175[%multiple_of3A, %dma_start3A_176] : memref<10000x128xf32, #tpu.memory_space<hbm>> -> memref<80x128xf32, #tpu.memory_space<hbm>>
        %dma_start3A_178 = arith.constant 0 : i32
        %dma_start3A_179 = tpu.memref_slice %arg11[%multiple_of3A, %dma_start3A_178] : memref<10000x128xf32, #tpu.memory_space<vmem_shared>> -> memref<80x128xf32, #tpu.memory_space<vmem_shared>>
        tpu.enqueue_dma source(%dma_start3A_179 : memref<80x128xf32, #tpu.memory_space<vmem_shared>>) target(%dma_start3A_177 : memref<80x128xf32, #tpu.memory_space<hbm>>) target_semaphore(%run_scoped3A_171 : memref<!tpu.dma_semaphore, #tpu.memory_space<semaphore_mem>>)
        %dma_wait3A_180 = arith.constant 0 : i32
        %dma_wait3A_181 = arith.constant 0 : i32
        %dma_wait3A_182 = tpu.memref_slice %arg5[%arg0, %dma_wait3A_180, %dma_wait3A_181] : memref<2x10000x128xf32, #tpu.memory_space<hbm>> -> memref<1x10000x128xf32, #tpu.memory_space<hbm>>
        %dma_wait3A_183 = tpu.memref_squeeze %dma_wait3A_182 : memref<1x10000x128xf32, #tpu.memory_space<hbm>> -> memref<10000x128xf32, #tpu.memory_space<hbm>>
        %dma_wait3A_184 = arith.constant 0 : i32
        %dma_wait3A_185 = tpu.memref_slice %dma_wait3A_183[%multiple_of3A, %dma_wait3A_184] : memref<10000x128xf32, #tpu.memory_space<hbm>> -> memref<80x128xf32, #tpu.memory_space<hbm>>
        %dma_wait3A_186 = arith.constant 0 : i32
        %dma_wait3A_187 = tpu.memref_slice %arg11[%multiple_of3A, %dma_wait3A_186] : memref<10000x128xf32, #tpu.memory_space<vmem_shared>> -> memref<80x128xf32, #tpu.memory_space<vmem_shared>>
        tpu.wait_dma2 semaphore(%run_scoped3A_171 : memref<!tpu.dma_semaphore, #tpu.memory_space<semaphore_mem>>) src(%dma_wait3A_187 : memref<80x128xf32, #tpu.memory_space<vmem_shared>>) dst(%dma_wait3A_185 : memref<80x128xf32, #tpu.memory_space<hbm>>)
        tpu.yield
      }) : () -> ()
    } else {
    }
    %add3A_134 = arith.constant 48 : i32
    %add3A_135 = arith.addi %arg1, %add3A_134 : i32
    %lt3A_136 = arith.constant 125 : i32
    %lt3A_137 = arith.cmpi slt, %add3A_135, %lt3A_136 : i32
    %convert_element_type3A_138 = arith.extui %lt3A_137 : i1 to i32
    %cond3A_139 = arith.constant 0 : i32
    %cond3A_140 = arith.cmpi ne, %convert_element_type3A_138, %cond3A_139 : i32
    scf.if %cond3A_140 {
      %mul3A_169 = arith.constant 80 : i32
      %mul3A_170 = arith.muli %add3A_135, %mul3A_169 : i32
      %multiple_of3A = tpu.assume_multiple %mul3A_170, 80 : i32
      "tpu.region"() ({
        %run_scoped3A_171 = tpu.sem_alloc : memref<!tpu.dma_semaphore, #tpu.memory_space<semaphore_mem>>
        %dma_start3A_172 = arith.constant 0 : i32
        %dma_start3A_173 = arith.constant 0 : i32
        %dma_start3A_174 = tpu.memref_slice %arg5[%arg0, %dma_start3A_172, %dma_start3A_173] : memref<2x10000x128xf32, #tpu.memory_space<hbm>> -> memref<1x10000x128xf32, #tpu.memory_space<hbm>>
        %dma_start3A_175 = tpu.memref_squeeze %dma_start3A_174 : memref<1x10000x128xf32, #tpu.memory_space<hbm>> -> memref<10000x128xf32, #tpu.memory_space<hbm>>
        %dma_start3A_176 = arith.constant 0 : i32
        %dma_start3A_177 = tpu.memref_slice %dma_start3A_175[%multiple_of3A, %dma_start3A_176] : memref<10000x128xf32, #tpu.memory_space<hbm>> -> memref<80x128xf32, #tpu.memory_space<hbm>>
        %dma_start3A_178 = arith.constant 0 : i32
        %dma_start3A_179 = tpu.memref_slice %arg11[%multiple_of3A, %dma_start3A_178] : memref<10000x128xf32, #tpu.memory_space<vmem_shared>> -> memref<80x128xf32, #tpu.memory_space<vmem_shared>>
        tpu.enqueue_dma source(%dma_start3A_179 : memref<80x128xf32, #tpu.memory_space<vmem_shared>>) target(%dma_start3A_177 : memref<80x128xf32, #tpu.memory_space<hbm>>) target_semaphore(%run_scoped3A_171 : memref<!tpu.dma_semaphore, #tpu.memory_space<semaphore_mem>>)
        %dma_wait3A_180 = arith.constant 0 : i32
        %dma_wait3A_181 = arith.constant 0 : i32
        %dma_wait3A_182 = tpu.memref_slice %arg5[%arg0, %dma_wait3A_180, %dma_wait3A_181] : memref<2x10000x128xf32, #tpu.memory_space<hbm>> -> memref<1x10000x128xf32, #tpu.memory_space<hbm>>
        %dma_wait3A_183 = tpu.memref_squeeze %dma_wait3A_182 : memref<1x10000x128xf32, #tpu.memory_space<hbm>> -> memref<10000x128xf32, #tpu.memory_space<hbm>>
        %dma_wait3A_184 = arith.constant 0 : i32
        %dma_wait3A_185 = tpu.memref_slice %dma_wait3A_183[%multiple_of3A, %dma_wait3A_184] : memref<10000x128xf32, #tpu.memory_space<hbm>> -> memref<80x128xf32, #tpu.memory_space<hbm>>
        %dma_wait3A_186 = arith.constant 0 : i32
        %dma_wait3A_187 = tpu.memref_slice %arg11[%multiple_of3A, %dma_wait3A_186] : memref<10000x128xf32, #tpu.memory_space<vmem_shared>> -> memref<80x128xf32, #tpu.memory_space<vmem_shared>>
        tpu.wait_dma2 semaphore(%run_scoped3A_171 : memref<!tpu.dma_semaphore, #tpu.memory_space<semaphore_mem>>) src(%dma_wait3A_187 : memref<80x128xf32, #tpu.memory_space<vmem_shared>>) dst(%dma_wait3A_185 : memref<80x128xf32, #tpu.memory_space<hbm>>)
        tpu.yield
      }) : () -> ()
    } else {
    }
    %add3A_141 = arith.constant 64 : i32
    %add3A_142 = arith.addi %arg1, %add3A_141 : i32
    %lt3A_143 = arith.constant 125 : i32
    %lt3A_144 = arith.cmpi slt, %add3A_142, %lt3A_143 : i32
    %convert_element_type3A_145 = arith.extui %lt3A_144 : i1 to i32
    %cond3A_146 = arith.constant 0 : i32
    %cond3A_147 = arith.cmpi ne, %convert_element_type3A_145, %cond3A_146 : i32
    scf.if %cond3A_147 {
      %mul3A_169 = arith.constant 80 : i32
      %mul3A_170 = arith.muli %add3A_142, %mul3A_169 : i32
      %multiple_of3A = tpu.assume_multiple %mul3A_170, 80 : i32
      "tpu.region"() ({
        %run_scoped3A_171 = tpu.sem_alloc : memref<!tpu.dma_semaphore, #tpu.memory_space<semaphore_mem>>
        %dma_start3A_172 = arith.constant 0 : i32
        %dma_start3A_173 = arith.constant 0 : i32
        %dma_start3A_174 = tpu.memref_slice %arg5[%arg0, %dma_start3A_172, %dma_start3A_173] : memref<2x10000x128xf32, #tpu.memory_space<hbm>> -> memref<1x10000x128xf32, #tpu.memory_space<hbm>>
        %dma_start3A_175 = tpu.memref_squeeze %dma_start3A_174 : memref<1x10000x128xf32, #tpu.memory_space<hbm>> -> memref<10000x128xf32, #tpu.memory_space<hbm>>
        %dma_start3A_176 = arith.constant 0 : i32
        %dma_start3A_177 = tpu.memref_slice %dma_start3A_175[%multiple_of3A, %dma_start3A_176] : memref<10000x128xf32, #tpu.memory_space<hbm>> -> memref<80x128xf32, #tpu.memory_space<hbm>>
        %dma_start3A_178 = arith.constant 0 : i32
        %dma_start3A_179 = tpu.memref_slice %arg11[%multiple_of3A, %dma_start3A_178] : memref<10000x128xf32, #tpu.memory_space<vmem_shared>> -> memref<80x128xf32, #tpu.memory_space<vmem_shared>>
        tpu.enqueue_dma source(%dma_start3A_179 : memref<80x128xf32, #tpu.memory_space<vmem_shared>>) target(%dma_start3A_177 : memref<80x128xf32, #tpu.memory_space<hbm>>) target_semaphore(%run_scoped3A_171 : memref<!tpu.dma_semaphore, #tpu.memory_space<semaphore_mem>>)
        %dma_wait3A_180 = arith.constant 0 : i32
        %dma_wait3A_181 = arith.constant 0 : i32
        %dma_wait3A_182 = tpu.memref_slice %arg5[%arg0, %dma_wait3A_180, %dma_wait3A_181] : memref<2x10000x128xf32, #tpu.memory_space<hbm>> -> memref<1x10000x128xf32, #tpu.memory_space<hbm>>
        %dma_wait3A_183 = tpu.memref_squeeze %dma_wait3A_182 : memref<1x10000x128xf32, #tpu.memory_space<hbm>> -> memref<10000x128xf32, #tpu.memory_space<hbm>>
        %dma_wait3A_184 = arith.constant 0 : i32
        %dma_wait3A_185 = tpu.memref_slice %dma_wait3A_183[%multiple_of3A, %dma_wait3A_184] : memref<10000x128xf32, #tpu.memory_space<hbm>> -> memref<80x128xf32, #tpu.memory_space<hbm>>
        %dma_wait3A_186 = arith.constant 0 : i32
        %dma_wait3A_187 = tpu.memref_slice %arg11[%multiple_of3A, %dma_wait3A_186] : memref<10000x128xf32, #tpu.memory_space<vmem_shared>> -> memref<80x128xf32, #tpu.memory_space<vmem_shared>>
        tpu.wait_dma2 semaphore(%run_scoped3A_171 : memref<!tpu.dma_semaphore, #tpu.memory_space<semaphore_mem>>) src(%dma_wait3A_187 : memref<80x128xf32, #tpu.memory_space<vmem_shared>>) dst(%dma_wait3A_185 : memref<80x128xf32, #tpu.memory_space<hbm>>)
        tpu.yield
      }) : () -> ()
    } else {
    }
    %add3A_148 = arith.constant 80 : i32
    %add3A_149 = arith.addi %arg1, %add3A_148 : i32
    %lt3A_150 = arith.constant 125 : i32
    %lt3A_151 = arith.cmpi slt, %add3A_149, %lt3A_150 : i32
    %convert_element_type3A_152 = arith.extui %lt3A_151 : i1 to i32
    %cond3A_153 = arith.constant 0 : i32
    %cond3A_154 = arith.cmpi ne, %convert_element_type3A_152, %cond3A_153 : i32
    scf.if %cond3A_154 {
      %mul3A_169 = arith.constant 80 : i32
      %mul3A_170 = arith.muli %add3A_149, %mul3A_169 : i32
      %multiple_of3A = tpu.assume_multiple %mul3A_170, 80 : i32
      "tpu.region"() ({
        %run_scoped3A_171 = tpu.sem_alloc : memref<!tpu.dma_semaphore, #tpu.memory_space<semaphore_mem>>
        %dma_start3A_172 = arith.constant 0 : i32
        %dma_start3A_173 = arith.constant 0 : i32
        %dma_start3A_174 = tpu.memref_slice %arg5[%arg0, %dma_start3A_172, %dma_start3A_173] : memref<2x10000x128xf32, #tpu.memory_space<hbm>> -> memref<1x10000x128xf32, #tpu.memory_space<hbm>>
        %dma_start3A_175 = tpu.memref_squeeze %dma_start3A_174 : memref<1x10000x128xf32, #tpu.memory_space<hbm>> -> memref<10000x128xf32, #tpu.memory_space<hbm>>
        %dma_start3A_176 = arith.constant 0 : i32
        %dma_start3A_177 = tpu.memref_slice %dma_start3A_175[%multiple_of3A, %dma_start3A_176] : memref<10000x128xf32, #tpu.memory_space<hbm>> -> memref<80x128xf32, #tpu.memory_space<hbm>>
        %dma_start3A_178 = arith.constant 0 : i32
        %dma_start3A_179 = tpu.memref_slice %arg11[%multiple_of3A, %dma_start3A_178] : memref<10000x128xf32, #tpu.memory_space<vmem_shared>> -> memref<80x128xf32, #tpu.memory_space<vmem_shared>>
        tpu.enqueue_dma source(%dma_start3A_179 : memref<80x128xf32, #tpu.memory_space<vmem_shared>>) target(%dma_start3A_177 : memref<80x128xf32, #tpu.memory_space<hbm>>) target_semaphore(%run_scoped3A_171 : memref<!tpu.dma_semaphore, #tpu.memory_space<semaphore_mem>>)
        %dma_wait3A_180 = arith.constant 0 : i32
        %dma_wait3A_181 = arith.constant 0 : i32
        %dma_wait3A_182 = tpu.memref_slice %arg5[%arg0, %dma_wait3A_180, %dma_wait3A_181] : memref<2x10000x128xf32, #tpu.memory_space<hbm>> -> memref<1x10000x128xf32, #tpu.memory_space<hbm>>
        %dma_wait3A_183 = tpu.memref_squeeze %dma_wait3A_182 : memref<1x10000x128xf32, #tpu.memory_space<hbm>> -> memref<10000x128xf32, #tpu.memory_space<hbm>>
        %dma_wait3A_184 = arith.constant 0 : i32
        %dma_wait3A_185 = tpu.memref_slice %dma_wait3A_183[%multiple_of3A, %dma_wait3A_184] : memref<10000x128xf32, #tpu.memory_space<hbm>> -> memref<80x128xf32, #tpu.memory_space<hbm>>
        %dma_wait3A_186 = arith.constant 0 : i32
        %dma_wait3A_187 = tpu.memref_slice %arg11[%multiple_of3A, %dma_wait3A_186] : memref<10000x128xf32, #tpu.memory_space<vmem_shared>> -> memref<80x128xf32, #tpu.memory_space<vmem_shared>>
        tpu.wait_dma2 semaphore(%run_scoped3A_171 : memref<!tpu.dma_semaphore, #tpu.memory_space<semaphore_mem>>) src(%dma_wait3A_187 : memref<80x128xf32, #tpu.memory_space<vmem_shared>>) dst(%dma_wait3A_185 : memref<80x128xf32, #tpu.memory_space<hbm>>)
        tpu.yield
      }) : () -> ()
    } else {
    }
    %add3A_155 = arith.constant 96 : i32
    %add3A_156 = arith.addi %arg1, %add3A_155 : i32
    %lt3A_157 = arith.constant 125 : i32
    %lt3A_158 = arith.cmpi slt, %add3A_156, %lt3A_157 : i32
    %convert_element_type3A_159 = arith.extui %lt3A_158 : i1 to i32
    %cond3A_160 = arith.constant 0 : i32
    %cond3A_161 = arith.cmpi ne, %convert_element_type3A_159, %cond3A_160 : i32
    scf.if %cond3A_161 {
      %mul3A_169 = arith.constant 80 : i32
      %mul3A_170 = arith.muli %add3A_156, %mul3A_169 : i32
      %multiple_of3A = tpu.assume_multiple %mul3A_170, 80 : i32
      "tpu.region"() ({
        %run_scoped3A_171 = tpu.sem_alloc : memref<!tpu.dma_semaphore, #tpu.memory_space<semaphore_mem>>
        %dma_start3A_172 = arith.constant 0 : i32
        %dma_start3A_173 = arith.constant 0 : i32
        %dma_start3A_174 = tpu.memref_slice %arg5[%arg0, %dma_start3A_172, %dma_start3A_173] : memref<2x10000x128xf32, #tpu.memory_space<hbm>> -> memref<1x10000x128xf32, #tpu.memory_space<hbm>>
        %dma_start3A_175 = tpu.memref_squeeze %dma_start3A_174 : memref<1x10000x128xf32, #tpu.memory_space<hbm>> -> memref<10000x128xf32, #tpu.memory_space<hbm>>
        %dma_start3A_176 = arith.constant 0 : i32
        %dma_start3A_177 = tpu.memref_slice %dma_start3A_175[%multiple_of3A, %dma_start3A_176] : memref<10000x128xf32, #tpu.memory_space<hbm>> -> memref<80x128xf32, #tpu.memory_space<hbm>>
        %dma_start3A_178 = arith.constant 0 : i32
        %dma_start3A_179 = tpu.memref_slice %arg11[%multiple_of3A, %dma_start3A_178] : memref<10000x128xf32, #tpu.memory_space<vmem_shared>> -> memref<80x128xf32, #tpu.memory_space<vmem_shared>>
        tpu.enqueue_dma source(%dma_start3A_179 : memref<80x128xf32, #tpu.memory_space<vmem_shared>>) target(%dma_start3A_177 : memref<80x128xf32, #tpu.memory_space<hbm>>) target_semaphore(%run_scoped3A_171 : memref<!tpu.dma_semaphore, #tpu.memory_space<semaphore_mem>>)
        %dma_wait3A_180 = arith.constant 0 : i32
        %dma_wait3A_181 = arith.constant 0 : i32
        %dma_wait3A_182 = tpu.memref_slice %arg5[%arg0, %dma_wait3A_180, %dma_wait3A_181] : memref<2x10000x128xf32, #tpu.memory_space<hbm>> -> memref<1x10000x128xf32, #tpu.memory_space<hbm>>
        %dma_wait3A_183 = tpu.memref_squeeze %dma_wait3A_182 : memref<1x10000x128xf32, #tpu.memory_space<hbm>> -> memref<10000x128xf32, #tpu.memory_space<hbm>>
        %dma_wait3A_184 = arith.constant 0 : i32
        %dma_wait3A_185 = tpu.memref_slice %dma_wait3A_183[%multiple_of3A, %dma_wait3A_184] : memref<10000x128xf32, #tpu.memory_space<hbm>> -> memref<80x128xf32, #tpu.memory_space<hbm>>
        %dma_wait3A_186 = arith.constant 0 : i32
        %dma_wait3A_187 = tpu.memref_slice %arg11[%multiple_of3A, %dma_wait3A_186] : memref<10000x128xf32, #tpu.memory_space<vmem_shared>> -> memref<80x128xf32, #tpu.memory_space<vmem_shared>>
        tpu.wait_dma2 semaphore(%run_scoped3A_171 : memref<!tpu.dma_semaphore, #tpu.memory_space<semaphore_mem>>) src(%dma_wait3A_187 : memref<80x128xf32, #tpu.memory_space<vmem_shared>>) dst(%dma_wait3A_185 : memref<80x128xf32, #tpu.memory_space<hbm>>)
        tpu.yield
      }) : () -> ()
    } else {
    }
    %add3A_162 = arith.constant 112 : i32
    %add3A_163 = arith.addi %arg1, %add3A_162 : i32
    %lt3A_164 = arith.constant 125 : i32
    %lt3A_165 = arith.cmpi slt, %add3A_163, %lt3A_164 : i32
    %convert_element_type3A_166 = arith.extui %lt3A_165 : i1 to i32
    %cond3A_167 = arith.constant 0 : i32
    %cond3A_168 = arith.cmpi ne, %convert_element_type3A_166, %cond3A_167 : i32
    scf.if %cond3A_168 {
      %mul3A_169 = arith.constant 80 : i32
      %mul3A_170 = arith.muli %add3A_163, %mul3A_169 : i32
      %multiple_of3A = tpu.assume_multiple %mul3A_170, 80 : i32
      "tpu.region"() ({
        %run_scoped3A_171 = tpu.sem_alloc : memref<!tpu.dma_semaphore, #tpu.memory_space<semaphore_mem>>
        %dma_start3A_172 = arith.constant 0 : i32
        %dma_start3A_173 = arith.constant 0 : i32
        %dma_start3A_174 = tpu.memref_slice %arg5[%arg0, %dma_start3A_172, %dma_start3A_173] : memref<2x10000x128xf32, #tpu.memory_space<hbm>> -> memref<1x10000x128xf32, #tpu.memory_space<hbm>>
        %dma_start3A_175 = tpu.memref_squeeze %dma_start3A_174 : memref<1x10000x128xf32, #tpu.memory_space<hbm>> -> memref<10000x128xf32, #tpu.memory_space<hbm>>
        %dma_start3A_176 = arith.constant 0 : i32
        %dma_start3A_177 = tpu.memref_slice %dma_start3A_175[%multiple_of3A, %dma_start3A_176] : memref<10000x128xf32, #tpu.memory_space<hbm>> -> memref<80x128xf32, #tpu.memory_space<hbm>>
        %dma_start3A_178 = arith.constant 0 : i32
        %dma_start3A_179 = tpu.memref_slice %arg11[%multiple_of3A, %dma_start3A_178] : memref<10000x128xf32, #tpu.memory_space<vmem_shared>> -> memref<80x128xf32, #tpu.memory_space<vmem_shared>>
        tpu.enqueue_dma source(%dma_start3A_179 : memref<80x128xf32, #tpu.memory_space<vmem_shared>>) target(%dma_start3A_177 : memref<80x128xf32, #tpu.memory_space<hbm>>) target_semaphore(%run_scoped3A_171 : memref<!tpu.dma_semaphore, #tpu.memory_space<semaphore_mem>>)
        %dma_wait3A_180 = arith.constant 0 : i32
        %dma_wait3A_181 = arith.constant 0 : i32
        %dma_wait3A_182 = tpu.memref_slice %arg5[%arg0, %dma_wait3A_180, %dma_wait3A_181] : memref<2x10000x128xf32, #tpu.memory_space<hbm>> -> memref<1x10000x128xf32, #tpu.memory_space<hbm>>
        %dma_wait3A_183 = tpu.memref_squeeze %dma_wait3A_182 : memref<1x10000x128xf32, #tpu.memory_space<hbm>> -> memref<10000x128xf32, #tpu.memory_space<hbm>>
        %dma_wait3A_184 = arith.constant 0 : i32
        %dma_wait3A_185 = tpu.memref_slice %dma_wait3A_183[%multiple_of3A, %dma_wait3A_184] : memref<10000x128xf32, #tpu.memory_space<hbm>> -> memref<80x128xf32, #tpu.memory_space<hbm>>
        %dma_wait3A_186 = arith.constant 0 : i32
        %dma_wait3A_187 = tpu.memref_slice %arg11[%multiple_of3A, %dma_wait3A_186] : memref<10000x128xf32, #tpu.memory_space<vmem_shared>> -> memref<80x128xf32, #tpu.memory_space<vmem_shared>>
        tpu.wait_dma2 semaphore(%run_scoped3A_171 : memref<!tpu.dma_semaphore, #tpu.memory_space<semaphore_mem>>) src(%dma_wait3A_187 : memref<80x128xf32, #tpu.memory_space<vmem_shared>>) dst(%dma_wait3A_185 : memref<80x128xf32, #tpu.memory_space<hbm>>)
        tpu.yield
      }) : () -> ()
    } else {
    }
    return
  }
}

#map = affine_map<(d0, d1) -> (0, 0)>
#map1 = affine_map<(d0, d1) -> (0, 0, 0)>
module attributes {stable_mosaic.version = 14 : i64} {
  func.func @body(%arg0: i32, %arg1: i32, %arg2: memref<10000x128xf32, #tpu.memory_space<hbm>>, %arg3: memref<4000x80xi32, #tpu.memory_space<hbm>>, %arg4: memref<4000x80xi32, #tpu.memory_space<hbm>>, %arg5: memref<2x10000x128xf32, #tpu.memory_space<hbm>>, %arg6: memref<125x80xi32, #tpu.memory_space<vmem>>, %arg7: memref<125x80xi32, #tpu.memory_space<vmem>>, %arg8: memref<80x128xf32, #tpu.memory_space<vmem>>, %arg9: memref<80x128xf32, #tpu.memory_space<vmem>>, %arg10: memref<80x128xf32, #tpu.memory_space<vmem>>, %arg11: memref<10000x128xf32, #tpu.memory_space<vmem_shared>>, %arg12: memref<!tpu.dma_semaphore, #tpu.memory_space<semaphore_mem>>, %arg13: memref<!tpu.dma_semaphore, #tpu.memory_space<semaphore_mem>>, %arg14: memref<!tpu.dma_semaphore, #tpu.memory_space<semaphore_mem>>, %arg15: memref<!tpu.dma_semaphore, #tpu.memory_space<semaphore_mem>>, %arg16: memref<!tpu.dma_semaphore, #tpu.memory_space<semaphore_mem>>) attributes {dimension_semantics = [#tpu.dimension_semantics<core_parallel>, #tpu.dimension_semantics<subcore_parallel>], iteration_bounds = array<i64: 2, 16>, scalar_prefetch = 0 : i64, scratch_operands = 11 : i64, tpu.core_type = #tpu.core_type<sc_vector_subcore>, window_params = [{transform_indices = #map}, {transform_indices = #map}, {transform_indices = #map}, {transform_indices = #map1}]} {
    %mul3A = arith.constant 16 : i32
    %mul3A_0 = arith.muli %arg0, %mul3A : i32
    %add3A = arith.addi %mul3A_0, %arg1 : i32
    %mul3A_1 = arith.constant 125 : i32
    %mul3A_2 = arith.muli %add3A, %mul3A_1 : i32
    %dma_start3A = arith.constant 0 : i32
    %dma_start3A_3 = tpu.memref_slice %arg3[%mul3A_2, %dma_start3A] : memref<4000x80xi32, #tpu.memory_space<hbm>> -> memref<125x80xi32, #tpu.memory_space<hbm>>
    %dma_start3A_4 = arith.constant 0 : i32
    %dma_start3A_5 = tpu.memref_slice %arg3[%mul3A_2, %dma_start3A_4] : memref<4000x80xi32, #tpu.memory_space<hbm>> -> memref<125x80xi32, #tpu.memory_space<hbm>>
    tpu.enqueue_dma source(%dma_start3A_5 : memref<125x80xi32, #tpu.memory_space<hbm>>) target(%arg6 : memref<125x80xi32, #tpu.memory_space<vmem>>) target_semaphore(%arg16 : memref<!tpu.dma_semaphore, #tpu.memory_space<semaphore_mem>>)
    %mul3A_6 = arith.constant 125 : i32
    %mul3A_7 = arith.muli %add3A, %mul3A_6 : i32
    %dma_start3A_8 = arith.constant 0 : i32
    %dma_start3A_9 = tpu.memref_slice %arg4[%mul3A_7, %dma_start3A_8] : memref<4000x80xi32, #tpu.memory_space<hbm>> -> memref<125x80xi32, #tpu.memory_space<hbm>>
    %dma_start3A_10 = arith.constant 0 : i32
    %dma_start3A_11 = tpu.memref_slice %arg4[%mul3A_7, %dma_start3A_10] : memref<4000x80xi32, #tpu.memory_space<hbm>> -> memref<125x80xi32, #tpu.memory_space<hbm>>
    tpu.enqueue_dma source(%dma_start3A_11 : memref<125x80xi32, #tpu.memory_space<hbm>>) target(%arg7 : memref<125x80xi32, #tpu.memory_space<vmem>>) target_semaphore(%arg16 : memref<!tpu.dma_semaphore, #tpu.memory_space<semaphore_mem>>)
    %scan3A = arith.constant 0 : i32
    %scan3A_12 = arith.constant 0 : i32
    %scan3A_13 = arith.constant 80 : i32
    %scan3A_14 = arith.addi %scan3A_12, %scan3A_13 : i32
    %scan3A_15 = arith.constant 1 : i32
    scf.for %scan3A_169 = %scan3A_12 to %scan3A_14 step %scan3A_15  : i32 {
      %broadcast_in_dim3A = arith.constant 0.000000e+00 : f32
      %broadcast_in_dim3A_170 = vector.broadcast %broadcast_in_dim3A : f32 to vector<16xf32>
      %swap3A = arith.index_cast %scan3A_169 : i32 to index
      %swap3A_171 = arith.constant 0 : index
      %swap3A_172 = tpu.vector_load %arg8[%swap3A, %swap3A_171] {strides = array<i32>} : memref<80x128xf32, #tpu.memory_space<vmem>>, vector<1x16xf32>,
      %swap3A_173 = vector.shape_cast %swap3A_172 : vector<1x16xf32> to vector<16xf32>
      %swap3A_174 = vector.shape_cast %broadcast_in_dim3A_170 : vector<16xf32> to vector<1x16xf32>
      tpu.vector_store %arg8[%swap3A, %swap3A_171], %swap3A_174 {strides = array<i32>} : memref<80x128xf32, #tpu.memory_space<vmem>>, vector<1x16xf32>,
      %broadcast_in_dim3A_175 = arith.constant 0.000000e+00 : f32
      %broadcast_in_dim3A_176 = vector.broadcast %broadcast_in_dim3A_175 : f32 to vector<16xf32>
      %swap3A_177 = arith.index_cast %scan3A_169 : i32 to index
      %swap3A_178 = arith.constant 16 : index
      %swap3A_179 = tpu.vector_load %arg8[%swap3A_177, %swap3A_178] {strides = array<i32>} : memref<80x128xf32, #tpu.memory_space<vmem>>, vector<1x16xf32>,
      %swap3A_180 = vector.shape_cast %swap3A_179 : vector<1x16xf32> to vector<16xf32>
      %swap3A_181 = vector.shape_cast %broadcast_in_dim3A_176 : vector<16xf32> to vector<1x16xf32>
      tpu.vector_store %arg8[%swap3A_177, %swap3A_178], %swap3A_181 {strides = array<i32>} : memref<80x128xf32, #tpu.memory_space<vmem>>, vector<1x16xf32>,
      %broadcast_in_dim3A_182 = arith.constant 0.000000e+00 : f32
      %broadcast_in_dim3A_183 = vector.broadcast %broadcast_in_dim3A_182 : f32 to vector<16xf32>
      %swap3A_184 = arith.index_cast %scan3A_169 : i32 to index
      %swap3A_185 = arith.constant 32 : index
      %swap3A_186 = tpu.vector_load %arg8[%swap3A_184, %swap3A_185] {strides = array<i32>} : memref<80x128xf32, #tpu.memory_space<vmem>>, vector<1x16xf32>,
      %swap3A_187 = vector.shape_cast %swap3A_186 : vector<1x16xf32> to vector<16xf32>
      %swap3A_188 = vector.shape_cast %broadcast_in_dim3A_183 : vector<16xf32> to vector<1x16xf32>
      tpu.vector_store %arg8[%swap3A_184, %swap3A_185], %swap3A_188 {strides = array<i32>} : memref<80x128xf32, #tpu.memory_space<vmem>>, vector<1x16xf32>,
      %broadcast_in_dim3A_189 = arith.constant 0.000000e+00 : f32
      %broadcast_in_dim3A_190 = vector.broadcast %broadcast_in_dim3A_189 : f32 to vector<16xf32>
      %swap3A_191 = arith.index_cast %scan3A_169 : i32 to index
      %swap3A_192 = arith.constant 48 : index
      %swap3A_193 = tpu.vector_load %arg8[%swap3A_191, %swap3A_192] {strides = array<i32>} : memref<80x128xf32, #tpu.memory_space<vmem>>, vector<1x16xf32>,
      %swap3A_194 = vector.shape_cast %swap3A_193 : vector<1x16xf32> to vector<16xf32>
      %swap3A_195 = vector.shape_cast %broadcast_in_dim3A_190 : vector<16xf32> to vector<1x16xf32>
      tpu.vector_store %arg8[%swap3A_191, %swap3A_192], %swap3A_195 {strides = array<i32>} : memref<80x128xf32, #tpu.memory_space<vmem>>, vector<1x16xf32>,
      %broadcast_in_dim3A_196 = arith.constant 0.000000e+00 : f32
      %broadcast_in_dim3A_197 = vector.broadcast %broadcast_in_dim3A_196 : f32 to vector<16xf32>
      %swap3A_198 = arith.index_cast %scan3A_169 : i32 to index
      %swap3A_199 = arith.constant 64 : index
      %swap3A_200 = tpu.vector_load %arg8[%swap3A_198, %swap3A_199] {strides = array<i32>} : memref<80x128xf32, #tpu.memory_space<vmem>>, vector<1x16xf32>,
      %swap3A_201 = vector.shape_cast %swap3A_200 : vector<1x16xf32> to vector<16xf32>
      %swap3A_202 = vector.shape_cast %broadcast_in_dim3A_197 : vector<16xf32> to vector<1x16xf32>
      tpu.vector_store %arg8[%swap3A_198, %swap3A_199], %swap3A_202 {strides = array<i32>} : memref<80x128xf32, #tpu.memory_space<vmem>>, vector<1x16xf32>,
      %broadcast_in_dim3A_203 = arith.constant 0.000000e+00 : f32
      %broadcast_in_dim3A_204 = vector.broadcast %broadcast_in_dim3A_203 : f32 to vector<16xf32>
      %swap3A_205 = arith.index_cast %scan3A_169 : i32 to index
      %swap3A_206 = arith.constant 80 : index
      %swap3A_207 = tpu.vector_load %arg8[%swap3A_205, %swap3A_206] {strides = array<i32>} : memref<80x128xf32, #tpu.memory_space<vmem>>, vector<1x16xf32>,
      %swap3A_208 = vector.shape_cast %swap3A_207 : vector<1x16xf32> to vector<16xf32>
      %swap3A_209 = vector.shape_cast %broadcast_in_dim3A_204 : vector<16xf32> to vector<1x16xf32>
      tpu.vector_store %arg8[%swap3A_205, %swap3A_206], %swap3A_209 {strides = array<i32>} : memref<80x128xf32, #tpu.memory_space<vmem>>, vector<1x16xf32>,
      %broadcast_in_dim3A_210 = arith.constant 0.000000e+00 : f32
      %broadcast_in_dim3A_211 = vector.broadcast %broadcast_in_dim3A_210 : f32 to vector<16xf32>
      %swap3A_212 = arith.index_cast %scan3A_169 : i32 to index
      %swap3A_213 = arith.constant 96 : index
      %swap3A_214 = tpu.vector_load %arg8[%swap3A_212, %swap3A_213] {strides = array<i32>} : memref<80x128xf32, #tpu.memory_space<vmem>>, vector<1x16xf32>,
      %swap3A_215 = vector.shape_cast %swap3A_214 : vector<1x16xf32> to vector<16xf32>
      %swap3A_216 = vector.shape_cast %broadcast_in_dim3A_211 : vector<16xf32> to vector<1x16xf32>
      tpu.vector_store %arg8[%swap3A_212, %swap3A_213], %swap3A_216 {strides = array<i32>} : memref<80x128xf32, #tpu.memory_space<vmem>>, vector<1x16xf32>,
      %broadcast_in_dim3A_217 = arith.constant 0.000000e+00 : f32
      %broadcast_in_dim3A_218 = vector.broadcast %broadcast_in_dim3A_217 : f32 to vector<16xf32>
      %swap3A_219 = arith.index_cast %scan3A_169 : i32 to index
      %swap3A_220 = arith.constant 112 : index
      %swap3A_221 = tpu.vector_load %arg8[%swap3A_219, %swap3A_220] {strides = array<i32>} : memref<80x128xf32, #tpu.memory_space<vmem>>, vector<1x16xf32>,
      %swap3A_222 = vector.shape_cast %swap3A_221 : vector<1x16xf32> to vector<16xf32>
      %swap3A_223 = vector.shape_cast %broadcast_in_dim3A_218 : vector<16xf32> to vector<1x16xf32>
      tpu.vector_store %arg8[%swap3A_219, %swap3A_220], %swap3A_223 {strides = array<i32>} : memref<80x128xf32, #tpu.memory_space<vmem>>, vector<1x16xf32>,
    }
    %scan3A_16 = arith.constant 80 : i32
    %add3A_17 = arith.constant 0 : i32
    %add3A_18 = arith.addi %arg1, %add3A_17 : i32
    %lt3A = arith.constant 125 : i32
    %lt3A_19 = arith.cmpi slt, %add3A_18, %lt3A : i32
    %convert_element_type3A = arith.extui %lt3A_19 : i1 to i32
    %cond3A = arith.constant 0 : i32
    %cond3A_20 = arith.cmpi ne, %convert_element_type3A, %cond3A : i32
    scf.if %cond3A_20 {
      %mul3A_169 = arith.constant 80 : i32
      %mul3A_170 = arith.muli %add3A_18, %mul3A_169 : i32
      %multiple_of3A = tpu.assume_multiple %mul3A_170, 80 : i32
      "tpu.region"() ({
        %run_scoped3A_171 = tpu.sem_alloc : memref<!tpu.dma_semaphore, #tpu.memory_space<semaphore_mem>>
        %dma_start3A_172 = arith.constant 0 : i32
        %dma_start3A_173 = tpu.memref_slice %arg11[%multiple_of3A, %dma_start3A_172] : memref<10000x128xf32, #tpu.memory_space<vmem_shared>> -> memref<80x128xf32, #tpu.memory_space<vmem_shared>>
        %dma_start3A_174 = arith.constant 0 : i32
        %dma_start3A_175 = tpu.memref_slice %arg11[%multiple_of3A, %dma_start3A_174] : memref<10000x128xf32, #tpu.memory_space<vmem_shared>> -> memref<80x128xf32, #tpu.memory_space<vmem_shared>>
        tpu.enqueue_dma source(%arg8 : memref<80x128xf32, #tpu.memory_space<vmem>>) target(%dma_start3A_175 : memref<80x128xf32, #tpu.memory_space<vmem_shared>>) target_semaphore(%run_scoped3A_171 : memref<!tpu.dma_semaphore, #tpu.memory_space<semaphore_mem>>)
        %dma_wait3A_176 = arith.constant 0 : i32
        %dma_wait3A_177 = tpu.memref_slice %arg11[%multiple_of3A, %dma_wait3A_176] : memref<10000x128xf32, #tpu.memory_space<vmem_shared>> -> memref<80x128xf32, #tpu.memory_space<vmem_shared>>
        %dma_wait3A_178 = arith.constant 0 : i32
        %dma_wait3A_179 = tpu.memref_slice %arg11[%multiple_of3A, %dma_wait3A_178] : memref<10000x128xf32, #tpu.memory_space<vmem_shared>> -> memref<80x128xf32, #tpu.memory_space<vmem_shared>>
        tpu.wait_dma2 semaphore(%run_scoped3A_171 : memref<!tpu.dma_semaphore, #tpu.memory_space<semaphore_mem>>) src(%arg8 : memref<80x128xf32, #tpu.memory_space<vmem>>) dst(%dma_wait3A_179 : memref<80x128xf32, #tpu.memory_space<vmem_shared>>)
        tpu.yield
      }) : () -> ()
    } else {
    }
    %add3A_21 = arith.constant 16 : i32
    %add3A_22 = arith.addi %arg1, %add3A_21 : i32
    %lt3A_23 = arith.constant 125 : i32
    %lt3A_24 = arith.cmpi slt, %add3A_22, %lt3A_23 : i32
    %convert_element_type3A_25 = arith.extui %lt3A_24 : i1 to i32
    %cond3A_26 = arith.constant 0 : i32
    %cond3A_27 = arith.cmpi ne, %convert_element_type3A_25, %cond3A_26 : i32
    scf.if %cond3A_27 {
      %mul3A_169 = arith.constant 80 : i32
      %mul3A_170 = arith.muli %add3A_22, %mul3A_169 : i32
      %multiple_of3A = tpu.assume_multiple %mul3A_170, 80 : i32
      "tpu.region"() ({
        %run_scoped3A_171 = tpu.sem_alloc : memref<!tpu.dma_semaphore, #tpu.memory_space<semaphore_mem>>
        %dma_start3A_172 = arith.constant 0 : i32
        %dma_start3A_173 = tpu.memref_slice %arg11[%multiple_of3A, %dma_start3A_172] : memref<10000x128xf32, #tpu.memory_space<vmem_shared>> -> memref<80x128xf32, #tpu.memory_space<vmem_shared>>
        %dma_start3A_174 = arith.constant 0 : i32
        %dma_start3A_175 = tpu.memref_slice %arg11[%multiple_of3A, %dma_start3A_174] : memref<10000x128xf32, #tpu.memory_space<vmem_shared>> -> memref<80x128xf32, #tpu.memory_space<vmem_shared>>
        tpu.enqueue_dma source(%arg8 : memref<80x128xf32, #tpu.memory_space<vmem>>) target(%dma_start3A_175 : memref<80x128xf32, #tpu.memory_space<vmem_shared>>) target_semaphore(%run_scoped3A_171 : memref<!tpu.dma_semaphore, #tpu.memory_space<semaphore_mem>>)
        %dma_wait3A_176 = arith.constant 0 : i32
        %dma_wait3A_177 = tpu.memref_slice %arg11[%multiple_of3A, %dma_wait3A_176] : memref<10000x128xf32, #tpu.memory_space<vmem_shared>> -> memref<80x128xf32, #tpu.memory_space<vmem_shared>>
        %dma_wait3A_178 = arith.constant 0 : i32
        %dma_wait3A_179 = tpu.memref_slice %arg11[%multiple_of3A, %dma_wait3A_178] : memref<10000x128xf32, #tpu.memory_space<vmem_shared>> -> memref<80x128xf32, #tpu.memory_space<vmem_shared>>
        tpu.wait_dma2 semaphore(%run_scoped3A_171 : memref<!tpu.dma_semaphore, #tpu.memory_space<semaphore_mem>>) src(%arg8 : memref<80x128xf32, #tpu.memory_space<vmem>>) dst(%dma_wait3A_179 : memref<80x128xf32, #tpu.memory_space<vmem_shared>>)
        tpu.yield
      }) : () -> ()
    } else {
    }
    %add3A_28 = arith.constant 32 : i32
    %add3A_29 = arith.addi %arg1, %add3A_28 : i32
    %lt3A_30 = arith.constant 125 : i32
    %lt3A_31 = arith.cmpi slt, %add3A_29, %lt3A_30 : i32
    %convert_element_type3A_32 = arith.extui %lt3A_31 : i1 to i32
    %cond3A_33 = arith.constant 0 : i32
    %cond3A_34 = arith.cmpi ne, %convert_element_type3A_32, %cond3A_33 : i32
    scf.if %cond3A_34 {
      %mul3A_169 = arith.constant 80 : i32
      %mul3A_170 = arith.muli %add3A_29, %mul3A_169 : i32
      %multiple_of3A = tpu.assume_multiple %mul3A_170, 80 : i32
      "tpu.region"() ({
        %run_scoped3A_171 = tpu.sem_alloc : memref<!tpu.dma_semaphore, #tpu.memory_space<semaphore_mem>>
        %dma_start3A_172 = arith.constant 0 : i32
        %dma_start3A_173 = tpu.memref_slice %arg11[%multiple_of3A, %dma_start3A_172] : memref<10000x128xf32, #tpu.memory_space<vmem_shared>> -> memref<80x128xf32, #tpu.memory_space<vmem_shared>>
        %dma_start3A_174 = arith.constant 0 : i32
        %dma_start3A_175 = tpu.memref_slice %arg11[%multiple_of3A, %dma_start3A_174] : memref<10000x128xf32, #tpu.memory_space<vmem_shared>> -> memref<80x128xf32, #tpu.memory_space<vmem_shared>>
        tpu.enqueue_dma source(%arg8 : memref<80x128xf32, #tpu.memory_space<vmem>>) target(%dma_start3A_175 : memref<80x128xf32, #tpu.memory_space<vmem_shared>>) target_semaphore(%run_scoped3A_171 : memref<!tpu.dma_semaphore, #tpu.memory_space<semaphore_mem>>)
        %dma_wait3A_176 = arith.constant 0 : i32
        %dma_wait3A_177 = tpu.memref_slice %arg11[%multiple_of3A, %dma_wait3A_176] : memref<10000x128xf32, #tpu.memory_space<vmem_shared>> -> memref<80x128xf32, #tpu.memory_space<vmem_shared>>
        %dma_wait3A_178 = arith.constant 0 : i32
        %dma_wait3A_179 = tpu.memref_slice %arg11[%multiple_of3A, %dma_wait3A_178] : memref<10000x128xf32, #tpu.memory_space<vmem_shared>> -> memref<80x128xf32, #tpu.memory_space<vmem_shared>>
        tpu.wait_dma2 semaphore(%run_scoped3A_171 : memref<!tpu.dma_semaphore, #tpu.memory_space<semaphore_mem>>) src(%arg8 : memref<80x128xf32, #tpu.memory_space<vmem>>) dst(%dma_wait3A_179 : memref<80x128xf32, #tpu.memory_space<vmem_shared>>)
        tpu.yield
      }) : () -> ()
    } else {
    }
    %add3A_35 = arith.constant 48 : i32
    %add3A_36 = arith.addi %arg1, %add3A_35 : i32
    %lt3A_37 = arith.constant 125 : i32
    %lt3A_38 = arith.cmpi slt, %add3A_36, %lt3A_37 : i32
    %convert_element_type3A_39 = arith.extui %lt3A_38 : i1 to i32
    %cond3A_40 = arith.constant 0 : i32
    %cond3A_41 = arith.cmpi ne, %convert_element_type3A_39, %cond3A_40 : i32
    scf.if %cond3A_41 {
      %mul3A_169 = arith.constant 80 : i32
      %mul3A_170 = arith.muli %add3A_36, %mul3A_169 : i32
      %multiple_of3A = tpu.assume_multiple %mul3A_170, 80 : i32
      "tpu.region"() ({
        %run_scoped3A_171 = tpu.sem_alloc : memref<!tpu.dma_semaphore, #tpu.memory_space<semaphore_mem>>
        %dma_start3A_172 = arith.constant 0 : i32
        %dma_start3A_173 = tpu.memref_slice %arg11[%multiple_of3A, %dma_start3A_172] : memref<10000x128xf32, #tpu.memory_space<vmem_shared>> -> memref<80x128xf32, #tpu.memory_space<vmem_shared>>
        %dma_start3A_174 = arith.constant 0 : i32
        %dma_start3A_175 = tpu.memref_slice %arg11[%multiple_of3A, %dma_start3A_174] : memref<10000x128xf32, #tpu.memory_space<vmem_shared>> -> memref<80x128xf32, #tpu.memory_space<vmem_shared>>
        tpu.enqueue_dma source(%arg8 : memref<80x128xf32, #tpu.memory_space<vmem>>) target(%dma_start3A_175 : memref<80x128xf32, #tpu.memory_space<vmem_shared>>) target_semaphore(%run_scoped3A_171 : memref<!tpu.dma_semaphore, #tpu.memory_space<semaphore_mem>>)
        %dma_wait3A_176 = arith.constant 0 : i32
        %dma_wait3A_177 = tpu.memref_slice %arg11[%multiple_of3A, %dma_wait3A_176] : memref<10000x128xf32, #tpu.memory_space<vmem_shared>> -> memref<80x128xf32, #tpu.memory_space<vmem_shared>>
        %dma_wait3A_178 = arith.constant 0 : i32
        %dma_wait3A_179 = tpu.memref_slice %arg11[%multiple_of3A, %dma_wait3A_178] : memref<10000x128xf32, #tpu.memory_space<vmem_shared>> -> memref<80x128xf32, #tpu.memory_space<vmem_shared>>
        tpu.wait_dma2 semaphore(%run_scoped3A_171 : memref<!tpu.dma_semaphore, #tpu.memory_space<semaphore_mem>>) src(%arg8 : memref<80x128xf32, #tpu.memory_space<vmem>>) dst(%dma_wait3A_179 : memref<80x128xf32, #tpu.memory_space<vmem_shared>>)
        tpu.yield
      }) : () -> ()
    } else {
    }
    %add3A_42 = arith.constant 64 : i32
    %add3A_43 = arith.addi %arg1, %add3A_42 : i32
    %lt3A_44 = arith.constant 125 : i32
    %lt3A_45 = arith.cmpi slt, %add3A_43, %lt3A_44 : i32
    %convert_element_type3A_46 = arith.extui %lt3A_45 : i1 to i32
    %cond3A_47 = arith.constant 0 : i32
    %cond3A_48 = arith.cmpi ne, %convert_element_type3A_46, %cond3A_47 : i32
    scf.if %cond3A_48 {
      %mul3A_169 = arith.constant 80 : i32
      %mul3A_170 = arith.muli %add3A_43, %mul3A_169 : i32
      %multiple_of3A = tpu.assume_multiple %mul3A_170, 80 : i32
      "tpu.region"() ({
        %run_scoped3A_171 = tpu.sem_alloc : memref<!tpu.dma_semaphore, #tpu.memory_space<semaphore_mem>>
        %dma_start3A_172 = arith.constant 0 : i32
        %dma_start3A_173 = tpu.memref_slice %arg11[%multiple_of3A, %dma_start3A_172] : memref<10000x128xf32, #tpu.memory_space<vmem_shared>> -> memref<80x128xf32, #tpu.memory_space<vmem_shared>>
        %dma_start3A_174 = arith.constant 0 : i32
        %dma_start3A_175 = tpu.memref_slice %arg11[%multiple_of3A, %dma_start3A_174] : memref<10000x128xf32, #tpu.memory_space<vmem_shared>> -> memref<80x128xf32, #tpu.memory_space<vmem_shared>>
        tpu.enqueue_dma source(%arg8 : memref<80x128xf32, #tpu.memory_space<vmem>>) target(%dma_start3A_175 : memref<80x128xf32, #tpu.memory_space<vmem_shared>>) target_semaphore(%run_scoped3A_171 : memref<!tpu.dma_semaphore, #tpu.memory_space<semaphore_mem>>)
        %dma_wait3A_176 = arith.constant 0 : i32
        %dma_wait3A_177 = tpu.memref_slice %arg11[%multiple_of3A, %dma_wait3A_176] : memref<10000x128xf32, #tpu.memory_space<vmem_shared>> -> memref<80x128xf32, #tpu.memory_space<vmem_shared>>
        %dma_wait3A_178 = arith.constant 0 : i32
        %dma_wait3A_179 = tpu.memref_slice %arg11[%multiple_of3A, %dma_wait3A_178] : memref<10000x128xf32, #tpu.memory_space<vmem_shared>> -> memref<80x128xf32, #tpu.memory_space<vmem_shared>>
        tpu.wait_dma2 semaphore(%run_scoped3A_171 : memref<!tpu.dma_semaphore, #tpu.memory_space<semaphore_mem>>) src(%arg8 : memref<80x128xf32, #tpu.memory_space<vmem>>) dst(%dma_wait3A_179 : memref<80x128xf32, #tpu.memory_space<vmem_shared>>)
        tpu.yield
      }) : () -> ()
    } else {
    }
    %add3A_49 = arith.constant 80 : i32
    %add3A_50 = arith.addi %arg1, %add3A_49 : i32
    %lt3A_51 = arith.constant 125 : i32
    %lt3A_52 = arith.cmpi slt, %add3A_50, %lt3A_51 : i32
    %convert_element_type3A_53 = arith.extui %lt3A_52 : i1 to i32
    %cond3A_54 = arith.constant 0 : i32
    %cond3A_55 = arith.cmpi ne, %convert_element_type3A_53, %cond3A_54 : i32
    scf.if %cond3A_55 {
      %mul3A_169 = arith.constant 80 : i32
      %mul3A_170 = arith.muli %add3A_50, %mul3A_169 : i32
      %multiple_of3A = tpu.assume_multiple %mul3A_170, 80 : i32
      "tpu.region"() ({
        %run_scoped3A_171 = tpu.sem_alloc : memref<!tpu.dma_semaphore, #tpu.memory_space<semaphore_mem>>
        %dma_start3A_172 = arith.constant 0 : i32
        %dma_start3A_173 = tpu.memref_slice %arg11[%multiple_of3A, %dma_start3A_172] : memref<10000x128xf32, #tpu.memory_space<vmem_shared>> -> memref<80x128xf32, #tpu.memory_space<vmem_shared>>
        %dma_start3A_174 = arith.constant 0 : i32
        %dma_start3A_175 = tpu.memref_slice %arg11[%multiple_of3A, %dma_start3A_174] : memref<10000x128xf32, #tpu.memory_space<vmem_shared>> -> memref<80x128xf32, #tpu.memory_space<vmem_shared>>
        tpu.enqueue_dma source(%arg8 : memref<80x128xf32, #tpu.memory_space<vmem>>) target(%dma_start3A_175 : memref<80x128xf32, #tpu.memory_space<vmem_shared>>) target_semaphore(%run_scoped3A_171 : memref<!tpu.dma_semaphore, #tpu.memory_space<semaphore_mem>>)
        %dma_wait3A_176 = arith.constant 0 : i32
        %dma_wait3A_177 = tpu.memref_slice %arg11[%multiple_of3A, %dma_wait3A_176] : memref<10000x128xf32, #tpu.memory_space<vmem_shared>> -> memref<80x128xf32, #tpu.memory_space<vmem_shared>>
        %dma_wait3A_178 = arith.constant 0 : i32
        %dma_wait3A_179 = tpu.memref_slice %arg11[%multiple_of3A, %dma_wait3A_178] : memref<10000x128xf32, #tpu.memory_space<vmem_shared>> -> memref<80x128xf32, #tpu.memory_space<vmem_shared>>
        tpu.wait_dma2 semaphore(%run_scoped3A_171 : memref<!tpu.dma_semaphore, #tpu.memory_space<semaphore_mem>>) src(%arg8 : memref<80x128xf32, #tpu.memory_space<vmem>>) dst(%dma_wait3A_179 : memref<80x128xf32, #tpu.memory_space<vmem_shared>>)
        tpu.yield
      }) : () -> ()
    } else {
    }
    %add3A_56 = arith.constant 96 : i32
    %add3A_57 = arith.addi %arg1, %add3A_56 : i32
    %lt3A_58 = arith.constant 125 : i32
    %lt3A_59 = arith.cmpi slt, %add3A_57, %lt3A_58 : i32
    %convert_element_type3A_60 = arith.extui %lt3A_59 : i1 to i32
    %cond3A_61 = arith.constant 0 : i32
    %cond3A_62 = arith.cmpi ne, %convert_element_type3A_60, %cond3A_61 : i32
    scf.if %cond3A_62 {
      %mul3A_169 = arith.constant 80 : i32
      %mul3A_170 = arith.muli %add3A_57, %mul3A_169 : i32
      %multiple_of3A = tpu.assume_multiple %mul3A_170, 80 : i32
      "tpu.region"() ({
        %run_scoped3A_171 = tpu.sem_alloc : memref<!tpu.dma_semaphore, #tpu.memory_space<semaphore_mem>>
        %dma_start3A_172 = arith.constant 0 : i32
        %dma_start3A_173 = tpu.memref_slice %arg11[%multiple_of3A, %dma_start3A_172] : memref<10000x128xf32, #tpu.memory_space<vmem_shared>> -> memref<80x128xf32, #tpu.memory_space<vmem_shared>>
        %dma_start3A_174 = arith.constant 0 : i32
        %dma_start3A_175 = tpu.memref_slice %arg11[%multiple_of3A, %dma_start3A_174] : memref<10000x128xf32, #tpu.memory_space<vmem_shared>> -> memref<80x128xf32, #tpu.memory_space<vmem_shared>>
        tpu.enqueue_dma source(%arg8 : memref<80x128xf32, #tpu.memory_space<vmem>>) target(%dma_start3A_175 : memref<80x128xf32, #tpu.memory_space<vmem_shared>>) target_semaphore(%run_scoped3A_171 : memref<!tpu.dma_semaphore, #tpu.memory_space<semaphore_mem>>)
        %dma_wait3A_176 = arith.constant 0 : i32
        %dma_wait3A_177 = tpu.memref_slice %arg11[%multiple_of3A, %dma_wait3A_176] : memref<10000x128xf32, #tpu.memory_space<vmem_shared>> -> memref<80x128xf32, #tpu.memory_space<vmem_shared>>
        %dma_wait3A_178 = arith.constant 0 : i32
        %dma_wait3A_179 = tpu.memref_slice %arg11[%multiple_of3A, %dma_wait3A_178] : memref<10000x128xf32, #tpu.memory_space<vmem_shared>> -> memref<80x128xf32, #tpu.memory_space<vmem_shared>>
        tpu.wait_dma2 semaphore(%run_scoped3A_171 : memref<!tpu.dma_semaphore, #tpu.memory_space<semaphore_mem>>) src(%arg8 : memref<80x128xf32, #tpu.memory_space<vmem>>) dst(%dma_wait3A_179 : memref<80x128xf32, #tpu.memory_space<vmem_shared>>)
        tpu.yield
      }) : () -> ()
    } else {
    }
    %add3A_63 = arith.constant 112 : i32
    %add3A_64 = arith.addi %arg1, %add3A_63 : i32
    %lt3A_65 = arith.constant 125 : i32
    %lt3A_66 = arith.cmpi slt, %add3A_64, %lt3A_65 : i32
    %convert_element_type3A_67 = arith.extui %lt3A_66 : i1 to i32
    %cond3A_68 = arith.constant 0 : i32
    %cond3A_69 = arith.cmpi ne, %convert_element_type3A_67, %cond3A_68 : i32
    scf.if %cond3A_69 {
      %mul3A_169 = arith.constant 80 : i32
      %mul3A_170 = arith.muli %add3A_64, %mul3A_169 : i32
      %multiple_of3A = tpu.assume_multiple %mul3A_170, 80 : i32
      "tpu.region"() ({
        %run_scoped3A_171 = tpu.sem_alloc : memref<!tpu.dma_semaphore, #tpu.memory_space<semaphore_mem>>
        %dma_start3A_172 = arith.constant 0 : i32
        %dma_start3A_173 = tpu.memref_slice %arg11[%multiple_of3A, %dma_start3A_172] : memref<10000x128xf32, #tpu.memory_space<vmem_shared>> -> memref<80x128xf32, #tpu.memory_space<vmem_shared>>
        %dma_start3A_174 = arith.constant 0 : i32
        %dma_start3A_175 = tpu.memref_slice %arg11[%multiple_of3A, %dma_start3A_174] : memref<10000x128xf32, #tpu.memory_space<vmem_shared>> -> memref<80x128xf32, #tpu.memory_space<vmem_shared>>
        tpu.enqueue_dma source(%arg8 : memref<80x128xf32, #tpu.memory_space<vmem>>) target(%dma_start3A_175 : memref<80x128xf32, #tpu.memory_space<vmem_shared>>) target_semaphore(%run_scoped3A_171 : memref<!tpu.dma_semaphore, #tpu.memory_space<semaphore_mem>>)
        %dma_wait3A_176 = arith.constant 0 : i32
        %dma_wait3A_177 = tpu.memref_slice %arg11[%multiple_of3A, %dma_wait3A_176] : memref<10000x128xf32, #tpu.memory_space<vmem_shared>> -> memref<80x128xf32, #tpu.memory_space<vmem_shared>>
        %dma_wait3A_178 = arith.constant 0 : i32
        %dma_wait3A_179 = tpu.memref_slice %arg11[%multiple_of3A, %dma_wait3A_178] : memref<10000x128xf32, #tpu.memory_space<vmem_shared>> -> memref<80x128xf32, #tpu.memory_space<vmem_shared>>
        tpu.wait_dma2 semaphore(%run_scoped3A_171 : memref<!tpu.dma_semaphore, #tpu.memory_space<semaphore_mem>>) src(%arg8 : memref<80x128xf32, #tpu.memory_space<vmem>>) dst(%dma_wait3A_179 : memref<80x128xf32, #tpu.memory_space<vmem_shared>>)
        tpu.yield
      }) : () -> ()
    } else {
    }
    %dma_wait3A = arith.constant 0 : i32
    %dma_wait3A_70 = tpu.memref_slice %arg3[%mul3A_2, %dma_wait3A] : memref<4000x80xi32, #tpu.memory_space<hbm>> -> memref<125x80xi32, #tpu.memory_space<hbm>>
    %dma_wait3A_71 = arith.constant 0 : i32
    %dma_wait3A_72 = tpu.memref_slice %arg3[%mul3A_2, %dma_wait3A_71] : memref<4000x80xi32, #tpu.memory_space<hbm>> -> memref<125x80xi32, #tpu.memory_space<hbm>>
    tpu.wait_dma2 semaphore(%arg16 : memref<!tpu.dma_semaphore, #tpu.memory_space<semaphore_mem>>) src(%dma_wait3A_72 : memref<125x80xi32, #tpu.memory_space<hbm>>) dst(%arg6 : memref<125x80xi32, #tpu.memory_space<vmem>>)
    %dma_wait3A_73 = arith.constant 0 : i32
    %dma_wait3A_74 = tpu.memref_slice %arg4[%mul3A_7, %dma_wait3A_73] : memref<4000x80xi32, #tpu.memory_space<hbm>> -> memref<125x80xi32, #tpu.memory_space<hbm>>
    %dma_wait3A_75 = arith.constant 0 : i32
    %dma_wait3A_76 = tpu.memref_slice %arg4[%mul3A_7, %dma_wait3A_75] : memref<4000x80xi32, #tpu.memory_space<hbm>> -> memref<125x80xi32, #tpu.memory_space<hbm>>
    tpu.wait_dma2 semaphore(%arg16 : memref<!tpu.dma_semaphore, #tpu.memory_space<semaphore_mem>>) src(%dma_wait3A_76 : memref<125x80xi32, #tpu.memory_space<hbm>>) dst(%arg7 : memref<125x80xi32, #tpu.memory_space<vmem>>)
    %barrier3A = arith.constant 0 : index
    tpu.barrier barrier_id(%barrier3A)
    %dma_start3A_77 = arith.constant 0 : i32
    %dma_start3A_78 = arith.constant 0 : i32
    %dma_start3A_79 = tpu.memref_slice %arg6[%dma_start3A_77, %dma_start3A_78] : memref<125x80xi32, #tpu.memory_space<vmem>> -> memref<1x80xi32, #tpu.memory_space<vmem>>
    %dma_start3A_80 = tpu.memref_squeeze %dma_start3A_79 : memref<1x80xi32, #tpu.memory_space<vmem>> -> memref<80xi32, #tpu.memory_space<vmem>>
    %dma_start3A_81 = arith.constant 0 : i32
    %dma_start3A_82 = arith.constant 0 : i32
    %dma_start3A_83 = tpu.memref_slice %arg2[%dma_start3A_81, %dma_start3A_82] : memref<10000x128xf32, #tpu.memory_space<hbm>> -> memref<10000x128xf32, #tpu.memory_space<hbm>>
    tpu.enqueue_indirect_dma source(%dma_start3A_83 : memref<10000x128xf32, #tpu.memory_space<hbm>>) target(%arg8 : memref<80x128xf32, #tpu.memory_space<vmem>>) offsets(%dma_start3A_80 : memref<80xi32, #tpu.memory_space<vmem>>) semaphore(%arg12 : memref<!tpu.dma_semaphore, #tpu.memory_space<semaphore_mem>>)
    %dma_start3A_84 = arith.constant 1 : i32
    %dma_start3A_85 = arith.constant 0 : i32
    %dma_start3A_86 = tpu.memref_slice %arg6[%dma_start3A_84, %dma_start3A_85] : memref<125x80xi32, #tpu.memory_space<vmem>> -> memref<1x80xi32, #tpu.memory_space<vmem>>
    %dma_start3A_87 = tpu.memref_squeeze %dma_start3A_86 : memref<1x80xi32, #tpu.memory_space<vmem>> -> memref<80xi32, #tpu.memory_space<vmem>>
    %dma_start3A_88 = arith.constant 0 : i32
    %dma_start3A_89 = arith.constant 0 : i32
    %dma_start3A_90 = tpu.memref_slice %arg2[%dma_start3A_88, %dma_start3A_89] : memref<10000x128xf32, #tpu.memory_space<hbm>> -> memref<10000x128xf32, #tpu.memory_space<hbm>>
    tpu.enqueue_indirect_dma source(%dma_start3A_90 : memref<10000x128xf32, #tpu.memory_space<hbm>>) target(%arg9 : memref<80x128xf32, #tpu.memory_space<vmem>>) offsets(%dma_start3A_87 : memref<80xi32, #tpu.memory_space<vmem>>) semaphore(%arg13 : memref<!tpu.dma_semaphore, #tpu.memory_space<semaphore_mem>>)
    %scan3A_91 = arith.constant 0 : i32
    %scan3A_92 = arith.constant 0 : i32
    %scan3A_93 = arith.constant 41 : i32
    %scan3A_94 = arith.addi %scan3A_92, %scan3A_93 : i32
    %scan3A_95 = arith.constant 1 : i32
    scf.for %scan3A_169 = %scan3A_92 to %scan3A_94 step %scan3A_95  : i32 {
      %mul3A_170 = arith.constant 3 : i32
      %mul3A_171 = arith.muli %scan3A_169, %mul3A_170 : i32
      %add3A_172 = arith.constant 0 : i32
      %add3A_173 = arith.addi %mul3A_171, %add3A_172 : i32
      %add3A_174 = arith.constant 3 : i32
      %add3A_175 = arith.addi %add3A_173, %add3A_174 : i32
      %sub3A = arith.constant 1 : i32
      %sub3A_176 = arith.subi %add3A_175, %sub3A : i32
      %lt3A_177 = arith.constant 125 : i32
      %lt3A_178 = arith.cmpi slt, %sub3A_176, %lt3A_177 : i32
      %convert_element_type3A_179 = arith.extui %lt3A_178 : i1 to i32
      %cond3A_180 = arith.constant 0 : i32
      %cond3A_181 = arith.cmpi ne, %convert_element_type3A_179, %cond3A_180 : i32
      scf.if %cond3A_181 {
        %add3A_262 = arith.constant 3 : i32
        %add3A_263 = arith.addi %add3A_173, %add3A_262 : i32
        %sub3A_264 = arith.constant 1 : i32
        %sub3A_265 = arith.subi %add3A_263, %sub3A_264 : i32
        %dma_start3A_266 = arith.constant 0 : i32
        %dma_start3A_267 = tpu.memref_slice %arg6[%sub3A_265, %dma_start3A_266] : memref<125x80xi32, #tpu.memory_space<vmem>> -> memref<1x80xi32, #tpu.memory_space<vmem>>
        %dma_start3A_268 = tpu.memref_squeeze %dma_start3A_267 : memref<1x80xi32, #tpu.memory_space<vmem>> -> memref<80xi32, #tpu.memory_space<vmem>>
        %dma_start3A_269 = arith.constant 0 : i32
        %dma_start3A_270 = arith.constant 0 : i32
        %dma_start3A_271 = tpu.memref_slice %arg2[%dma_start3A_269, %dma_start3A_270] : memref<10000x128xf32, #tpu.memory_space<hbm>> -> memref<10000x128xf32, #tpu.memory_space<hbm>>
        tpu.enqueue_indirect_dma source(%dma_start3A_271 : memref<10000x128xf32, #tpu.memory_space<hbm>>) target(%arg10 : memref<80x128xf32, #tpu.memory_space<vmem>>) offsets(%dma_start3A_268 : memref<80xi32, #tpu.memory_space<vmem>>) semaphore(%arg14 : memref<!tpu.dma_semaphore, #tpu.memory_space<semaphore_mem>>)
      } else {
      }
      %dma_wait3A_182 = arith.constant 0 : i32
      %dma_wait3A_183 = tpu.memref_slice %arg6[%add3A_173, %dma_wait3A_182] : memref<125x80xi32, #tpu.memory_space<vmem>> -> memref<1x80xi32, #tpu.memory_space<vmem>>
      %dma_wait3A_184 = tpu.memref_squeeze %dma_wait3A_183 : memref<1x80xi32, #tpu.memory_space<vmem>> -> memref<80xi32, #tpu.memory_space<vmem>>
      %dma_wait3A_185 = arith.constant 0 : i32
      %dma_wait3A_186 = arith.constant 0 : i32
      %dma_wait3A_187 = tpu.memref_slice %arg2[%dma_wait3A_185, %dma_wait3A_186] : memref<10000x128xf32, #tpu.memory_space<hbm>> -> memref<10000x128xf32, #tpu.memory_space<hbm>>
      tpu.wait_indirect_dma semaphore(%arg12 : memref<!tpu.dma_semaphore, #tpu.memory_space<semaphore_mem>>) src(%dma_wait3A_187 : memref<10000x128xf32, #tpu.memory_space<hbm>>) dst(%arg8 : memref<80x128xf32, #tpu.memory_space<vmem>>)
      %dma_start3A_188 = arith.constant 0 : i32
      %dma_start3A_189 = tpu.memref_slice %arg7[%add3A_173, %dma_start3A_188] : memref<125x80xi32, #tpu.memory_space<vmem>> -> memref<1x80xi32, #tpu.memory_space<vmem>>
      %dma_start3A_190 = tpu.memref_squeeze %dma_start3A_189 : memref<1x80xi32, #tpu.memory_space<vmem>> -> memref<80xi32, #tpu.memory_space<vmem>>
      %dma_start3A_191 = arith.constant 0 : i32
      %dma_start3A_192 = arith.constant 0 : i32
      %dma_start3A_193 = tpu.memref_slice %arg11[%dma_start3A_191, %dma_start3A_192] : memref<10000x128xf32, #tpu.memory_space<vmem_shared>> -> memref<10000x128xf32, #tpu.memory_space<vmem_shared>>
      tpu.enqueue_indirect_dma source(%arg8 : memref<80x128xf32, #tpu.memory_space<vmem>>) target(%dma_start3A_193 : memref<10000x128xf32, #tpu.memory_space<vmem_shared>>) offsets(%dma_start3A_190 : memref<80xi32, #tpu.memory_space<vmem>>) semaphore(%arg15 : memref<!tpu.dma_semaphore, #tpu.memory_space<semaphore_mem>>) {add = true}
      %mul3A_194 = arith.constant 3 : i32
      %mul3A_195 = arith.muli %scan3A_169, %mul3A_194 : i32
      %add3A_196 = arith.constant 1 : i32
      %add3A_197 = arith.addi %mul3A_195, %add3A_196 : i32
      %dma_wait3A_198 = arith.constant 0 : i32
      %dma_wait3A_199 = tpu.memref_slice %arg7[%add3A_173, %dma_wait3A_198] : memref<125x80xi32, #tpu.memory_space<vmem>> -> memref<1x80xi32, #tpu.memory_space<vmem>>
      %dma_wait3A_200 = tpu.memref_squeeze %dma_wait3A_199 : memref<1x80xi32, #tpu.memory_space<vmem>> -> memref<80xi32, #tpu.memory_space<vmem>>
      %dma_wait3A_201 = arith.constant 0 : i32
      %dma_wait3A_202 = arith.constant 0 : i32
      %dma_wait3A_203 = tpu.memref_slice %arg11[%dma_wait3A_201, %dma_wait3A_202] : memref<10000x128xf32, #tpu.memory_space<vmem_shared>> -> memref<10000x128xf32, #tpu.memory_space<vmem_shared>>
      tpu.wait_indirect_dma semaphore(%arg15 : memref<!tpu.dma_semaphore, #tpu.memory_space<semaphore_mem>>) src(%arg8 : memref<80x128xf32, #tpu.memory_space<vmem>>) dst(%dma_wait3A_203 : memref<10000x128xf32, #tpu.memory_space<vmem_shared>>)
      %add3A_204 = arith.constant 3 : i32
      %add3A_205 = arith.addi %add3A_197, %add3A_204 : i32
      %sub3A_206 = arith.constant 1 : i32
      %sub3A_207 = arith.subi %add3A_205, %sub3A_206 : i32
      %lt3A_208 = arith.constant 125 : i32
      %lt3A_209 = arith.cmpi slt, %sub3A_207, %lt3A_208 : i32
      %convert_element_type3A_210 = arith.extui %lt3A_209 : i1 to i32
      %cond3A_211 = arith.constant 0 : i32
      %cond3A_212 = arith.cmpi ne, %convert_element_type3A_210, %cond3A_211 : i32
      scf.if %cond3A_212 {
        %add3A_262 = arith.constant 3 : i32
        %add3A_263 = arith.addi %add3A_197, %add3A_262 : i32
        %sub3A_264 = arith.constant 1 : i32
        %sub3A_265 = arith.subi %add3A_263, %sub3A_264 : i32
        %dma_start3A_266 = arith.constant 0 : i32
        %dma_start3A_267 = tpu.memref_slice %arg6[%sub3A_265, %dma_start3A_266] : memref<125x80xi32, #tpu.memory_space<vmem>> -> memref<1x80xi32, #tpu.memory_space<vmem>>
        %dma_start3A_268 = tpu.memref_squeeze %dma_start3A_267 : memref<1x80xi32, #tpu.memory_space<vmem>> -> memref<80xi32, #tpu.memory_space<vmem>>
        %dma_start3A_269 = arith.constant 0 : i32
        %dma_start3A_270 = arith.constant 0 : i32
        %dma_start3A_271 = tpu.memref_slice %arg2[%dma_start3A_269, %dma_start3A_270] : memref<10000x128xf32, #tpu.memory_space<hbm>> -> memref<10000x128xf32, #tpu.memory_space<hbm>>
        tpu.enqueue_indirect_dma source(%dma_start3A_271 : memref<10000x128xf32, #tpu.memory_space<hbm>>) target(%arg8 : memref<80x128xf32, #tpu.memory_space<vmem>>) offsets(%dma_start3A_268 : memref<80xi32, #tpu.memory_space<vmem>>) semaphore(%arg12 : memref<!tpu.dma_semaphore, #tpu.memory_space<semaphore_mem>>)
      } else {
      }
      %dma_wait3A_213 = arith.constant 0 : i32
      %dma_wait3A_214 = tpu.memref_slice %arg6[%add3A_197, %dma_wait3A_213] : memref<125x80xi32, #tpu.memory_space<vmem>> -> memref<1x80xi32, #tpu.memory_space<vmem>>
      %dma_wait3A_215 = tpu.memref_squeeze %dma_wait3A_214 : memref<1x80xi32, #tpu.memory_space<vmem>> -> memref<80xi32, #tpu.memory_space<vmem>>
      %dma_wait3A_216 = arith.constant 0 : i32
      %dma_wait3A_217 = arith.constant 0 : i32
      %dma_wait3A_218 = tpu.memref_slice %arg2[%dma_wait3A_216, %dma_wait3A_217] : memref<10000x128xf32, #tpu.memory_space<hbm>> -> memref<10000x128xf32, #tpu.memory_space<hbm>>
      tpu.wait_indirect_dma semaphore(%arg13 : memref<!tpu.dma_semaphore, #tpu.memory_space<semaphore_mem>>) src(%dma_wait3A_218 : memref<10000x128xf32, #tpu.memory_space<hbm>>) dst(%arg9 : memref<80x128xf32, #tpu.memory_space<vmem>>)
      %dma_start3A_219 = arith.constant 0 : i32
      %dma_start3A_220 = tpu.memref_slice %arg7[%add3A_197, %dma_start3A_219] : memref<125x80xi32, #tpu.memory_space<vmem>> -> memref<1x80xi32, #tpu.memory_space<vmem>>
      %dma_start3A_221 = tpu.memref_squeeze %dma_start3A_220 : memref<1x80xi32, #tpu.memory_space<vmem>> -> memref<80xi32, #tpu.memory_space<vmem>>
      %dma_start3A_222 = arith.constant 0 : i32
      %dma_start3A_223 = arith.constant 0 : i32
      %dma_start3A_224 = tpu.memref_slice %arg11[%dma_start3A_222, %dma_start3A_223] : memref<10000x128xf32, #tpu.memory_space<vmem_shared>> -> memref<10000x128xf32, #tpu.memory_space<vmem_shared>>
      tpu.enqueue_indirect_dma source(%arg9 : memref<80x128xf32, #tpu.memory_space<vmem>>) target(%dma_start3A_224 : memref<10000x128xf32, #tpu.memory_space<vmem_shared>>) offsets(%dma_start3A_221 : memref<80xi32, #tpu.memory_space<vmem>>) semaphore(%arg15 : memref<!tpu.dma_semaphore, #tpu.memory_space<semaphore_mem>>) {add = true}
      %mul3A_225 = arith.constant 3 : i32
      %mul3A_226 = arith.muli %scan3A_169, %mul3A_225 : i32
      %add3A_227 = arith.constant 2 : i32
      %add3A_228 = arith.addi %mul3A_226, %add3A_227 : i32
      %dma_wait3A_229 = arith.constant 0 : i32
      %dma_wait3A_230 = tpu.memref_slice %arg7[%add3A_197, %dma_wait3A_229] : memref<125x80xi32, #tpu.memory_space<vmem>> -> memref<1x80xi32, #tpu.memory_space<vmem>>
      %dma_wait3A_231 = tpu.memref_squeeze %dma_wait3A_230 : memref<1x80xi32, #tpu.memory_space<vmem>> -> memref<80xi32, #tpu.memory_space<vmem>>
      %dma_wait3A_232 = arith.constant 0 : i32
      %dma_wait3A_233 = arith.constant 0 : i32
      %dma_wait3A_234 = tpu.memref_slice %arg11[%dma_wait3A_232, %dma_wait3A_233] : memref<10000x128xf32, #tpu.memory_space<vmem_shared>> -> memref<10000x128xf32, #tpu.memory_space<vmem_shared>>
      tpu.wait_indirect_dma semaphore(%arg15 : memref<!tpu.dma_semaphore, #tpu.memory_space<semaphore_mem>>) src(%arg9 : memref<80x128xf32, #tpu.memory_space<vmem>>) dst(%dma_wait3A_234 : memref<10000x128xf32, #tpu.memory_space<vmem_shared>>)
      %add3A_235 = arith.constant 3 : i32
      %add3A_236 = arith.addi %add3A_228, %add3A_235 : i32
      %sub3A_237 = arith.constant 1 : i32
      %sub3A_238 = arith.subi %add3A_236, %sub3A_237 : i32
      %lt3A_239 = arith.constant 125 : i32
      %lt3A_240 = arith.cmpi slt, %sub3A_238, %lt3A_239 : i32
      %convert_element_type3A_241 = arith.extui %lt3A_240 : i1 to i32
      %cond3A_242 = arith.constant 0 : i32
      %cond3A_243 = arith.cmpi ne, %convert_element_type3A_241, %cond3A_242 : i32
      scf.if %cond3A_243 {
        %add3A_262 = arith.constant 3 : i32
        %add3A_263 = arith.addi %add3A_228, %add3A_262 : i32
        %sub3A_264 = arith.constant 1 : i32
        %sub3A_265 = arith.subi %add3A_263, %sub3A_264 : i32
        %dma_start3A_266 = arith.constant 0 : i32
        %dma_start3A_267 = tpu.memref_slice %arg6[%sub3A_265, %dma_start3A_266] : memref<125x80xi32, #tpu.memory_space<vmem>> -> memref<1x80xi32, #tpu.memory_space<vmem>>
        %dma_start3A_268 = tpu.memref_squeeze %dma_start3A_267 : memref<1x80xi32, #tpu.memory_space<vmem>> -> memref<80xi32, #tpu.memory_space<vmem>>
        %dma_start3A_269 = arith.constant 0 : i32
        %dma_start3A_270 = arith.constant 0 : i32
        %dma_start3A_271 = tpu.memref_slice %arg2[%dma_start3A_269, %dma_start3A_270] : memref<10000x128xf32, #tpu.memory_space<hbm>> -> memref<10000x128xf32, #tpu.memory_space<hbm>>
        tpu.enqueue_indirect_dma source(%dma_start3A_271 : memref<10000x128xf32, #tpu.memory_space<hbm>>) target(%arg9 : memref<80x128xf32, #tpu.memory_space<vmem>>) offsets(%dma_start3A_268 : memref<80xi32, #tpu.memory_space<vmem>>) semaphore(%arg13 : memref<!tpu.dma_semaphore, #tpu.memory_space<semaphore_mem>>)
      } else {
      }
      %dma_wait3A_244 = arith.constant 0 : i32
      %dma_wait3A_245 = tpu.memref_slice %arg6[%add3A_228, %dma_wait3A_244] : memref<125x80xi32, #tpu.memory_space<vmem>> -> memref<1x80xi32, #tpu.memory_space<vmem>>
      %dma_wait3A_246 = tpu.memref_squeeze %dma_wait3A_245 : memref<1x80xi32, #tpu.memory_space<vmem>> -> memref<80xi32, #tpu.memory_space<vmem>>
      %dma_wait3A_247 = arith.constant 0 : i32
      %dma_wait3A_248 = arith.constant 0 : i32
      %dma_wait3A_249 = tpu.memref_slice %arg2[%dma_wait3A_247, %dma_wait3A_248] : memref<10000x128xf32, #tpu.memory_space<hbm>> -> memref<10000x128xf32, #tpu.memory_space<hbm>>
      tpu.wait_indirect_dma semaphore(%arg14 : memref<!tpu.dma_semaphore, #tpu.memory_space<semaphore_mem>>) src(%dma_wait3A_249 : memref<10000x128xf32, #tpu.memory_space<hbm>>) dst(%arg10 : memref<80x128xf32, #tpu.memory_space<vmem>>)
      %dma_start3A_250 = arith.constant 0 : i32
      %dma_start3A_251 = tpu.memref_slice %arg7[%add3A_228, %dma_start3A_250] : memref<125x80xi32, #tpu.memory_space<vmem>> -> memref<1x80xi32, #tpu.memory_space<vmem>>
      %dma_start3A_252 = tpu.memref_squeeze %dma_start3A_251 : memref<1x80xi32, #tpu.memory_space<vmem>> -> memref<80xi32, #tpu.memory_space<vmem>>
      %dma_start3A_253 = arith.constant 0 : i32
      %dma_start3A_254 = arith.constant 0 : i32
      %dma_start3A_255 = tpu.memref_slice %arg11[%dma_start3A_253, %dma_start3A_254] : memref<10000x128xf32, #tpu.memory_space<vmem_shared>> -> memref<10000x128xf32, #tpu.memory_space<vmem_shared>>
      tpu.enqueue_indirect_dma source(%arg10 : memref<80x128xf32, #tpu.memory_space<vmem>>) target(%dma_start3A_255 : memref<10000x128xf32, #tpu.memory_space<vmem_shared>>) offsets(%dma_start3A_252 : memref<80xi32, #tpu.memory_space<vmem>>) semaphore(%arg15 : memref<!tpu.dma_semaphore, #tpu.memory_space<semaphore_mem>>) {add = true}
      %dma_wait3A_256 = arith.constant 0 : i32
      %dma_wait3A_257 = tpu.memref_slice %arg7[%add3A_228, %dma_wait3A_256] : memref<125x80xi32, #tpu.memory_space<vmem>> -> memref<1x80xi32, #tpu.memory_space<vmem>>
      %dma_wait3A_258 = tpu.memref_squeeze %dma_wait3A_257 : memref<1x80xi32, #tpu.memory_space<vmem>> -> memref<80xi32, #tpu.memory_space<vmem>>
      %dma_wait3A_259 = arith.constant 0 : i32
      %dma_wait3A_260 = arith.constant 0 : i32
      %dma_wait3A_261 = tpu.memref_slice %arg11[%dma_wait3A_259, %dma_wait3A_260] : memref<10000x128xf32, #tpu.memory_space<vmem_shared>> -> memref<10000x128xf32, #tpu.memory_space<vmem_shared>>
      tpu.wait_indirect_dma semaphore(%arg15 : memref<!tpu.dma_semaphore, #tpu.memory_space<semaphore_mem>>) src(%arg10 : memref<80x128xf32, #tpu.memory_space<vmem>>) dst(%dma_wait3A_261 : memref<10000x128xf32, #tpu.memory_space<vmem_shared>>)
    }
    %scan3A_96 = arith.constant 41 : i32
    %dma_wait3A_97 = arith.constant 123 : i32
    %dma_wait3A_98 = arith.constant 0 : i32
    %dma_wait3A_99 = tpu.memref_slice %arg6[%dma_wait3A_97, %dma_wait3A_98] : memref<125x80xi32, #tpu.memory_space<vmem>> -> memref<1x80xi32, #tpu.memory_space<vmem>>
    %dma_wait3A_100 = tpu.memref_squeeze %dma_wait3A_99 : memref<1x80xi32, #tpu.memory_space<vmem>> -> memref<80xi32, #tpu.memory_space<vmem>>
    %dma_wait3A_101 = arith.constant 0 : i32
    %dma_wait3A_102 = arith.constant 0 : i32
    %dma_wait3A_103 = tpu.memref_slice %arg2[%dma_wait3A_101, %dma_wait3A_102] : memref<10000x128xf32, #tpu.memory_space<hbm>> -> memref<10000x128xf32, #tpu.memory_space<hbm>>
    tpu.wait_indirect_dma semaphore(%arg12 : memref<!tpu.dma_semaphore, #tpu.memory_space<semaphore_mem>>) src(%dma_wait3A_103 : memref<10000x128xf32, #tpu.memory_space<hbm>>) dst(%arg8 : memref<80x128xf32, #tpu.memory_space<vmem>>)
    %run_scoped3A = arith.constant 123 : i32
    "tpu.region"() ({
      %run_scoped3A_169 = tpu.sem_alloc : memref<!tpu.dma_semaphore, #tpu.memory_space<semaphore_mem>>
      %dma_start3A_170 = arith.constant 0 : i32
      %dma_start3A_171 = tpu.memref_slice %arg7[%run_scoped3A, %dma_start3A_170] : memref<125x80xi32, #tpu.memory_space<vmem>> -> memref<1x80xi32, #tpu.memory_space<vmem>>
      %dma_start3A_172 = tpu.memref_squeeze %dma_start3A_171 : memref<1x80xi32, #tpu.memory_space<vmem>> -> memref<80xi32, #tpu.memory_space<vmem>>
      %dma_start3A_173 = arith.constant 0 : i32
      %dma_start3A_174 = arith.constant 0 : i32
      %dma_start3A_175 = tpu.memref_slice %arg11[%dma_start3A_173, %dma_start3A_174] : memref<10000x128xf32, #tpu.memory_space<vmem_shared>> -> memref<10000x128xf32, #tpu.memory_space<vmem_shared>>
      tpu.enqueue_indirect_dma source(%arg8 : memref<80x128xf32, #tpu.memory_space<vmem>>) target(%dma_start3A_175 : memref<10000x128xf32, #tpu.memory_space<vmem_shared>>) offsets(%dma_start3A_172 : memref<80xi32, #tpu.memory_space<vmem>>) semaphore(%run_scoped3A_169 : memref<!tpu.dma_semaphore, #tpu.memory_space<semaphore_mem>>) {add = true}
      %dma_wait3A_176 = arith.constant 0 : i32
      %dma_wait3A_177 = tpu.memref_slice %arg7[%run_scoped3A, %dma_wait3A_176] : memref<125x80xi32, #tpu.memory_space<vmem>> -> memref<1x80xi32, #tpu.memory_space<vmem>>
      %dma_wait3A_178 = tpu.memref_squeeze %dma_wait3A_177 : memref<1x80xi32, #tpu.memory_space<vmem>> -> memref<80xi32, #tpu.memory_space<vmem>>
      %dma_wait3A_179 = arith.constant 0 : i32
      %dma_wait3A_180 = arith.constant 0 : i32
      %dma_wait3A_181 = tpu.memref_slice %arg11[%dma_wait3A_179, %dma_wait3A_180] : memref<10000x128xf32, #tpu.memory_space<vmem_shared>> -> memref<10000x128xf32, #tpu.memory_space<vmem_shared>>
      tpu.wait_indirect_dma semaphore(%run_scoped3A_169 : memref<!tpu.dma_semaphore, #tpu.memory_space<semaphore_mem>>) src(%arg8 : memref<80x128xf32, #tpu.memory_space<vmem>>) dst(%dma_wait3A_181 : memref<10000x128xf32, #tpu.memory_space<vmem_shared>>)
      tpu.yield
    }) : () -> ()
    %dma_wait3A_104 = arith.constant 124 : i32
    %dma_wait3A_105 = arith.constant 0 : i32
    %dma_wait3A_106 = tpu.memref_slice %arg6[%dma_wait3A_104, %dma_wait3A_105] : memref<125x80xi32, #tpu.memory_space<vmem>> -> memref<1x80xi32, #tpu.memory_space<vmem>>
    %dma_wait3A_107 = tpu.memref_squeeze %dma_wait3A_106 : memref<1x80xi32, #tpu.memory_space<vmem>> -> memref<80xi32, #tpu.memory_space<vmem>>
    %dma_wait3A_108 = arith.constant 0 : i32
    %dma_wait3A_109 = arith.constant 0 : i32
    %dma_wait3A_110 = tpu.memref_slice %arg2[%dma_wait3A_108, %dma_wait3A_109] : memref<10000x128xf32, #tpu.memory_space<hbm>> -> memref<10000x128xf32, #tpu.memory_space<hbm>>
    tpu.wait_indirect_dma semaphore(%arg13 : memref<!tpu.dma_semaphore, #tpu.memory_space<semaphore_mem>>) src(%dma_wait3A_110 : memref<10000x128xf32, #tpu.memory_space<hbm>>) dst(%arg9 : memref<80x128xf32, #tpu.memory_space<vmem>>)
    %run_scoped3A_111 = arith.constant 124 : i32
    "tpu.region"() ({
      %run_scoped3A_169 = tpu.sem_alloc : memref<!tpu.dma_semaphore, #tpu.memory_space<semaphore_mem>>
      %dma_start3A_170 = arith.constant 0 : i32
      %dma_start3A_171 = tpu.memref_slice %arg7[%run_scoped3A_111, %dma_start3A_170] : memref<125x80xi32, #tpu.memory_space<vmem>> -> memref<1x80xi32, #tpu.memory_space<vmem>>
      %dma_start3A_172 = tpu.memref_squeeze %dma_start3A_171 : memref<1x80xi32, #tpu.memory_space<vmem>> -> memref<80xi32, #tpu.memory_space<vmem>>
      %dma_start3A_173 = arith.constant 0 : i32
      %dma_start3A_174 = arith.constant 0 : i32
      %dma_start3A_175 = tpu.memref_slice %arg11[%dma_start3A_173, %dma_start3A_174] : memref<10000x128xf32, #tpu.memory_space<vmem_shared>> -> memref<10000x128xf32, #tpu.memory_space<vmem_shared>>
      tpu.enqueue_indirect_dma source(%arg9 : memref<80x128xf32, #tpu.memory_space<vmem>>) target(%dma_start3A_175 : memref<10000x128xf32, #tpu.memory_space<vmem_shared>>) offsets(%dma_start3A_172 : memref<80xi32, #tpu.memory_space<vmem>>) semaphore(%run_scoped3A_169 : memref<!tpu.dma_semaphore, #tpu.memory_space<semaphore_mem>>) {add = true}
      %dma_wait3A_176 = arith.constant 0 : i32
      %dma_wait3A_177 = tpu.memref_slice %arg7[%run_scoped3A_111, %dma_wait3A_176] : memref<125x80xi32, #tpu.memory_space<vmem>> -> memref<1x80xi32, #tpu.memory_space<vmem>>
      %dma_wait3A_178 = tpu.memref_squeeze %dma_wait3A_177 : memref<1x80xi32, #tpu.memory_space<vmem>> -> memref<80xi32, #tpu.memory_space<vmem>>
      %dma_wait3A_179 = arith.constant 0 : i32
      %dma_wait3A_180 = arith.constant 0 : i32
      %dma_wait3A_181 = tpu.memref_slice %arg11[%dma_wait3A_179, %dma_wait3A_180] : memref<10000x128xf32, #tpu.memory_space<vmem_shared>> -> memref<10000x128xf32, #tpu.memory_space<vmem_shared>>
      tpu.wait_indirect_dma semaphore(%run_scoped3A_169 : memref<!tpu.dma_semaphore, #tpu.memory_space<semaphore_mem>>) src(%arg9 : memref<80x128xf32, #tpu.memory_space<vmem>>) dst(%dma_wait3A_181 : memref<10000x128xf32, #tpu.memory_space<vmem_shared>>)
      tpu.yield
    }) : () -> ()
    %barrier3A_112 = arith.constant 0 : index
    tpu.barrier barrier_id(%barrier3A_112)
    %add3A_113 = arith.constant 0 : i32
    %add3A_114 = arith.addi %arg1, %add3A_113 : i32
    %lt3A_115 = arith.constant 125 : i32
    %lt3A_116 = arith.cmpi slt, %add3A_114, %lt3A_115 : i32
    %convert_element_type3A_117 = arith.extui %lt3A_116 : i1 to i32
    %cond3A_118 = arith.constant 0 : i32
    %cond3A_119 = arith.cmpi ne, %convert_element_type3A_117, %cond3A_118 : i32
    scf.if %cond3A_119 {
      %mul3A_169 = arith.constant 80 : i32
      %mul3A_170 = arith.muli %add3A_114, %mul3A_169 : i32
      %multiple_of3A = tpu.assume_multiple %mul3A_170, 80 : i32
      "tpu.region"() ({
        %run_scoped3A_171 = tpu.sem_alloc : memref<!tpu.dma_semaphore, #tpu.memory_space<semaphore_mem>>
        %dma_start3A_172 = arith.constant 0 : i32
        %dma_start3A_173 = arith.constant 0 : i32
        %dma_start3A_174 = tpu.memref_slice %arg5[%arg0, %dma_start3A_172, %dma_start3A_173] : memref<2x10000x128xf32, #tpu.memory_space<hbm>> -> memref<1x10000x128xf32, #tpu.memory_space<hbm>>
        %dma_start3A_175 = tpu.memref_squeeze %dma_start3A_174 : memref<1x10000x128xf32, #tpu.memory_space<hbm>> -> memref<10000x128xf32, #tpu.memory_space<hbm>>
        %dma_start3A_176 = arith.constant 0 : i32
        %dma_start3A_177 = tpu.memref_slice %dma_start3A_175[%multiple_of3A, %dma_start3A_176] : memref<10000x128xf32, #tpu.memory_space<hbm>> -> memref<80x128xf32, #tpu.memory_space<hbm>>
        %dma_start3A_178 = arith.constant 0 : i32
        %dma_start3A_179 = tpu.memref_slice %arg11[%multiple_of3A, %dma_start3A_178] : memref<10000x128xf32, #tpu.memory_space<vmem_shared>> -> memref<80x128xf32, #tpu.memory_space<vmem_shared>>
        tpu.enqueue_dma source(%dma_start3A_179 : memref<80x128xf32, #tpu.memory_space<vmem_shared>>) target(%dma_start3A_177 : memref<80x128xf32, #tpu.memory_space<hbm>>) target_semaphore(%run_scoped3A_171 : memref<!tpu.dma_semaphore, #tpu.memory_space<semaphore_mem>>)
        %dma_wait3A_180 = arith.constant 0 : i32
        %dma_wait3A_181 = arith.constant 0 : i32
        %dma_wait3A_182 = tpu.memref_slice %arg5[%arg0, %dma_wait3A_180, %dma_wait3A_181] : memref<2x10000x128xf32, #tpu.memory_space<hbm>> -> memref<1x10000x128xf32, #tpu.memory_space<hbm>>
        %dma_wait3A_183 = tpu.memref_squeeze %dma_wait3A_182 : memref<1x10000x128xf32, #tpu.memory_space<hbm>> -> memref<10000x128xf32, #tpu.memory_space<hbm>>
        %dma_wait3A_184 = arith.constant 0 : i32
        %dma_wait3A_185 = tpu.memref_slice %dma_wait3A_183[%multiple_of3A, %dma_wait3A_184] : memref<10000x128xf32, #tpu.memory_space<hbm>> -> memref<80x128xf32, #tpu.memory_space<hbm>>
        %dma_wait3A_186 = arith.constant 0 : i32
        %dma_wait3A_187 = tpu.memref_slice %arg11[%multiple_of3A, %dma_wait3A_186] : memref<10000x128xf32, #tpu.memory_space<vmem_shared>> -> memref<80x128xf32, #tpu.memory_space<vmem_shared>>
        tpu.wait_dma2 semaphore(%run_scoped3A_171 : memref<!tpu.dma_semaphore, #tpu.memory_space<semaphore_mem>>) src(%dma_wait3A_187 : memref<80x128xf32, #tpu.memory_space<vmem_shared>>) dst(%dma_wait3A_185 : memref<80x128xf32, #tpu.memory_space<hbm>>)
        tpu.yield
      }) : () -> ()
    } else {
    }
    %add3A_120 = arith.constant 16 : i32
    %add3A_121 = arith.addi %arg1, %add3A_120 : i32
    %lt3A_122 = arith.constant 125 : i32
    %lt3A_123 = arith.cmpi slt, %add3A_121, %lt3A_122 : i32
    %convert_element_type3A_124 = arith.extui %lt3A_123 : i1 to i32
    %cond3A_125 = arith.constant 0 : i32
    %cond3A_126 = arith.cmpi ne, %convert_element_type3A_124, %cond3A_125 : i32
    scf.if %cond3A_126 {
      %mul3A_169 = arith.constant 80 : i32
      %mul3A_170 = arith.muli %add3A_121, %mul3A_169 : i32
      %multiple_of3A = tpu.assume_multiple %mul3A_170, 80 : i32
      "tpu.region"() ({
        %run_scoped3A_171 = tpu.sem_alloc : memref<!tpu.dma_semaphore, #tpu.memory_space<semaphore_mem>>
        %dma_start3A_172 = arith.constant 0 : i32
        %dma_start3A_173 = arith.constant 0 : i32
        %dma_start3A_174 = tpu.memref_slice %arg5[%arg0, %dma_start3A_172, %dma_start3A_173] : memref<2x10000x128xf32, #tpu.memory_space<hbm>> -> memref<1x10000x128xf32, #tpu.memory_space<hbm>>
        %dma_start3A_175 = tpu.memref_squeeze %dma_start3A_174 : memref<1x10000x128xf32, #tpu.memory_space<hbm>> -> memref<10000x128xf32, #tpu.memory_space<hbm>>
        %dma_start3A_176 = arith.constant 0 : i32
        %dma_start3A_177 = tpu.memref_slice %dma_start3A_175[%multiple_of3A, %dma_start3A_176] : memref<10000x128xf32, #tpu.memory_space<hbm>> -> memref<80x128xf32, #tpu.memory_space<hbm>>
        %dma_start3A_178 = arith.constant 0 : i32
        %dma_start3A_179 = tpu.memref_slice %arg11[%multiple_of3A, %dma_start3A_178] : memref<10000x128xf32, #tpu.memory_space<vmem_shared>> -> memref<80x128xf32, #tpu.memory_space<vmem_shared>>
        tpu.enqueue_dma source(%dma_start3A_179 : memref<80x128xf32, #tpu.memory_space<vmem_shared>>) target(%dma_start3A_177 : memref<80x128xf32, #tpu.memory_space<hbm>>) target_semaphore(%run_scoped3A_171 : memref<!tpu.dma_semaphore, #tpu.memory_space<semaphore_mem>>)
        %dma_wait3A_180 = arith.constant 0 : i32
        %dma_wait3A_181 = arith.constant 0 : i32
        %dma_wait3A_182 = tpu.memref_slice %arg5[%arg0, %dma_wait3A_180, %dma_wait3A_181] : memref<2x10000x128xf32, #tpu.memory_space<hbm>> -> memref<1x10000x128xf32, #tpu.memory_space<hbm>>
        %dma_wait3A_183 = tpu.memref_squeeze %dma_wait3A_182 : memref<1x10000x128xf32, #tpu.memory_space<hbm>> -> memref<10000x128xf32, #tpu.memory_space<hbm>>
        %dma_wait3A_184 = arith.constant 0 : i32
        %dma_wait3A_185 = tpu.memref_slice %dma_wait3A_183[%multiple_of3A, %dma_wait3A_184] : memref<10000x128xf32, #tpu.memory_space<hbm>> -> memref<80x128xf32, #tpu.memory_space<hbm>>
        %dma_wait3A_186 = arith.constant 0 : i32
        %dma_wait3A_187 = tpu.memref_slice %arg11[%multiple_of3A, %dma_wait3A_186] : memref<10000x128xf32, #tpu.memory_space<vmem_shared>> -> memref<80x128xf32, #tpu.memory_space<vmem_shared>>
        tpu.wait_dma2 semaphore(%run_scoped3A_171 : memref<!tpu.dma_semaphore, #tpu.memory_space<semaphore_mem>>) src(%dma_wait3A_187 : memref<80x128xf32, #tpu.memory_space<vmem_shared>>) dst(%dma_wait3A_185 : memref<80x128xf32, #tpu.memory_space<hbm>>)
        tpu.yield
      }) : () -> ()
    } else {
    }
    %add3A_127 = arith.constant 32 : i32
    %add3A_128 = arith.addi %arg1, %add3A_127 : i32
    %lt3A_129 = arith.constant 125 : i32
    %lt3A_130 = arith.cmpi slt, %add3A_128, %lt3A_129 : i32
    %convert_element_type3A_131 = arith.extui %lt3A_130 : i1 to i32
    %cond3A_132 = arith.constant 0 : i32
    %cond3A_133 = arith.cmpi ne, %convert_element_type3A_131, %cond3A_132 : i32
    scf.if %cond3A_133 {
      %mul3A_169 = arith.constant 80 : i32
      %mul3A_170 = arith.muli %add3A_128, %mul3A_169 : i32
      %multiple_of3A = tpu.assume_multiple %mul3A_170, 80 : i32
      "tpu.region"() ({
        %run_scoped3A_171 = tpu.sem_alloc : memref<!tpu.dma_semaphore, #tpu.memory_space<semaphore_mem>>
        %dma_start3A_172 = arith.constant 0 : i32
        %dma_start3A_173 = arith.constant 0 : i32
        %dma_start3A_174 = tpu.memref_slice %arg5[%arg0, %dma_start3A_172, %dma_start3A_173] : memref<2x10000x128xf32, #tpu.memory_space<hbm>> -> memref<1x10000x128xf32, #tpu.memory_space<hbm>>
        %dma_start3A_175 = tpu.memref_squeeze %dma_start3A_174 : memref<1x10000x128xf32, #tpu.memory_space<hbm>> -> memref<10000x128xf32, #tpu.memory_space<hbm>>
        %dma_start3A_176 = arith.constant 0 : i32
        %dma_start3A_177 = tpu.memref_slice %dma_start3A_175[%multiple_of3A, %dma_start3A_176] : memref<10000x128xf32, #tpu.memory_space<hbm>> -> memref<80x128xf32, #tpu.memory_space<hbm>>
        %dma_start3A_178 = arith.constant 0 : i32
        %dma_start3A_179 = tpu.memref_slice %arg11[%multiple_of3A, %dma_start3A_178] : memref<10000x128xf32, #tpu.memory_space<vmem_shared>> -> memref<80x128xf32, #tpu.memory_space<vmem_shared>>
        tpu.enqueue_dma source(%dma_start3A_179 : memref<80x128xf32, #tpu.memory_space<vmem_shared>>) target(%dma_start3A_177 : memref<80x128xf32, #tpu.memory_space<hbm>>) target_semaphore(%run_scoped3A_171 : memref<!tpu.dma_semaphore, #tpu.memory_space<semaphore_mem>>)
        %dma_wait3A_180 = arith.constant 0 : i32
        %dma_wait3A_181 = arith.constant 0 : i32
        %dma_wait3A_182 = tpu.memref_slice %arg5[%arg0, %dma_wait3A_180, %dma_wait3A_181] : memref<2x10000x128xf32, #tpu.memory_space<hbm>> -> memref<1x10000x128xf32, #tpu.memory_space<hbm>>
        %dma_wait3A_183 = tpu.memref_squeeze %dma_wait3A_182 : memref<1x10000x128xf32, #tpu.memory_space<hbm>> -> memref<10000x128xf32, #tpu.memory_space<hbm>>
        %dma_wait3A_184 = arith.constant 0 : i32
        %dma_wait3A_185 = tpu.memref_slice %dma_wait3A_183[%multiple_of3A, %dma_wait3A_184] : memref<10000x128xf32, #tpu.memory_space<hbm>> -> memref<80x128xf32, #tpu.memory_space<hbm>>
        %dma_wait3A_186 = arith.constant 0 : i32
        %dma_wait3A_187 = tpu.memref_slice %arg11[%multiple_of3A, %dma_wait3A_186] : memref<10000x128xf32, #tpu.memory_space<vmem_shared>> -> memref<80x128xf32, #tpu.memory_space<vmem_shared>>
        tpu.wait_dma2 semaphore(%run_scoped3A_171 : memref<!tpu.dma_semaphore, #tpu.memory_space<semaphore_mem>>) src(%dma_wait3A_187 : memref<80x128xf32, #tpu.memory_space<vmem_shared>>) dst(%dma_wait3A_185 : memref<80x128xf32, #tpu.memory_space<hbm>>)
        tpu.yield
      }) : () -> ()
    } else {
    }
    %add3A_134 = arith.constant 48 : i32
    %add3A_135 = arith.addi %arg1, %add3A_134 : i32
    %lt3A_136 = arith.constant 125 : i32
    %lt3A_137 = arith.cmpi slt, %add3A_135, %lt3A_136 : i32
    %convert_element_type3A_138 = arith.extui %lt3A_137 : i1 to i32
    %cond3A_139 = arith.constant 0 : i32
    %cond3A_140 = arith.cmpi ne, %convert_element_type3A_138, %cond3A_139 : i32
    scf.if %cond3A_140 {
      %mul3A_169 = arith.constant 80 : i32
      %mul3A_170 = arith.muli %add3A_135, %mul3A_169 : i32
      %multiple_of3A = tpu.assume_multiple %mul3A_170, 80 : i32
      "tpu.region"() ({
        %run_scoped3A_171 = tpu.sem_alloc : memref<!tpu.dma_semaphore, #tpu.memory_space<semaphore_mem>>
        %dma_start3A_172 = arith.constant 0 : i32
        %dma_start3A_173 = arith.constant 0 : i32
        %dma_start3A_174 = tpu.memref_slice %arg5[%arg0, %dma_start3A_172, %dma_start3A_173] : memref<2x10000x128xf32, #tpu.memory_space<hbm>> -> memref<1x10000x128xf32, #tpu.memory_space<hbm>>
        %dma_start3A_175 = tpu.memref_squeeze %dma_start3A_174 : memref<1x10000x128xf32, #tpu.memory_space<hbm>> -> memref<10000x128xf32, #tpu.memory_space<hbm>>
        %dma_start3A_176 = arith.constant 0 : i32
        %dma_start3A_177 = tpu.memref_slice %dma_start3A_175[%multiple_of3A, %dma_start3A_176] : memref<10000x128xf32, #tpu.memory_space<hbm>> -> memref<80x128xf32, #tpu.memory_space<hbm>>
        %dma_start3A_178 = arith.constant 0 : i32
        %dma_start3A_179 = tpu.memref_slice %arg11[%multiple_of3A, %dma_start3A_178] : memref<10000x128xf32, #tpu.memory_space<vmem_shared>> -> memref<80x128xf32, #tpu.memory_space<vmem_shared>>
        tpu.enqueue_dma source(%dma_start3A_179 : memref<80x128xf32, #tpu.memory_space<vmem_shared>>) target(%dma_start3A_177 : memref<80x128xf32, #tpu.memory_space<hbm>>) target_semaphore(%run_scoped3A_171 : memref<!tpu.dma_semaphore, #tpu.memory_space<semaphore_mem>>)
        %dma_wait3A_180 = arith.constant 0 : i32
        %dma_wait3A_181 = arith.constant 0 : i32
        %dma_wait3A_182 = tpu.memref_slice %arg5[%arg0, %dma_wait3A_180, %dma_wait3A_181] : memref<2x10000x128xf32, #tpu.memory_space<hbm>> -> memref<1x10000x128xf32, #tpu.memory_space<hbm>>
        %dma_wait3A_183 = tpu.memref_squeeze %dma_wait3A_182 : memref<1x10000x128xf32, #tpu.memory_space<hbm>> -> memref<10000x128xf32, #tpu.memory_space<hbm>>
        %dma_wait3A_184 = arith.constant 0 : i32
        %dma_wait3A_185 = tpu.memref_slice %dma_wait3A_183[%multiple_of3A, %dma_wait3A_184] : memref<10000x128xf32, #tpu.memory_space<hbm>> -> memref<80x128xf32, #tpu.memory_space<hbm>>
        %dma_wait3A_186 = arith.constant 0 : i32
        %dma_wait3A_187 = tpu.memref_slice %arg11[%multiple_of3A, %dma_wait3A_186] : memref<10000x128xf32, #tpu.memory_space<vmem_shared>> -> memref<80x128xf32, #tpu.memory_space<vmem_shared>>
        tpu.wait_dma2 semaphore(%run_scoped3A_171 : memref<!tpu.dma_semaphore, #tpu.memory_space<semaphore_mem>>) src(%dma_wait3A_187 : memref<80x128xf32, #tpu.memory_space<vmem_shared>>) dst(%dma_wait3A_185 : memref<80x128xf32, #tpu.memory_space<hbm>>)
        tpu.yield
      }) : () -> ()
    } else {
    }
    %add3A_141 = arith.constant 64 : i32
    %add3A_142 = arith.addi %arg1, %add3A_141 : i32
    %lt3A_143 = arith.constant 125 : i32
    %lt3A_144 = arith.cmpi slt, %add3A_142, %lt3A_143 : i32
    %convert_element_type3A_145 = arith.extui %lt3A_144 : i1 to i32
    %cond3A_146 = arith.constant 0 : i32
    %cond3A_147 = arith.cmpi ne, %convert_element_type3A_145, %cond3A_146 : i32
    scf.if %cond3A_147 {
      %mul3A_169 = arith.constant 80 : i32
      %mul3A_170 = arith.muli %add3A_142, %mul3A_169 : i32
      %multiple_of3A = tpu.assume_multiple %mul3A_170, 80 : i32
      "tpu.region"() ({
        %run_scoped3A_171 = tpu.sem_alloc : memref<!tpu.dma_semaphore, #tpu.memory_space<semaphore_mem>>
        %dma_start3A_172 = arith.constant 0 : i32
        %dma_start3A_173 = arith.constant 0 : i32
        %dma_start3A_174 = tpu.memref_slice %arg5[%arg0, %dma_start3A_172, %dma_start3A_173] : memref<2x10000x128xf32, #tpu.memory_space<hbm>> -> memref<1x10000x128xf32, #tpu.memory_space<hbm>>
        %dma_start3A_175 = tpu.memref_squeeze %dma_start3A_174 : memref<1x10000x128xf32, #tpu.memory_space<hbm>> -> memref<10000x128xf32, #tpu.memory_space<hbm>>
        %dma_start3A_176 = arith.constant 0 : i32
        %dma_start3A_177 = tpu.memref_slice %dma_start3A_175[%multiple_of3A, %dma_start3A_176] : memref<10000x128xf32, #tpu.memory_space<hbm>> -> memref<80x128xf32, #tpu.memory_space<hbm>>
        %dma_start3A_178 = arith.constant 0 : i32
        %dma_start3A_179 = tpu.memref_slice %arg11[%multiple_of3A, %dma_start3A_178] : memref<10000x128xf32, #tpu.memory_space<vmem_shared>> -> memref<80x128xf32, #tpu.memory_space<vmem_shared>>
        tpu.enqueue_dma source(%dma_start3A_179 : memref<80x128xf32, #tpu.memory_space<vmem_shared>>) target(%dma_start3A_177 : memref<80x128xf32, #tpu.memory_space<hbm>>) target_semaphore(%run_scoped3A_171 : memref<!tpu.dma_semaphore, #tpu.memory_space<semaphore_mem>>)
        %dma_wait3A_180 = arith.constant 0 : i32
        %dma_wait3A_181 = arith.constant 0 : i32
        %dma_wait3A_182 = tpu.memref_slice %arg5[%arg0, %dma_wait3A_180, %dma_wait3A_181] : memref<2x10000x128xf32, #tpu.memory_space<hbm>> -> memref<1x10000x128xf32, #tpu.memory_space<hbm>>
        %dma_wait3A_183 = tpu.memref_squeeze %dma_wait3A_182 : memref<1x10000x128xf32, #tpu.memory_space<hbm>> -> memref<10000x128xf32, #tpu.memory_space<hbm>>
        %dma_wait3A_184 = arith.constant 0 : i32
        %dma_wait3A_185 = tpu.memref_slice %dma_wait3A_183[%multiple_of3A, %dma_wait3A_184] : memref<10000x128xf32, #tpu.memory_space<hbm>> -> memref<80x128xf32, #tpu.memory_space<hbm>>
        %dma_wait3A_186 = arith.constant 0 : i32
        %dma_wait3A_187 = tpu.memref_slice %arg11[%multiple_of3A, %dma_wait3A_186] : memref<10000x128xf32, #tpu.memory_space<vmem_shared>> -> memref<80x128xf32, #tpu.memory_space<vmem_shared>>
        tpu.wait_dma2 semaphore(%run_scoped3A_171 : memref<!tpu.dma_semaphore, #tpu.memory_space<semaphore_mem>>) src(%dma_wait3A_187 : memref<80x128xf32, #tpu.memory_space<vmem_shared>>) dst(%dma_wait3A_185 : memref<80x128xf32, #tpu.memory_space<hbm>>)
        tpu.yield
      }) : () -> ()
    } else {
    }
    %add3A_148 = arith.constant 80 : i32
    %add3A_149 = arith.addi %arg1, %add3A_148 : i32
    %lt3A_150 = arith.constant 125 : i32
    %lt3A_151 = arith.cmpi slt, %add3A_149, %lt3A_150 : i32
    %convert_element_type3A_152 = arith.extui %lt3A_151 : i1 to i32
    %cond3A_153 = arith.constant 0 : i32
    %cond3A_154 = arith.cmpi ne, %convert_element_type3A_152, %cond3A_153 : i32
    scf.if %cond3A_154 {
      %mul3A_169 = arith.constant 80 : i32
      %mul3A_170 = arith.muli %add3A_149, %mul3A_169 : i32
      %multiple_of3A = tpu.assume_multiple %mul3A_170, 80 : i32
      "tpu.region"() ({
        %run_scoped3A_171 = tpu.sem_alloc : memref<!tpu.dma_semaphore, #tpu.memory_space<semaphore_mem>>
        %dma_start3A_172 = arith.constant 0 : i32
        %dma_start3A_173 = arith.constant 0 : i32
        %dma_start3A_174 = tpu.memref_slice %arg5[%arg0, %dma_start3A_172, %dma_start3A_173] : memref<2x10000x128xf32, #tpu.memory_space<hbm>> -> memref<1x10000x128xf32, #tpu.memory_space<hbm>>
        %dma_start3A_175 = tpu.memref_squeeze %dma_start3A_174 : memref<1x10000x128xf32, #tpu.memory_space<hbm>> -> memref<10000x128xf32, #tpu.memory_space<hbm>>
        %dma_start3A_176 = arith.constant 0 : i32
        %dma_start3A_177 = tpu.memref_slice %dma_start3A_175[%multiple_of3A, %dma_start3A_176] : memref<10000x128xf32, #tpu.memory_space<hbm>> -> memref<80x128xf32, #tpu.memory_space<hbm>>
        %dma_start3A_178 = arith.constant 0 : i32
        %dma_start3A_179 = tpu.memref_slice %arg11[%multiple_of3A, %dma_start3A_178] : memref<10000x128xf32, #tpu.memory_space<vmem_shared>> -> memref<80x128xf32, #tpu.memory_space<vmem_shared>>
        tpu.enqueue_dma source(%dma_start3A_179 : memref<80x128xf32, #tpu.memory_space<vmem_shared>>) target(%dma_start3A_177 : memref<80x128xf32, #tpu.memory_space<hbm>>) target_semaphore(%run_scoped3A_171 : memref<!tpu.dma_semaphore, #tpu.memory_space<semaphore_mem>>)
        %dma_wait3A_180 = arith.constant 0 : i32
        %dma_wait3A_181 = arith.constant 0 : i32
        %dma_wait3A_182 = tpu.memref_slice %arg5[%arg0, %dma_wait3A_180, %dma_wait3A_181] : memref<2x10000x128xf32, #tpu.memory_space<hbm>> -> memref<1x10000x128xf32, #tpu.memory_space<hbm>>
        %dma_wait3A_183 = tpu.memref_squeeze %dma_wait3A_182 : memref<1x10000x128xf32, #tpu.memory_space<hbm>> -> memref<10000x128xf32, #tpu.memory_space<hbm>>
        %dma_wait3A_184 = arith.constant 0 : i32
        %dma_wait3A_185 = tpu.memref_slice %dma_wait3A_183[%multiple_of3A, %dma_wait3A_184] : memref<10000x128xf32, #tpu.memory_space<hbm>> -> memref<80x128xf32, #tpu.memory_space<hbm>>
        %dma_wait3A_186 = arith.constant 0 : i32
        %dma_wait3A_187 = tpu.memref_slice %arg11[%multiple_of3A, %dma_wait3A_186] : memref<10000x128xf32, #tpu.memory_space<vmem_shared>> -> memref<80x128xf32, #tpu.memory_space<vmem_shared>>
        tpu.wait_dma2 semaphore(%run_scoped3A_171 : memref<!tpu.dma_semaphore, #tpu.memory_space<semaphore_mem>>) src(%dma_wait3A_187 : memref<80x128xf32, #tpu.memory_space<vmem_shared>>) dst(%dma_wait3A_185 : memref<80x128xf32, #tpu.memory_space<hbm>>)
        tpu.yield
      }) : () -> ()
    } else {
    }
    %add3A_155 = arith.constant 96 : i32
    %add3A_156 = arith.addi %arg1, %add3A_155 : i32
    %lt3A_157 = arith.constant 125 : i32
    %lt3A_158 = arith.cmpi slt, %add3A_156, %lt3A_157 : i32
    %convert_element_type3A_159 = arith.extui %lt3A_158 : i1 to i32
    %cond3A_160 = arith.constant 0 : i32
    %cond3A_161 = arith.cmpi ne, %convert_element_type3A_159, %cond3A_160 : i32
    scf.if %cond3A_161 {
      %mul3A_169 = arith.constant 80 : i32
      %mul3A_170 = arith.muli %add3A_156, %mul3A_169 : i32
      %multiple_of3A = tpu.assume_multiple %mul3A_170, 80 : i32
      "tpu.region"() ({
        %run_scoped3A_171 = tpu.sem_alloc : memref<!tpu.dma_semaphore, #tpu.memory_space<semaphore_mem>>
        %dma_start3A_172 = arith.constant 0 : i32
        %dma_start3A_173 = arith.constant 0 : i32
        %dma_start3A_174 = tpu.memref_slice %arg5[%arg0, %dma_start3A_172, %dma_start3A_173] : memref<2x10000x128xf32, #tpu.memory_space<hbm>> -> memref<1x10000x128xf32, #tpu.memory_space<hbm>>
        %dma_start3A_175 = tpu.memref_squeeze %dma_start3A_174 : memref<1x10000x128xf32, #tpu.memory_space<hbm>> -> memref<10000x128xf32, #tpu.memory_space<hbm>>
        %dma_start3A_176 = arith.constant 0 : i32
        %dma_start3A_177 = tpu.memref_slice %dma_start3A_175[%multiple_of3A, %dma_start3A_176] : memref<10000x128xf32, #tpu.memory_space<hbm>> -> memref<80x128xf32, #tpu.memory_space<hbm>>
        %dma_start3A_178 = arith.constant 0 : i32
        %dma_start3A_179 = tpu.memref_slice %arg11[%multiple_of3A, %dma_start3A_178] : memref<10000x128xf32, #tpu.memory_space<vmem_shared>> -> memref<80x128xf32, #tpu.memory_space<vmem_shared>>
        tpu.enqueue_dma source(%dma_start3A_179 : memref<80x128xf32, #tpu.memory_space<vmem_shared>>) target(%dma_start3A_177 : memref<80x128xf32, #tpu.memory_space<hbm>>) target_semaphore(%run_scoped3A_171 : memref<!tpu.dma_semaphore, #tpu.memory_space<semaphore_mem>>)
        %dma_wait3A_180 = arith.constant 0 : i32
        %dma_wait3A_181 = arith.constant 0 : i32
        %dma_wait3A_182 = tpu.memref_slice %arg5[%arg0, %dma_wait3A_180, %dma_wait3A_181] : memref<2x10000x128xf32, #tpu.memory_space<hbm>> -> memref<1x10000x128xf32, #tpu.memory_space<hbm>>
        %dma_wait3A_183 = tpu.memref_squeeze %dma_wait3A_182 : memref<1x10000x128xf32, #tpu.memory_space<hbm>> -> memref<10000x128xf32, #tpu.memory_space<hbm>>
        %dma_wait3A_184 = arith.constant 0 : i32
        %dma_wait3A_185 = tpu.memref_slice %dma_wait3A_183[%multiple_of3A, %dma_wait3A_184] : memref<10000x128xf32, #tpu.memory_space<hbm>> -> memref<80x128xf32, #tpu.memory_space<hbm>>
        %dma_wait3A_186 = arith.constant 0 : i32
        %dma_wait3A_187 = tpu.memref_slice %arg11[%multiple_of3A, %dma_wait3A_186] : memref<10000x128xf32, #tpu.memory_space<vmem_shared>> -> memref<80x128xf32, #tpu.memory_space<vmem_shared>>
        tpu.wait_dma2 semaphore(%run_scoped3A_171 : memref<!tpu.dma_semaphore, #tpu.memory_space<semaphore_mem>>) src(%dma_wait3A_187 : memref<80x128xf32, #tpu.memory_space<vmem_shared>>) dst(%dma_wait3A_185 : memref<80x128xf32, #tpu.memory_space<hbm>>)
        tpu.yield
      }) : () -> ()
    } else {
    }
    %add3A_162 = arith.constant 112 : i32
    %add3A_163 = arith.addi %arg1, %add3A_162 : i32
    %lt3A_164 = arith.constant 125 : i32
    %lt3A_165 = arith.cmpi slt, %add3A_163, %lt3A_164 : i32
    %convert_element_type3A_166 = arith.extui %lt3A_165 : i1 to i32
    %cond3A_167 = arith.constant 0 : i32
    %cond3A_168 = arith.cmpi ne, %convert_element_type3A_166, %cond3A_167 : i32
    scf.if %cond3A_168 {
      %mul3A_169 = arith.constant 80 : i32
      %mul3A_170 = arith.muli %add3A_163, %mul3A_169 : i32
      %multiple_of3A = tpu.assume_multiple %mul3A_170, 80 : i32
      "tpu.region"() ({
        %run_scoped3A_171 = tpu.sem_alloc : memref<!tpu.dma_semaphore, #tpu.memory_space<semaphore_mem>>
        %dma_start3A_172 = arith.constant 0 : i32
        %dma_start3A_173 = arith.constant 0 : i32
        %dma_start3A_174 = tpu.memref_slice %arg5[%arg0, %dma_start3A_172, %dma_start3A_173] : memref<2x10000x128xf32, #tpu.memory_space<hbm>> -> memref<1x10000x128xf32, #tpu.memory_space<hbm>>
        %dma_start3A_175 = tpu.memref_squeeze %dma_start3A_174 : memref<1x10000x128xf32, #tpu.memory_space<hbm>> -> memref<10000x128xf32, #tpu.memory_space<hbm>>
        %dma_start3A_176 = arith.constant 0 : i32
        %dma_start3A_177 = tpu.memref_slice %dma_start3A_175[%multiple_of3A, %dma_start3A_176] : memref<10000x128xf32, #tpu.memory_space<hbm>> -> memref<80x128xf32, #tpu.memory_space<hbm>>
        %dma_start3A_178 = arith.constant 0 : i32
        %dma_start3A_179 = tpu.memref_slice %arg11[%multiple_of3A, %dma_start3A_178] : memref<10000x128xf32, #tpu.memory_space<vmem_shared>> -> memref<80x128xf32, #tpu.memory_space<vmem_shared>>
        tpu.enqueue_dma source(%dma_start3A_179 : memref<80x128xf32, #tpu.memory_space<vmem_shared>>) target(%dma_start3A_177 : memref<80x128xf32, #tpu.memory_space<hbm>>) target_semaphore(%run_scoped3A_171 : memref<!tpu.dma_semaphore, #tpu.memory_space<semaphore_mem>>)
        %dma_wait3A_180 = arith.constant 0 : i32
        %dma_wait3A_181 = arith.constant 0 : i32
        %dma_wait3A_182 = tpu.memref_slice %arg5[%arg0, %dma_wait3A_180, %dma_wait3A_181] : memref<2x10000x128xf32, #tpu.memory_space<hbm>> -> memref<1x10000x128xf32, #tpu.memory_space<hbm>>
        %dma_wait3A_183 = tpu.memref_squeeze %dma_wait3A_182 : memref<1x10000x128xf32, #tpu.memory_space<hbm>> -> memref<10000x128xf32, #tpu.memory_space<hbm>>
        %dma_wait3A_184 = arith.constant 0 : i32
        %dma_wait3A_185 = tpu.memref_slice %dma_wait3A_183[%multiple_of3A, %dma_wait3A_184] : memref<10000x128xf32, #tpu.memory_space<hbm>> -> memref<80x128xf32, #tpu.memory_space<hbm>>
        %dma_wait3A_186 = arith.constant 0 : i32
        %dma_wait3A_187 = tpu.memref_slice %arg11[%multiple_of3A, %dma_wait3A_186] : memref<10000x128xf32, #tpu.memory_space<vmem_shared>> -> memref<80x128xf32, #tpu.memory_space<vmem_shared>>
        tpu.wait_dma2 semaphore(%run_scoped3A_171 : memref<!tpu.dma_semaphore, #tpu.memory_space<semaphore_mem>>) src(%dma_wait3A_187 : memref<80x128xf32, #tpu.memory_space<vmem_shared>>) dst(%dma_wait3A_185 : memref<80x128xf32, #tpu.memory_space<hbm>>)
        tpu.yield
      }) : () -> ()
    } else {
    }
    return
  }
}

module attributes {stable_mosaic.version = 14 : i64} {
  func.func @body(%arg0: i32, %arg1: memref<400x128xf32, #tpu.memory_space<vmem>>, %arg2: memref<128x128xf32, #tpu.memory_space<vmem>>, %arg3: memref<400x128xf32, #tpu.memory_space<vmem>>) attributes {dimension_semantics = [#tpu.dimension_semantics<arbitrary>], iteration_bounds = array<i64: 25>, scalar_prefetch = 0 : i64, scratch_operands = 0 : i64, tpu.core_type = #tpu.core_type<tc>, window_params = [{transform_indices = @transform_0, window_bounds = array<i64: 400, 128>}, {pipeline_mode = #tpu.pipeline_mode<synchronous>, transform_indices = @transform_1, window_bounds = array<i64: 128, 128>}, {transform_indices = @transform_2, window_bounds = array<i64: 400, 128>}]} {
    %get3A = arith.constant 0 : index
    %get3A_0 = arith.constant 0 : index
    %get3A_1 = vector.load %arg1[%get3A, %get3A_0] : memref<400x128xf32, #tpu.memory_space<vmem>>, vector<400x128xf32>
    %get3A_2 = arith.constant 0 : index
    %get3A_3 = arith.constant 0 : index
    %get3A_4 = vector.load %arg2[%get3A_2, %get3A_3] : memref<128x128xf32, #tpu.memory_space<vmem>>, vector<128x128xf32>
    %dot_general3A = arith.constant dense<0.000000e+00> : vector<400x128xf32>
    %dot_general3A_5 = tpu.matmul %get3A_1, %get3A_4, %dot_general3A {dimension_numbers = #tpu.dot_dimension_numbers<[1], [0], [0], [1], [0, 0, 1, 1], [], []>, transpose_lhs_hint = false} : vector<400x128xf32>, vector<128x128xf32>, vector<400x128xf32> -> vector<400x128xf32>
    %swap3A = arith.constant 0 : index
    %swap3A_6 = arith.constant 0 : index
    %swap3A_7 = vector.load %arg3[%swap3A, %swap3A_6] : memref<400x128xf32, #tpu.memory_space<vmem>>, vector<400x128xf32>
    tpu.vector_store %arg3[%swap3A, %swap3A_6], %dot_general3A_5 {strides = array<i32>} : memref<400x128xf32, #tpu.memory_space<vmem>>, vector<400x128xf32>,
    return
  }
  func.func @transform_0(%arg0: i32) -> (i32, i32) {
    %c0_i32 = arith.constant 0 : i32
    %c0_i32_0 = arith.constant 0 : i32
    return %arg0, %c0_i32 : i32, i32
  }
  func.func @transform_1(%arg0: i32) -> (i32, i32) {
    %c0_i32 = arith.constant 0 : i32
    %c0_i32_0 = arith.constant 0 : i32
    %c0_i32_1 = arith.constant 0 : i32
    return %c0_i32, %c0_i32_0 : i32, i32
  }
  func.func @transform_2(%arg0: i32) -> (i32, i32) {
    %c0_i32 = arith.constant 0 : i32
    %c0_i32_0 = arith.constant 0 : i32
    return %arg0, %c0_i32 : i32, i32
  }
}

module attributes {stable_mosaic.version = 14 : i64} {
  func.func @body(%arg0: i32, %arg1: memref<2x400x16xf32, #tpu.memory_space<vmem>>, %arg2: memref<400x128xf32, #tpu.memory_space<vmem>>, %arg3: memref<1x128xf32, #tpu.memory_space<vmem>>, %arg4: memref<400x128xf32, #tpu.memory_space<vmem>>, %arg5: memref<400x128xf32, #tpu.memory_space<vmem>>) attributes {dimension_semantics = [#tpu.dimension_semantics<arbitrary>], iteration_bounds = array<i64: 25>, scalar_prefetch = 0 : i64, scratch_operands = 0 : i64, tpu.core_type = #tpu.core_type<tc>, window_params = [{transform_indices = @transform_0, window_bounds = array<i64: 2, 400, 16>}, {transform_indices = @transform_1, window_bounds = array<i64: 400, 128>}, {pipeline_mode = #tpu.pipeline_mode<synchronous>, transform_indices = @transform_2, window_bounds = array<i64: 1, 128>}, {transform_indices = @transform_3, window_bounds = array<i64: 400, 128>}, {transform_indices = @transform_4, window_bounds = array<i64: 400, 128>}]} {
    %get3A = arith.constant 0 : index
    %get3A_0 = arith.constant 0 : index
    %get3A_1 = arith.constant 0 : index
    %get3A_2 = vector.load %arg1[%get3A, %get3A_0, %get3A_1] : memref<2x400x16xf32, #tpu.memory_space<vmem>>, vector<1x400x1xf32>
    %get3A_3 = vector.shape_cast %get3A_2 : vector<1x400x1xf32> to vector<400x1xf32>
    %get3A_4 = arith.constant 1 : index
    %get3A_5 = arith.constant 0 : index
    %get3A_6 = arith.constant 0 : index
    %get3A_7 = vector.load %arg1[%get3A_4, %get3A_5, %get3A_6] : memref<2x400x16xf32, #tpu.memory_space<vmem>>, vector<1x400x1xf32>
    %get3A_8 = vector.shape_cast %get3A_7 : vector<1x400x1xf32> to vector<400x1xf32>
    %add3A = arith.addf %get3A_3, %get3A_8 : vector<400x1xf32>
    %add3A_9 = arith.constant 1.000000e+00 : f32
    %add3A_10 = vector.broadcast %add3A_9 : f32 to vector<400x1xf32>
    %add3A_11 = arith.addf %add3A, %add3A_10 : vector<400x1xf32>
    %rsqrt3A = math.rsqrt %add3A_11 : vector<400x1xf32>
    %get3A_12 = arith.constant 0 : index
    %get3A_13 = arith.constant 0 : index
    %get3A_14 = vector.load %arg2[%get3A_12, %get3A_13] : memref<400x128xf32, #tpu.memory_space<vmem>>, vector<400x128xf32>
    %mul3A = vector.broadcast %rsqrt3A : vector<400x1xf32> to vector<400x128xf32>
    %mul3A_15 = arith.mulf %get3A_14, %mul3A : vector<400x128xf32>
    %swap3A = arith.constant 0 : index
    %swap3A_16 = arith.constant 0 : index
    %swap3A_17 = vector.load %arg4[%swap3A, %swap3A_16] : memref<400x128xf32, #tpu.memory_space<vmem>>, vector<400x128xf32>
    tpu.vector_store %arg4[%swap3A, %swap3A_16], %mul3A_15 {strides = array<i32>} : memref<400x128xf32, #tpu.memory_space<vmem>>, vector<400x128xf32>,
    %mul3A_18 = arith.mulf %rsqrt3A, %rsqrt3A : vector<400x1xf32>
    %mul3A_19 = vector.broadcast %mul3A_18 : vector<400x1xf32> to vector<400x128xf32>
    %mul3A_20 = arith.mulf %get3A_14, %mul3A_19 : vector<400x128xf32>
    %get3A_21 = arith.constant 0 : index
    %get3A_22 = arith.constant 0 : index
    %get3A_23 = vector.load %arg3[%get3A_21, %get3A_22] : memref<1x128xf32, #tpu.memory_space<vmem>>, vector<1x128xf32>
    %add3A_24 = vector.broadcast %get3A_23 : vector<1x128xf32> to vector<400x128xf32>
    %add3A_25 = arith.addf %mul3A_20, %add3A_24 : vector<400x128xf32>
    %swap3A_26 = arith.constant 0 : index
    %swap3A_27 = arith.constant 0 : index
    %swap3A_28 = vector.load %arg5[%swap3A_26, %swap3A_27] : memref<400x128xf32, #tpu.memory_space<vmem>>, vector<400x128xf32>
    tpu.vector_store %arg5[%swap3A_26, %swap3A_27], %add3A_25 {strides = array<i32>} : memref<400x128xf32, #tpu.memory_space<vmem>>, vector<400x128xf32>,
    return
  }
  func.func @transform_0(%arg0: i32) -> (i32, i32, i32) {
    %c0_i32 = arith.constant 0 : i32
    %c0_i32_0 = arith.constant 0 : i32
    %c0_i32_1 = arith.constant 0 : i32
    return %c0_i32, %arg0, %c0_i32_0 : i32, i32, i32
  }
  func.func @transform_1(%arg0: i32) -> (i32, i32) {
    %c0_i32 = arith.constant 0 : i32
    %c0_i32_0 = arith.constant 0 : i32
    return %arg0, %c0_i32 : i32, i32
  }
  func.func @transform_2(%arg0: i32) -> (i32, i32) {
    %c0_i32 = arith.constant 0 : i32
    %c0_i32_0 = arith.constant 0 : i32
    %c0_i32_1 = arith.constant 0 : i32
    return %c0_i32, %c0_i32_0 : i32, i32
  }
  func.func @transform_3(%arg0: i32) -> (i32, i32) {
    %c0_i32 = arith.constant 0 : i32
    %c0_i32_0 = arith.constant 0 : i32
    return %arg0, %c0_i32 : i32, i32
  }
  func.func @transform_4(%arg0: i32) -> (i32, i32) {
    %c0_i32 = arith.constant 0 : i32
    %c0_i32_0 = arith.constant 0 : i32
    return %arg0, %c0_i32 : i32, i32
  }
}

module attributes {stable_mosaic.version = 14 : i64} {
  func.func @body(%arg0: i32, %arg1: memref<2x400x128xf32, #tpu.memory_space<vmem>>, %arg2: memref<2x400x16xf32, #tpu.memory_space<vmem>>, %arg3: memref<400x128xf32, #tpu.memory_space<vmem>>, %arg4: memref<128x128xf32, #tpu.memory_space<vmem>>, %arg5: memref<1x128xf32, #tpu.memory_space<vmem>>, %arg6: memref<400x128xf32, #tpu.memory_space<vmem>>, %arg7: memref<400x128xf32, #tpu.memory_space<vmem>>) attributes {dimension_semantics = [#tpu.dimension_semantics<arbitrary>], iteration_bounds = array<i64: 25>, scalar_prefetch = 0 : i64, scratch_operands = 0 : i64, tpu.core_type = #tpu.core_type<tc>, window_params = [{transform_indices = @transform_0, window_bounds = array<i64: 2, 400, 128>}, {transform_indices = @transform_1, window_bounds = array<i64: 2, 400, 16>}, {transform_indices = @transform_2, window_bounds = array<i64: 400, 128>}, {pipeline_mode = #tpu.pipeline_mode<synchronous>, transform_indices = @transform_3, window_bounds = array<i64: 128, 128>}, {pipeline_mode = #tpu.pipeline_mode<synchronous>, transform_indices = @transform_4, window_bounds = array<i64: 1, 128>}, {transform_indices = @transform_5, window_bounds = array<i64: 400, 128>}, {transform_indices = @transform_6, window_bounds = array<i64: 400, 128>}]} {
    %get3A = arith.constant 0 : index
    %get3A_0 = arith.constant 0 : index
    %get3A_1 = arith.constant 0 : index
    %get3A_2 = vector.load %arg2[%get3A, %get3A_0, %get3A_1] : memref<2x400x16xf32, #tpu.memory_space<vmem>>, vector<1x400x1xf32>
    %get3A_3 = vector.shape_cast %get3A_2 : vector<1x400x1xf32> to vector<400x1xf32>
    %get3A_4 = arith.constant 1 : index
    %get3A_5 = arith.constant 0 : index
    %get3A_6 = arith.constant 0 : index
    %get3A_7 = vector.load %arg2[%get3A_4, %get3A_5, %get3A_6] : memref<2x400x16xf32, #tpu.memory_space<vmem>>, vector<1x400x1xf32>
    %get3A_8 = vector.shape_cast %get3A_7 : vector<1x400x1xf32> to vector<400x1xf32>
    %add3A = arith.addf %get3A_3, %get3A_8 : vector<400x1xf32>
    %add3A_9 = arith.constant 1.000000e+00 : f32
    %add3A_10 = vector.broadcast %add3A_9 : f32 to vector<400x1xf32>
    %add3A_11 = arith.addf %add3A, %add3A_10 : vector<400x1xf32>
    %rsqrt3A = math.rsqrt %add3A_11 : vector<400x1xf32>
    %get3A_12 = arith.constant 0 : index
    %get3A_13 = arith.constant 0 : index
    %get3A_14 = arith.constant 0 : index
    %get3A_15 = vector.load %arg1[%get3A_12, %get3A_13, %get3A_14] : memref<2x400x128xf32, #tpu.memory_space<vmem>>, vector<1x400x128xf32>
    %get3A_16 = vector.shape_cast %get3A_15 : vector<1x400x128xf32> to vector<400x128xf32>
    %get3A_17 = arith.constant 1 : index
    %get3A_18 = arith.constant 0 : index
    %get3A_19 = arith.constant 0 : index
    %get3A_20 = vector.load %arg1[%get3A_17, %get3A_18, %get3A_19] : memref<2x400x128xf32, #tpu.memory_space<vmem>>, vector<1x400x128xf32>
    %get3A_21 = vector.shape_cast %get3A_20 : vector<1x400x128xf32> to vector<400x128xf32>
    %add3A_22 = arith.addf %get3A_16, %get3A_21 : vector<400x128xf32>
    %mul3A = vector.broadcast %rsqrt3A : vector<400x1xf32> to vector<400x128xf32>
    %mul3A_23 = arith.mulf %add3A_22, %mul3A : vector<400x128xf32>
    %get3A_24 = arith.constant 0 : index
    %get3A_25 = arith.constant 0 : index
    %get3A_26 = vector.load %arg3[%get3A_24, %get3A_25] : memref<400x128xf32, #tpu.memory_space<vmem>>, vector<400x128xf32>
    %add3A_27 = arith.addf %mul3A_23, %get3A_26 : vector<400x128xf32>
    %max3A = arith.constant 0.000000e+00 : f32
    %max3A_28 = vector.broadcast %max3A : f32 to vector<400x128xf32>
    %max3A_29 = arith.maximumf %add3A_27, %max3A_28 : vector<400x128xf32>
    %get3A_30 = arith.constant 0 : index
    %get3A_31 = arith.constant 0 : index
    %get3A_32 = vector.load %arg4[%get3A_30, %get3A_31] : memref<128x128xf32, #tpu.memory_space<vmem>>, vector<128x128xf32>
    %dot_general3A = arith.constant dense<0.000000e+00> : vector<400x128xf32>
    %dot_general3A_33 = tpu.matmul %max3A_29, %get3A_32, %dot_general3A {dimension_numbers = #tpu.dot_dimension_numbers<[1], [0], [0], [1], [0, 0, 1, 1], [], []>, transpose_lhs_hint = false} : vector<400x128xf32>, vector<128x128xf32>, vector<400x128xf32> -> vector<400x128xf32>
    %mul3A_34 = vector.broadcast %rsqrt3A : vector<400x1xf32> to vector<400x128xf32>
    %mul3A_35 = arith.mulf %dot_general3A_33, %mul3A_34 : vector<400x128xf32>
    %swap3A = arith.constant 0 : index
    %swap3A_36 = arith.constant 0 : index
    %swap3A_37 = vector.load %arg6[%swap3A, %swap3A_36] : memref<400x128xf32, #tpu.memory_space<vmem>>, vector<400x128xf32>
    tpu.vector_store %arg6[%swap3A, %swap3A_36], %mul3A_35 {strides = array<i32>} : memref<400x128xf32, #tpu.memory_space<vmem>>, vector<400x128xf32>,
    %mul3A_38 = arith.mulf %rsqrt3A, %rsqrt3A : vector<400x1xf32>
    %mul3A_39 = vector.broadcast %mul3A_38 : vector<400x1xf32> to vector<400x128xf32>
    %mul3A_40 = arith.mulf %dot_general3A_33, %mul3A_39 : vector<400x128xf32>
    %get3A_41 = arith.constant 0 : index
    %get3A_42 = arith.constant 0 : index
    %get3A_43 = vector.load %arg5[%get3A_41, %get3A_42] : memref<1x128xf32, #tpu.memory_space<vmem>>, vector<1x128xf32>
    %add3A_44 = vector.broadcast %get3A_43 : vector<1x128xf32> to vector<400x128xf32>
    %add3A_45 = arith.addf %mul3A_40, %add3A_44 : vector<400x128xf32>
    %swap3A_46 = arith.constant 0 : index
    %swap3A_47 = arith.constant 0 : index
    %swap3A_48 = vector.load %arg7[%swap3A_46, %swap3A_47] : memref<400x128xf32, #tpu.memory_space<vmem>>, vector<400x128xf32>
    tpu.vector_store %arg7[%swap3A_46, %swap3A_47], %add3A_45 {strides = array<i32>} : memref<400x128xf32, #tpu.memory_space<vmem>>, vector<400x128xf32>,
    return
  }
  func.func @transform_0(%arg0: i32) -> (i32, i32, i32) {
    %c0_i32 = arith.constant 0 : i32
    %c0_i32_0 = arith.constant 0 : i32
    %c0_i32_1 = arith.constant 0 : i32
    return %c0_i32, %arg0, %c0_i32_0 : i32, i32, i32
  }
  func.func @transform_1(%arg0: i32) -> (i32, i32, i32) {
    %c0_i32 = arith.constant 0 : i32
    %c0_i32_0 = arith.constant 0 : i32
    %c0_i32_1 = arith.constant 0 : i32
    return %c0_i32, %arg0, %c0_i32_0 : i32, i32, i32
  }
  func.func @transform_2(%arg0: i32) -> (i32, i32) {
    %c0_i32 = arith.constant 0 : i32
    %c0_i32_0 = arith.constant 0 : i32
    return %arg0, %c0_i32 : i32, i32
  }
  func.func @transform_3(%arg0: i32) -> (i32, i32) {
    %c0_i32 = arith.constant 0 : i32
    %c0_i32_0 = arith.constant 0 : i32
    %c0_i32_1 = arith.constant 0 : i32
    return %c0_i32, %c0_i32_0 : i32, i32
  }
  func.func @transform_4(%arg0: i32) -> (i32, i32) {
    %c0_i32 = arith.constant 0 : i32
    %c0_i32_0 = arith.constant 0 : i32
    %c0_i32_1 = arith.constant 0 : i32
    return %c0_i32, %c0_i32_0 : i32, i32
  }
  func.func @transform_5(%arg0: i32) -> (i32, i32) {
    %c0_i32 = arith.constant 0 : i32
    %c0_i32_0 = arith.constant 0 : i32
    return %arg0, %c0_i32 : i32, i32
  }
  func.func @transform_6(%arg0: i32) -> (i32, i32) {
    %c0_i32 = arith.constant 0 : i32
    %c0_i32_0 = arith.constant 0 : i32
    return %arg0, %c0_i32 : i32, i32
  }
}

module attributes {stable_mosaic.version = 14 : i64} {
  func.func @body(%arg0: i32, %arg1: memref<2x400x128xf32, #tpu.memory_space<vmem>>, %arg2: memref<2x400x16xf32, #tpu.memory_space<vmem>>, %arg3: memref<400x128xf32, #tpu.memory_space<vmem>>, %arg4: memref<128x40xf32, #tpu.memory_space<vmem>>, %arg5: memref<1x40xf32, #tpu.memory_space<vmem>>, %arg6: memref<400x40xf32, #tpu.memory_space<vmem>>) attributes {dimension_semantics = [#tpu.dimension_semantics<arbitrary>], iteration_bounds = array<i64: 25>, scalar_prefetch = 0 : i64, scratch_operands = 0 : i64, tpu.core_type = #tpu.core_type<tc>, window_params = [{transform_indices = @transform_0, window_bounds = array<i64: 2, 400, 128>}, {transform_indices = @transform_1, window_bounds = array<i64: 2, 400, 16>}, {transform_indices = @transform_2, window_bounds = array<i64: 400, 128>}, {pipeline_mode = #tpu.pipeline_mode<synchronous>, transform_indices = @transform_3, window_bounds = array<i64: 128, 40>}, {pipeline_mode = #tpu.pipeline_mode<synchronous>, transform_indices = @transform_4, window_bounds = array<i64: 1, 40>}, {transform_indices = @transform_5, window_bounds = array<i64: 400, 40>}]} {
    %get3A = arith.constant 0 : index
    %get3A_0 = arith.constant 0 : index
    %get3A_1 = arith.constant 0 : index
    %get3A_2 = vector.load %arg2[%get3A, %get3A_0, %get3A_1] : memref<2x400x16xf32, #tpu.memory_space<vmem>>, vector<1x400x1xf32>
    %get3A_3 = vector.shape_cast %get3A_2 : vector<1x400x1xf32> to vector<400x1xf32>
    %get3A_4 = arith.constant 1 : index
    %get3A_5 = arith.constant 0 : index
    %get3A_6 = arith.constant 0 : index
    %get3A_7 = vector.load %arg2[%get3A_4, %get3A_5, %get3A_6] : memref<2x400x16xf32, #tpu.memory_space<vmem>>, vector<1x400x1xf32>
    %get3A_8 = vector.shape_cast %get3A_7 : vector<1x400x1xf32> to vector<400x1xf32>
    %add3A = arith.addf %get3A_3, %get3A_8 : vector<400x1xf32>
    %add3A_9 = arith.constant 1.000000e+00 : f32
    %add3A_10 = vector.broadcast %add3A_9 : f32 to vector<400x1xf32>
    %add3A_11 = arith.addf %add3A, %add3A_10 : vector<400x1xf32>
    %rsqrt3A = math.rsqrt %add3A_11 : vector<400x1xf32>
    %get3A_12 = arith.constant 0 : index
    %get3A_13 = arith.constant 0 : index
    %get3A_14 = arith.constant 0 : index
    %get3A_15 = vector.load %arg1[%get3A_12, %get3A_13, %get3A_14] : memref<2x400x128xf32, #tpu.memory_space<vmem>>, vector<1x400x128xf32>
    %get3A_16 = vector.shape_cast %get3A_15 : vector<1x400x128xf32> to vector<400x128xf32>
    %get3A_17 = arith.constant 1 : index
    %get3A_18 = arith.constant 0 : index
    %get3A_19 = arith.constant 0 : index
    %get3A_20 = vector.load %arg1[%get3A_17, %get3A_18, %get3A_19] : memref<2x400x128xf32, #tpu.memory_space<vmem>>, vector<1x400x128xf32>
    %get3A_21 = vector.shape_cast %get3A_20 : vector<1x400x128xf32> to vector<400x128xf32>
    %add3A_22 = arith.addf %get3A_16, %get3A_21 : vector<400x128xf32>
    %mul3A = vector.broadcast %rsqrt3A : vector<400x1xf32> to vector<400x128xf32>
    %mul3A_23 = arith.mulf %add3A_22, %mul3A : vector<400x128xf32>
    %get3A_24 = arith.constant 0 : index
    %get3A_25 = arith.constant 0 : index
    %get3A_26 = vector.load %arg3[%get3A_24, %get3A_25] : memref<400x128xf32, #tpu.memory_space<vmem>>, vector<400x128xf32>
    %add3A_27 = arith.addf %mul3A_23, %get3A_26 : vector<400x128xf32>
    %max3A = arith.constant 0.000000e+00 : f32
    %max3A_28 = vector.broadcast %max3A : f32 to vector<400x128xf32>
    %max3A_29 = arith.maximumf %add3A_27, %max3A_28 : vector<400x128xf32>
    %get3A_30 = arith.constant 0 : index
    %get3A_31 = arith.constant 0 : index
    %get3A_32 = vector.load %arg4[%get3A_30, %get3A_31] : memref<128x40xf32, #tpu.memory_space<vmem>>, vector<128x40xf32>
    %dot_general3A = arith.constant dense<0.000000e+00> : vector<400x40xf32>
    %dot_general3A_33 = tpu.matmul %max3A_29, %get3A_32, %dot_general3A {dimension_numbers = #tpu.dot_dimension_numbers<[1], [0], [0], [1], [0, 0, 1, 1], [], []>, transpose_lhs_hint = false} : vector<400x128xf32>, vector<128x40xf32>, vector<400x40xf32> -> vector<400x40xf32>
    %get3A_34 = arith.constant 0 : index
    %get3A_35 = arith.constant 0 : index
    %get3A_36 = vector.load %arg5[%get3A_34, %get3A_35] : memref<1x40xf32, #tpu.memory_space<vmem>>, vector<1x40xf32>
    %add3A_37 = vector.broadcast %get3A_36 : vector<1x40xf32> to vector<400x40xf32>
    %add3A_38 = arith.addf %dot_general3A_33, %add3A_37 : vector<400x40xf32>
    %swap3A = arith.constant 0 : index
    %swap3A_39 = arith.constant 0 : index
    %swap3A_40 = vector.load %arg6[%swap3A, %swap3A_39] : memref<400x40xf32, #tpu.memory_space<vmem>>, vector<400x40xf32>
    tpu.vector_store %arg6[%swap3A, %swap3A_39], %add3A_38 {strides = array<i32>} : memref<400x40xf32, #tpu.memory_space<vmem>>, vector<400x40xf32>,
    return
  }
  func.func @transform_0(%arg0: i32) -> (i32, i32, i32) {
    %c0_i32 = arith.constant 0 : i32
    %c0_i32_0 = arith.constant 0 : i32
    %c0_i32_1 = arith.constant 0 : i32
    return %c0_i32, %arg0, %c0_i32_0 : i32, i32, i32
  }
  func.func @transform_1(%arg0: i32) -> (i32, i32, i32) {
    %c0_i32 = arith.constant 0 : i32
    %c0_i32_0 = arith.constant 0 : i32
    %c0_i32_1 = arith.constant 0 : i32
    return %c0_i32, %arg0, %c0_i32_0 : i32, i32, i32
  }
  func.func @transform_2(%arg0: i32) -> (i32, i32) {
    %c0_i32 = arith.constant 0 : i32
    %c0_i32_0 = arith.constant 0 : i32
    return %arg0, %c0_i32 : i32, i32
  }
  func.func @transform_3(%arg0: i32) -> (i32, i32) {
    %c0_i32 = arith.constant 0 : i32
    %c0_i32_0 = arith.constant 0 : i32
    %c0_i32_1 = arith.constant 0 : i32
    return %c0_i32, %c0_i32_0 : i32, i32
  }
  func.func @transform_4(%arg0: i32) -> (i32, i32) {
    %c0_i32 = arith.constant 0 : i32
    %c0_i32_0 = arith.constant 0 : i32
    %c0_i32_1 = arith.constant 0 : i32
    return %c0_i32, %c0_i32_0 : i32, i32
  }
  func.func @transform_5(%arg0: i32) -> (i32, i32) {
    %c0_i32 = arith.constant 0 : i32
    %c0_i32_0 = arith.constant 0 : i32
    return %arg0, %c0_i32 : i32, i32
  }
}

</mosaic_0001>

<sc_bundles>
// kernel: kernel.12.cloned.1.call-start
scs
__scs_entry_jumppad:
0x0: {  	(pc) =	sbr.rel $0x88, $3  }
0x1: {  	(tag) =	ssettag $0x0;
	lr =	simm.s32 $0x1  }
0x2: {  	[smem:$0x3F99] =	sst lr;
	_ =	strace $0xD0000000  }
0x3: {  	_ = 	snop  }
0x4: {  	_ = 	snop  }
0x5: {  	_ = 	snop  }
0x6: {  	_ = 	snop  }
0x7: {  	_ = 	snop  }
__scs_overlays_trampoline_lowered:
0x8: {  	[smem:$0x3FA8] =	sst s0  }
0x9: {  	[smem:$0x3FA9] =	sst s1  }
0xa: {  	[smem:$0x3FAA] =	sst s2  }
0xb: {  	[smem:$0x3FAB] =	sst s3  }
0xc: {  	[smem:$0x3FAC] =	sst s4  }
0xd: {  	[smem:$0x3FAD] =	sst s5  }
0xe: {  	[smem:$0x3FAE] =	sst s6  }
0xf: {  	[smem:$0x3FAF] =	sst s7  }
0x10: {  	[smem:$0x3FB0] =	sst s8  }
0x11: {  	[smem:$0x3FB1] =	sst s9;
	s0 =	simm.s32 @!p0 $0x0  }
0x12: {  	s1 =	sld [smem:$0x3F97];
	s0 =	simm.s32 @p0 $0x1  }
0x13: {  	[smem:$0x3FB2] =	sst s0;
	s0 =	simm.s32 @!p1 $0x0  }
0x14: {  	s2 =	sld [smem:$0x3F96];
	s0 =	simm.s32 @p1 $0x1  }
0x15: {  	[smem:$0x3FB3] =	sst s0;
	s0 =	simm.s32 @!p2 $0x0  }
0x16: {  	s3 =	sld [smem:$0x3FDB];
	s0 =	simm.s32 @p2 $0x1  }
0x17: {  	s4 =	simm.s32 $0x1BF5;
	[smem:$0x3FB5] =	sst s0  }
0x18: {  	s0 =	sld [smem:$0x3F98];
	_ =	swait.ge [sflag:s4], $0x0  }
0x19: {  	s7 =	sld [smem:$0x3F99]  }
0x1a: {  	s8 =	sadd.s32 $0xFFFFE003, lr  }
0x1b: {  	s9 =	sadd.s32 $0xFFFFFEF7, lr;
	s5 =	simm.s32 $0xFFFFFFFF;
	p2 =	slt.u32 s8, $0xFFFFF086  }
0x1c: {  	p1 =	slt.u32 s9, $0xF7A;
	s5 =	simm.s32 @!p2 $0x0  }
0x1d: {  	s5 =	simm.s32 @p1 $0x1;
	p0 =	seq.s32 s7, s2  }
0x1e: {  	s7 =	smul.u32 @!p0 $0xF7A, s2;
	p2 =	seq.s32 @!p0 s5, $0x0  }
0x1f: {  	s9 =	smul.u32 $0xF7A, s1;
	s8 =	simm.s32 @!p0 $0x1BF5;
	p2 =	por !p2, p0  }
0x20: {  	[sflag:s8] =	ssyncset.s32 @!p0 $0xFFFFF086;
	s6 =	sadd.s32 @!p0 s3, s7;
	s7 =	simm.s32 @!p0 $0x108  }
0x21: {  	s3 =	sadd.s32 s3, s9;
	s6 =	sadd.s32 @!p0 $0x88, s6;
	s7 =	simm.s32 @p2 $0x1082  }
0x22: {  	[simem:s7], [sflag:s8] =	dma.local @!p0 [hbm:s6], $0xF7A  }
0x23: {  	s9 =	sor.u32 $0xD0000000, s2;
	s6 =	simm.s32 $0x108;
	_ =	swait.ge @!p0 [sflag:s8], $0x0  }
0x24: {  	s3 =	sadd.s32 $0x88, s3;
	s6 =	simm.s32 @!p1 $0x1082;
	[sflag:s4] =	ssyncset.s32 $0xFFFFF086  }
0x25: {  	[simem:s6], [sflag:s4] =	dma.local [hbm:s3], $0xF7A  }
0x26: {  	[smem:$0x3F99] =	sst s1;
	(tag) =	ssettag s2;
	_ =	strace s9  }
0x27: {  	s1 =	sld [smem:$0x3FA9]  }
0x28: {  	s2 =	sld [smem:$0x3FAA]  }
0x29: {  	s4 =	sld [smem:$0x3FAC]  }
0x2a: {  	p0 =	seq.s32 s5, $0x0;
	s5 =	sld [smem:$0x3FAD]  }
0x2b: {  	s6 =	sld [smem:$0x3FAE]  }
0x2c: {  	s7 =	sld [smem:$0x3FAF]  }
0x2d: {  	s3 =	simm.s32 $0x108;
	s8 =	sld [smem:$0x3FB0]  }
0x2e: {  	s3 =	simm.s32 @!p0 $0x1082;
	s9 =	sld [smem:$0x3FB1]  }
0x2f: {  	lr =	sadd.s32 s0, s3;
	s0 =	sld [smem:$0x3FA8]  }
0x30: {  	s3 =	sld [smem:$0x3FAB]  }
0x31: {  	[smem:$0x3FB4] =	sst s10  }
0x32: {  	s10 =	sld [smem:$0x3FB2];
	_ =	sdelay $0x3  }
0x33: {  	p0 =	seq.s32 s10, $0x1;
	s10 =	sld [smem:$0x3FB4];
	_ =	sdelay $0x3  }
0x34: {  	[smem:$0x3FB4] =	sst s10  }
0x35: {  	s10 =	sld [smem:$0x3FB3];
	_ =	sdelay $0x3  }
0x36: {  	p1 =	seq.s32 s10, $0x1;
	s10 =	sld [smem:$0x3FB4];
	_ =	sdelay $0x3  }
0x37: {  	[smem:$0x3FB4] =	sst s10  }
0x38: {  	s10 =	sld [smem:$0x3FB5]  }
0x39: {  	_ = 	snop;
	(pc) =	sbr.ind lr, $3  }
0x3a: {  	_ = 	snop  }
0x3b: {  	_ = 	snop  }
0x3c: {  	p2 =	seq.s32 s10, $0x1;
	s10 =	sld [smem:$0x3FB4]  }
0x3d: {  	_ =	shalt  }
0x3e: {  	_ =	shalt  }
0x3f: {  	_ =	shalt  }
0x40: {  	_ =	shalt  }
0x41: {  	_ =	shalt  }
0x42: {  	_ =	shalt  }
0x43: {  	_ =	shalt  }
0x44: {  	_ =	shalt  }
0x45: {  	_ =	shalt  }
0x46: {  	_ =	shalt  }
0x47: {  	_ =	shalt  }
0x48: {  	_ =	shalt  }
0x49: {  	_ =	shalt  }
0x4a: {  	_ =	shalt  }
0x4b: {  	_ =	shalt  }
0x4c: {  	_ =	shalt  }
0x4d: {  	_ =	shalt  }
0x4e: {  	_ =	shalt  }
0x4f: {  	_ =	shalt  }
0x50: {  	_ =	shalt  }
0x51: {  	_ =	shalt  }
0x52: {  	_ =	shalt  }
0x53: {  	_ =	shalt  }
0x54: {  	_ =	shalt  }
0x55: {  	_ =	shalt  }
0x56: {  	_ =	shalt  }
0x57: {  	_ =	shalt  }
0x58: {  	_ =	shalt  }
0x59: {  	_ =	shalt  }
0x5a: {  	_ =	shalt  }
0x5b: {  	_ =	shalt  }
0x5c: {  	_ =	shalt  }
0x5d: {  	_ =	shalt  }
0x5e: {  	_ =	shalt  }
0x5f: {  	_ =	shalt  }
0x60: {  	_ =	shalt  }
0x61: {  	_ =	shalt  }
0x62: {  	_ =	shalt  }
0x63: {  	_ =	shalt  }
0x64: {  	_ =	shalt  }
0x65: {  	_ =	shalt  }
0x66: {  	_ =	shalt  }
0x67: {  	_ =	shalt  }
0x68: {  	_ =	shalt  }
0x69: {  	_ =	shalt  }
0x6a: {  	_ =	shalt  }
0x6b: {  	_ =	shalt  }
0x6c: {  	_ =	shalt  }
0x6d: {  	_ =	shalt  }
0x6e: {  	_ =	shalt  }
0x6f: {  	_ =	shalt  }
0x70: {  	_ =	shalt  }
0x71: {  	_ =	shalt  }
0x72: {  	_ =	shalt  }
0x73: {  	_ =	shalt  }
0x74: {  	_ =	shalt  }
0x75: {  	_ =	shalt  }
0x76: {  	_ =	shalt  }
0x77: {  	_ =	shalt  }
0x78: {  	_ =	shalt  }
0x79: {  	_ =	shalt  }
0x7a: {  	_ =	shalt  }
0x7b: {  	_ =	shalt  }
0x7c: {  	_ =	shalt  }
0x7d: {  	_ =	shalt  }
0x7e: {  	_ =	shalt  }
0x7f: {  	_ =	shalt  }
0x80: {  	_ =	shalt  }
0x81: {  	_ =	shalt  }
0x82: {  	_ =	shalt  }
0x83: {  	_ =	shalt  }
0x84: {  	_ =	shalt  }
0x85: {  	_ =	shalt  }
0x86: {  	_ =	shalt  }
0x87: {  	_ =	shalt  }
.Lfunc_end0:
.L_simem_size_0:
called_computation.1_lowered:
.L_overlay_start_0:
0x88: {  	s2 =	sld [smem:$0x3FD9]  }
0x89: {  	s3 =	sld [smem:$0x3FFE];
	_ =	sdelay $0x1  }
0x8a: {  	s1 =	srdreg.scid  }
0x8b: {  	s0 =	sand.u32 $0x1, s1  }
0x8c: {  	s17 =	sshll.u32 s0, $0xA;
	s2 =	sadd.s32 s3, s2  }
0x8d: {  	s2 =	sadd.s32 s2, s17  }
0x8e: {  	[smem:$0x3FC0] =	sst s2  }
0x8f: {  	_ = 	snop  }
0x90: {  	s2 =	sld [smem:$0x3FD0];
	(tm) =	ssettm $0x1  }
0x91: {  	s18 =	sld [smem:$0x3FFB];
	_ =	sdelay $0x3  }
0x92: {  	_ =	strace s18  }
0x93: {  	s3 =	sld [smem:$0x3FFC];
	_ =	sdelay $0x3  }
0x94: {  	_ =	strace s3  }
0x95: {  	s3 =	sld [smem:$0x3FFD];
	_ =	sdelay $0x3  }
0x96: {  	_ =	strace s3  }
0x97: {  	_ =	strace $0x8FFFFFFF  }
0x98: {  	s19 =	sld [smem:$0x3FDB];
	_ =	sdelay $0x1  }
0x99: {  	s4 =	simm.s32 $_scs_section_size  }
0x9a: {  	s5 =	simm.s32 $_size__tile_overlayer_lowered;
	s6 =	simm.s32 $_tile_overlayer_lowered  }
0x9b: {  	s22 =	simm.s32 $0x1BFF;
	s21 =	sshll.u32 s6, $0x1;
	s3 =	sadd.s32 s4, s19  }
0x9c: {  	s7 =	simm.s32 $0x0;
	s20 =	sshll.u32 s5, $0x1;
	s5 =	sadd.s32 s21, s3  }
0x9d: {  	[timem:s7], [sflag:s22] =	dma.local [hbm:s5], s20  }
0x9e: {  	_ =	swait.ge [sflag:s22], s20  }
0x9f: {  	s4 =	ssub.s32 $0x0, s20;
	[sflag:s22] =	ssyncset.done $0x0  }
0xa0: {  	[sflag:s22] =	ssyncadd.s32 s4;
	_ =	sdelay $0x1  }
0xa1: {  	s23 =	simm.s32 $0x1B8B  }
0xa2: {  	_ =	swait.ge [sflag:s23], $0x1  }
0xa3: {  	[sflag:s23] =	ssyncset.done $0x0  }
0xa4: {  	s25 =	simm.s32 $0x1B8E;
	s24 =	sld [smem:$0x3FFE];
	[sflag:s23] =	ssyncadd.s32 $0xFFFFFFFF  }
0xa5: {  	s26 =	simm.s32 $execute0_lowered;
	[smem:$0x3FD2] =	sst s25  }
0xa6: {  	s5 =	sshll.u32 s26, $0x1;
	_ =	strace $0x80000049;
	[dreg:$0x1] =	wrdreg $0xFFFFFFFF  }
0xa7: {  	s28 =	simm.s32 $_size_execute0_lowered;
	s3 =	sadd.s32 s3, s5;
	[dreg:$0x0] =	wrdreg $0x0  }
0xa8: {  	s5 =	sshll.u32 s28, $0x1;
	[dreg:$0x2] =	wrdreg s3  }
0xa9: {  	[dreg:$0x3] =	wrdreg s5  }
0xaa: {  	[dreg:$0x4] =	wrdreg $0xC0  }
0xab: {  	_ =	task [dreg:s7], $0x5FFFF  }
0xac: {  	[dreg:$0x1] =	wrdreg $0xFFFFFFFF  }
0xad: {  	[dreg:$0x0] =	wrdreg $0x60  }
0xae: {  	[dreg:$0x2] =	wrdreg s24  }
0xaf: {  	[dreg:$0x3] =	wrdreg s2  }
0xb0: {  	[dreg:$0x4] =	wrdreg $0xC6200  }
0xb1: {  	[dreg:$0x5] =	wrdreg $0x9  }
0xb2: {  	_ =	task.clear_ibuf [dreg:s7], $0x6FFFF;
	_ =	strace $0x90000049  }
0xb3: {  	s29 =	simm.s32 $0x9;
	_ =	strace $0x8000004B  }
0xb4: {  	_ =	swait.ge [sflag:s29], $0x1  }
0xb5: {  	[sflag:s29] =	ssyncadd.s32 $0xFFFFFFFF  }
0xb6: {  	_ =	strace $0x9000004B  }
0xb7: {  	_ =	sfence  }
0xb8: {  	s30 =	sld [smem:$0x0];
	_ =	sdelay $0x2  }
0xb9: {  	s31 =	sshll.u32 s1, $0xD;
	s1 =	sshrl.u32 s1, $0x2  }
0xba: {  	s3 =	sand.u32 $0x4000, s31;
	s1 =	sadd.s32 s1, s30  }
0xbb: {  	s0 =	sor.u32 s3, s0;
	s1 =	sshll.u32 s1, $0x11  }
0xbc: {  	s0 =	sor.u32 s1, s0  }
0xbd: {  	s0 =	sadd.s32 $0x8F2B, s0  }
0xbe: {  	[sflag:s0] =	ssyncadd.remote.s32 $0x1  }
0xbf: {  	_ =	sfence.sel $0xFFFF  }
0xc0: {  	[dreg:$0x0] =	wrdreg $0xFFFFFFFF;
	(pc) =	sbr.abs _section_cstart, $3  }
0xc1: {  	[dreg:$0x1] =	wrdreg $0xFFFFFFFF  }
0xc2: {  	_ =	task.clear_ibuf [dreg:s7], $0x2FFFF;
	_ =	strace $0x9FFFFFFF  }
0xc3: {  	(tm) =	ssettm $0x7FFFFFFF  }
tec
execute0_lowered:
.L_overlay_start_1:
0x0: {  	(tag) =	ssettag $0x1  }
0x1: {  	s0 =	srdreg.scid  }
0x2: {  	s20 =	stileid.u32;
	s0 =	sand.u32 $0x1, s0  }
0x3: {  	s6 =	simm.s32 $0x0;
	s5 =	sor.u32 $0x10, s20;
	s19 =	smul.u32 $0x27100, s0  }
0x4: {  	[smem:$0x7FF] =	sst s6;
	s6 =	smul.u32 $0xA000, s5  }
0x5: {  	s10 =	sor.u32 $0x30, s20;
	s5 =	smul.u32 $0x2800, s5  }
0x6: {  	s11 =	sor.u32 $0x40, s20;
	s23 =	smul.u32 $0x2800, s10  }
0x7: {  	s14 =	sor.u32 $0x50, s20;
	s24 =	smul.u32 $0x2800, s11  }
0x8: {  	s15 =	sor.u32 $0x60, s20;
	s25 =	smul.u32 $0x2800, s14  }
0x9: {  	s18 =	sor.u32 $0x70, s20;
	s26 =	smul.u32 $0x2800, s15  }
0xa: {  	s2 =	rddreg [dreg:$0x0];
	s1 =	sshll.u32 s0, $0x4;
	s28 =	smul.u32 $0x2800, s18  }
0xb: {  	s3 =	rddreg [dreg:$0x1];
	s14 =	smul.u32 $0xA000, s14;
	s1 =	sor.u32 s20, s1  }
0xc: {  	p0 =	sgt.u32 s20, $0xC;
	s0 =	ssub.s32 $0x2, s0;
	s4 =	smul.u32 $0x4E2, s1  }
0xd: {  	s8 =	sshrl.u32 s0, $0x1;
	s7 =	sadd.s32 s19, s2;
	s1 =	smul.u32 $0x2800, s20  }
0xe: {  	s0 =	ssub.s32 s0, s8;
	s8 =	sor.u32 $0x20, s20;
	s13 =	sshrl.u32 s5, $0x3  }
0xf: {  	s17 =	sshrl.u32 s23, $0x3;
	s20 =	smul.u32 $0xA000, s20;
	s7 =	sadd.s32 $0x8B200, s7  }
0x10: {  	s19 =	sshrl.u32 s24, $0x3;
	s12 =	smul.u32 $0x2800, s8;
	s21 =	sadd.s32 s13, s7  }
0x11: {  	s9 =	sshrl.u32 s1, $0x3;
	s13 =	sadd.s32 s17, s7;
	[dreg:$0x5] =	wrdreg s21  }
0x12: {  	s16 =	sshrl.u32 s12, $0x3;
	s9 =	sadd.s32 s9, s7;
	[dreg:$0x7] =	wrdreg s13  }
0x13: {  	s17 =	sshrl.u32 s25, $0x3;
	[dreg:$0x4] =	wrdreg s9;
	s22 =	sadd.s32 s16, s7  }
0x14: {  	s3 =	sadd.s32 s3, s4;
	s16 =	sadd.s32 s19, s7;
	[dreg:$0x6] =	wrdreg s22  }
0x15: {  	s9 =	sadd.s32 s17, s7;
	s17 =	smul.u32 $0xA000, s15;
	[dreg:$0x8] =	wrdreg s16  }
0x16: {  	s21 =	sadd.s32 s4, s2;
	[dreg:$0x9] =	wrdreg s9;
	s22 =	smul.u32 $0xA000, s8  }
0x17: {  	s19 =	sshrl.u32 s26, $0x3;
	s9 =	rddreg [dreg:$0x2];
	s8 =	smul.u32 $0xA000, s10  }
0x18: {  	s13 =	sadd.s32 s19, s7;
	s10 =	smul.u32 $0xA000, s11;
	s11 =	sshrl.u32 s6, $0x2  }
0x19: {  	s6 =	sshrl.u32 s14, $0x2;
	[dreg:$0xa] =	wrdreg s13;
	s13 =	sshrl.u32 s28, $0x3  }
0x1a: {  	s1 =	sadd.s32 s1, s9;
	s14 =	sadd.s32 s12, s9;
	s15 =	sadd.s32 s23, s9  }
0x1b: {  	s23 =	smax.u32 s0, $0x1;
	s0 =	simm.s32 $0x4E20;
	s12 =	simm.s32 $0x0  }
0x1c: {  	s7 =	sadd.s32 @!p0 s13, s7;
	s13 =	sadd.s32 $0x64000, s2;
	s4 =	sshrl.u32 s22, $0x2  }
0x1d: {  	s22 =	smul.u32 $0xA000, s18;
	s18 =	sadd.s32 s26, s9;
	s26 =	sshrl.u32 s14, $0x3  }
0x1e: {  	[dreg:$0xb] =	wrdreg s7;
	s7 =	sshrl.u32 s20, $0x2;
	s16 =	sadd.s32 s4, s9  }
0x1f: {  	s20 =	sadd.s32 s6, s9;
	s31 =	sshrl.u32 s18, $0x3;
	s6 =	simm.s32 $0x1  }
0x20: {  	_ =	strace $0x8000004A;
	[dreg:$0xc] =	wrdreg s3;
	s3 =	sadd.s32 $0x2200, s21  }
0x21: {  	s2 =	sadd.s32 s7, s9;
	[dreg:$0x10] =	wrdreg s16;
	s21 =	sshrl.u32 s8, $0x2  }
0x22: {  	s8 =	sshrl.u32 s17, $0x2;
	s16 =	sadd.s32 s24, s9;
	s17 =	sadd.s32 s25, s9  }
0x23: {  	s24 =	sshrl.u32 s1, $0x3;
	s1 =	simm.s32 $0x6;
	[dreg:$0xd] =	wrdreg s3  }
0x24: {  	[dreg:$0xe] =	wrdreg s2;
	s3 =	sadd.s32 s11, s9;
	s2 =	sshrl.u32 s10, $0x2  }
0x25: {  	s4 =	sadd.s32 s21, s9;
	s10 =	sshrl.u32 s22, $0x2;
	s21 =	sadd.s32 s8, s9  }
0x26: {  	s11 =	sadd.s32 s5, s9;
	s8 =	sadd.s32 s28, s9;
	s28 =	sshrl.u32 s15, $0x3  }
0x27: {  	s29 =	sshrl.u32 s16, $0x3;
	s30 =	sshrl.u32 s17, $0x3;
	[dreg:$0xf] =	wrdreg s3  }
0x28: {  	s5 =	simm.s32 $0x9E20;
	[dreg:$0x11] =	wrdreg s4;
	s19 =	sadd.s32 s2, s9  }
0x29: {  	s22 =	sadd.s32 s10, s9;
	s25 =	sshrl.u32 s11, $0x3;
	s7 =	sshrl.u32 @!p0 s8, $0x3  }
0x2a: {  	s2 =	simm.s32 $0x5;
	s3 =	simm.s32 $0x50;
	s4 =	simm.s32 $0x7620  }
0x2b: {  	v0 =	vimm.f32 $0.0e+00;
	s8 =	simm.s32 $0x4;
	s10 =	simm.s32 $0x2;
	s11 =	simm.s32 $0x3  }
.LBB2_1:
0x2c: {  	s14 =	simm.s32 $0x0;
	s15 =	rddreg [dreg:$0xc]  }
0x2d: {  	[tilespmem:s14], [sflag:$0x5] =	stream.linear.gather [hbm4b:s15+s14], $0x2710, $0x38;
	[tilespmem:$0x1FEA0] =	vst v63  }
0x2e: {  	s18 =	rddreg [dreg:$0xd];
	s16 =	simm.s32 $0x2710  }
0x2f: {  	[tilespmem:s16], [sflag:$0x5] =	stream.linear.gather [hbm4b:s18+s14], $0x2710, $0x38;
	[tilespmem:$0x1FEA0] =	vst v63  }
0x30: {  	s15 =	simm.s32 $0x200;
	s14 =	simm.s32 $0x0  }
.LBB2_2:
0x31: {  	p1 =	sne.s32 s15, $0x9E00;
	[tilespmem:s14+$0x4E90] =	vst v0  }
0x32: {  	[tilespmem:s14+$0x4E20] =	vst v0  }
0x33: {  	[tilespmem:s14+$0x4E30] =	vst v0  }
.Ltmp0:
0x34: {  	[tilespmem:s14+$0x4E40] =	vst v0;
	(pc) =	sbr.rel @p1 .LBB2_2-.Ltmp0, $4  }
0x35: {  	[tilespmem:s14+$0x4E50] =	vst v0  }
0x36: {  	[tilespmem:s14+$0x4E60] =	vst v0  }
0x37: {  	[tilespmem:s14+$0x4E70] =	vst v0  }
0x38: {  	[tilespmem:s14+$0x4E80] =	vst v0;
	s14 =	sshra.s32 s15, $0x2;
	s15 =	sadd.s32 $0x200, s15  }
0x39: {  	[tilespmem:s14+$0x4E90] =	vst v0  }
0x3a: {  	[tilespmem:s14+$0x4E20] =	vst v0  }
0x3b: {  	[tilespmem:s14+$0x4E30] =	vst v0  }
0x3c: {  	[tilespmem:s14+$0x4E40] =	vst v0  }
0x3d: {  	[tilespmem:s14+$0x4E50] =	vst v0  }
0x3e: {  	[tilespmem:s14+$0x4E60] =	vst v0  }
0x3f: {  	[tilespmem:s14+$0x4E70] =	vst v0  }
0x40: {  	[tilespmem:s14+$0x4E80] =	vst v0;
	s16 =	rddreg [dreg:$0xe]  }
0x41: {  	[spmem:s16] =	stream.linear.scatter [tilespmem:s0], [sflag:$0x6], $0x2800, $0x38;
	[tilespmem:$0x1FEA0] =	vst v63  }
0x42: {  	_ =	swait.ge [sflag:s1], $0x2800  }
0x43: {  	[sflag:s1] =	ssyncset.done $0x0  }
0x44: {  	s17 =	rddreg [dreg:$0xf];
	[sflag:s1] =	ssyncadd.s32 $0xFFFFD800  }
0x45: {  	[spmem:s17] =	stream.linear.scatter [tilespmem:s0], [sflag:$0x6], $0x2800, $0x38;
	[tilespmem:$0x1FEA0] =	vst v63  }
0x46: {  	_ =	swait.ge [sflag:s1], $0x2800  }
0x47: {  	[sflag:s1] =	ssyncset.done $0x0  }
0x48: {  	s18 =	rddreg [dreg:$0x10];
	[sflag:s1] =	ssyncadd.s32 $0xFFFFD800  }
0x49: {  	[spmem:s18] =	stream.linear.scatter [tilespmem:s0], [sflag:$0x6], $0x2800, $0x38;
	[tilespmem:$0x1FEA0] =	vst v63  }
0x4a: {  	_ =	swait.ge [sflag:s1], $0x2800  }
0x4b: {  	[sflag:s1] =	ssyncset.done $0x0  }
0x4c: {  	s15 =	rddreg [dreg:$0x11];
	[sflag:s1] =	ssyncadd.s32 $0xFFFFD800  }
0x4d: {  	[spmem:s15] =	stream.linear.scatter [tilespmem:s0], [sflag:$0x6], $0x2800, $0x38;
	[tilespmem:$0x1FEA0] =	vst v63  }
0x4e: {  	_ =	swait.ge [sflag:s1], $0x2800  }
0x4f: {  	[sflag:s1] =	ssyncset.done $0x0  }
0x50: {  	[sflag:s1] =	ssyncadd.s32 $0xFFFFD800  }
0x51: {  	[spmem:s19] =	stream.linear.scatter [tilespmem:s0], [sflag:$0x6], $0x2800, $0x38;
	[tilespmem:$0x1FEA0] =	vst v63  }
0x52: {  	_ =	swait.ge [sflag:s1], $0x2800  }
0x53: {  	[sflag:s1] =	ssyncset.done $0x0  }
0x54: {  	[sflag:s1] =	ssyncadd.s32 $0xFFFFD800  }
0x55: {  	[spmem:s20] =	stream.linear.scatter [tilespmem:s0], [sflag:$0x6], $0x2800, $0x38;
	[tilespmem:$0x1FEA0] =	vst v63  }
0x56: {  	_ =	swait.ge [sflag:s1], $0x2800  }
0x57: {  	[sflag:s1] =	ssyncset.done $0x0  }
0x58: {  	[sflag:s1] =	ssyncadd.s32 $0xFFFFD800  }
0x59: {  	[spmem:s21] =	stream.linear.scatter [tilespmem:s0], [sflag:$0x6], $0x2800, $0x38;
	[tilespmem:$0x1FEA0] =	vst v63  }
0x5a: {  	_ =	swait.ge [sflag:s1], $0x2800  }
0x5b: {  	[sflag:s1] =	ssyncset.done $0x0  }
0x5c: {  	s14 =	simm.s32 @!p0 $0x4E20;
	[sflag:s1] =	ssyncadd.s32 $0xFFFFD800  }
0x5d: {  	[spmem:s22] =	stream.linear.scatter @!p0 [tilespmem:s14], [sflag:$0x6], $0x2800, $0x38;
	[tilespmem:$0x1FEA0] =	vst v63  }
0x5e: {  	s14 =	simm.s32 @!p0 $0x6  }
0x5f: {  	_ =	swait.ge @!p0 [sflag:s14], $0x2800  }
0x60: {  	[sflag:s14] =	ssyncset.done @!p0 $0x0  }
0x61: {  	[sflag:s14] =	ssyncadd.s32 @!p0 $0xFFFFD800  }
0x62: {  	_ =	swait.ge [sflag:s2], $0x2710  }
0x63: {  	[sflag:s2] =	ssyncset.done $0x0  }
0x64: {  	[sflag:s2] =	ssyncadd.s32 $0xFFFFD8F0  }
0x65: {  	_ =	swait.ge [sflag:s2], $0x2710  }
0x66: {  	[sflag:s2] =	ssyncset.done $0x0  }
0x67: {  	[sflag:s2] =	ssyncadd.s32 $0xFFFFD8F0  }
0x68: {  	s16 =	simm.s32 $0x0;
	[bflag:$0x0] =	sbarrier.arrive $0xFFFF  }
0x69: {  	[tilespmem:s0], [sflag:$0x1] =	stream.indirect.gather [hbm4b:s13+s3], $0x80, s16, s3, $0xb8;
	[tilespmem:$0x1FEA0] =	vst v63  }
0x6a: {  	_ = 	snop  }
0x6b: {  	[tilespmem:s4], [sflag:$0x2] =	stream.indirect.gather [hbm4b:s13+s3], $0x80, s3, s3, $0xb8;
	[tilespmem:$0x1FEA0] =	vst v63  }
0x6c: {  	s17 =	simm.s32 $0xA0  }
0x6d: {  	[tilespmem:s5], [sflag:$0x3] =	stream.indirect.gather [hbm4b:s13+s3], $0x80, s17, s3, $0xb8;
	[tilespmem:$0x1FEA0] =	vst v63  }
0x6e: {  	_ =	swait.ge [sflag:s6], $0x2800  }
0x6f: {  	[sflag:s6] =	ssyncset.done $0x0  }
0x70: {  	s18 =	simm.s32 $0x2710;
	[sflag:s6] =	ssyncadd.s32 $0xFFFFD800  }
0x71: {  	[spmem:s9] =	stream.indirect.scatter.add.f32 [tilespmem:s0], [sflag:$0x4], $0x80, s18, s3, $0xb8;
	[tilespmem:$0x1FEA0] =	vst v63  }
0x72: {  	_ =	swait.ge [sflag:s8], $0x2800  }
0x73: {  	[sflag:s8] =	ssyncset.done $0x0  }
0x74: {  	s15 =	simm.s32 $0xF0;
	[sflag:s8] =	ssyncadd.s32 $0xFFFFD800  }
0x75: {  	[tilespmem:s0], [sflag:$0x1] =	stream.indirect.gather [hbm4b:s13+s3], $0x80, s15, s3, $0xb8;
	[tilespmem:$0x1FEA0] =	vst v63  }
0x76: {  	_ =	swait.ge [sflag:s10], $0x2800  }
0x77: {  	[sflag:s10] =	ssyncset.done $0x0  }
0x78: {  	s16 =	simm.s32 $0x2760;
	[sflag:s10] =	ssyncadd.s32 $0xFFFFD800  }
0x79: {  	[spmem:s9] =	stream.indirect.scatter.add.f32 [tilespmem:s4], [sflag:$0x4], $0x80, s16, s3, $0xb8;
	[tilespmem:$0x1FEA0] =	vst v63  }
0x7a: {  	_ =	swait.ge [sflag:s8], $0x2800  }
0x7b: {  	[sflag:s8] =	ssyncset.done $0x0  }
0x7c: {  	s17 =	simm.s32 $0x140;
	[sflag:s8] =	ssyncadd.s32 $0xFFFFD800  }
0x7d: {  	[tilespmem:s4], [sflag:$0x2] =	stream.indirect.gather [hbm4b:s13+s3], $0x80, s17, s3, $0xb8;
	[tilespmem:$0x1FEA0] =	vst v63  }
0x7e: {  	_ =	swait.ge [sflag:s11], $0x2800  }
0x7f: {  	[sflag:s11] =	ssyncset.done $0x0  }
0x80: {  	s18 =	simm.s32 $0x27B0;
	[sflag:s11] =	ssyncadd.s32 $0xFFFFD800  }
0x81: {  	[spmem:s9] =	stream.indirect.scatter.add.f32 [tilespmem:s5], [sflag:$0x4], $0x80, s18, s3, $0xb8;
	[tilespmem:$0x1FEA0] =	vst v63  }
0x82: {  	_ =	swait.ge [sflag:s8], $0x2800  }
0x83: {  	s14 =	simm.s32 $0xF0;
	s15 =	simm.s32 $0x780;
	[sflag:s8] =	ssyncset.done $0x0  }
.LBB2_4:
0x84: {  	s16 =	sadd.s32 $0xA0, s14  }
0x85: {  	[sflag:s8] =	ssyncadd.s32 $0xFFFFD800;
	s17 =	smov.u32 s15;
	s18 =	sadd.s32 $0x3C0, s15  }
0x86: {  	[tilespmem:s5], [sflag:$0x3] =	stream.indirect.gather [hbm4b:s13+s3], $0x80, s16, s3, $0xb8;
	[tilespmem:$0x1FEA0] =	vst v63  }
0x87: {  	p1 =	sne.s32 s15, $0x9600;
	_ =	swait.ge [sflag:s6], $0x2800  }
0x88: {  	[sflag:s6] =	ssyncset.done $0x0  }
0x89: {  	s15 =	sadd.s32 $0x2710, s14;
	[sflag:s6] =	ssyncadd.s32 $0xFFFFD800  }
0x8a: {  	[spmem:s9] =	stream.indirect.scatter.add.f32 [tilespmem:s0], [sflag:$0x4], $0x80, s15, s3, $0xb8;
	[tilespmem:$0x1FEA0] =	vst v63  }
0x8b: {  	_ =	swait.ge [sflag:s8], $0x2800  }
0x8c: {  	[sflag:s8] =	ssyncset.done $0x0  }
0x8d: {  	s15 =	sadd.s32 $0xF0, s14;
	[sflag:s8] =	ssyncadd.s32 $0xFFFFD800  }
0x8e: {  	[tilespmem:s0], [sflag:$0x1] =	stream.indirect.gather [hbm4b:s13+s3], $0x80, s15, s3, $0xb8;
	[tilespmem:$0x1FEA0] =	vst v63  }
0x8f: {  	_ =	swait.ge [sflag:s10], $0x2800  }
0x90: {  	[sflag:s10] =	ssyncset.done $0x0  }
0x91: {  	s15 =	sadd.s32 $0x2760, s14;
	[sflag:s10] =	ssyncadd.s32 $0xFFFFD800  }
0x92: {  	[spmem:s9] =	stream.indirect.scatter.add.f32 [tilespmem:s4], [sflag:$0x4], $0x80, s15, s3, $0xb8;
	[tilespmem:$0x1FEA0] =	vst v63  }
0x93: {  	_ =	swait.ge [sflag:s8], $0x2800  }
0x94: {  	[sflag:s8] =	ssyncset.done $0x0  }
0x95: {  	s15 =	sadd.s32 $0x140, s14;
	[sflag:s8] =	ssyncadd.s32 $0xFFFFD800  }
0x96: {  	[tilespmem:s4], [sflag:$0x2] =	stream.indirect.gather [hbm4b:s13+s3], $0x80, s15, s3, $0xb8;
	[tilespmem:$0x1FEA0] =	vst v63  }
0x97: {  	_ =	swait.ge [sflag:s11], $0x2800  }
.Ltmp1:
0x98: {  	[sflag:s11] =	ssyncset.done $0x0;
	(pc) =	sbr.rel @p1 .LBB2_4-.Ltmp1, $4  }
0x99: {  	s14 =	sadd.s32 $0x27B0, s14;
	[sflag:s11] =	ssyncadd.s32 $0xFFFFD800  }
0x9a: {  	[spmem:s9] =	stream.indirect.scatter.add.f32 [tilespmem:s5], [sflag:$0x4], $0x80, s14, s3, $0xb8;
	[tilespmem:$0x1FEA0] =	vst v63  }
0x9b: {  	_ =	swait.ge [sflag:s8], $0x2800  }
0x9c: {  	s15 =	smov.u32 s18;
	s14 =	sshra.s32 s17, $0x2;
	[sflag:s8] =	ssyncset.done $0x0  }
0x9d: {  	s15 =	sadd.s32 $0xA0, s14;
	[sflag:s8] =	ssyncadd.s32 $0xFFFFD800  }
0x9e: {  	[tilespmem:s5], [sflag:$0x3] =	stream.indirect.gather [hbm4b:s13+s3], $0x80, s15, s3, $0xb8;
	[tilespmem:$0x1FEA0] =	vst v63  }
0x9f: {  	_ =	swait.ge [sflag:s6], $0x2800  }
0xa0: {  	[sflag:s6] =	ssyncset.done $0x0  }
0xa1: {  	s17 =	sadd.s32 $0x2710, s14;
	[sflag:s6] =	ssyncadd.s32 $0xFFFFD800  }
0xa2: {  	[spmem:s9] =	stream.indirect.scatter.add.f32 [tilespmem:s0], [sflag:$0x4], $0x80, s17, s3, $0xb8;
	[tilespmem:$0x1FEA0] =	vst v63  }
0xa3: {  	_ =	swait.ge [sflag:s8], $0x2800  }
0xa4: {  	[sflag:s8] =	ssyncset.done $0x0  }
0xa5: {  	s18 =	sadd.s32 $0xF0, s14;
	[sflag:s8] =	ssyncadd.s32 $0xFFFFD800  }
0xa6: {  	[tilespmem:s0], [sflag:$0x1] =	stream.indirect.gather [hbm4b:s13+s3], $0x80, s18, s3, $0xb8;
	[tilespmem:$0x1FEA0] =	vst v63  }
0xa7: {  	_ =	swait.ge [sflag:s10], $0x2800  }
0xa8: {  	[sflag:s10] =	ssyncset.done $0x0  }
0xa9: {  	s16 =	sadd.s32 $0x2760, s14;
	[sflag:s10] =	ssyncadd.s32 $0xFFFFD800  }
0xaa: {  	[spmem:s9] =	stream.indirect.scatter.add.f32 [tilespmem:s4], [sflag:$0x4], $0x80, s16, s3, $0xb8;
	[tilespmem:$0x1FEA0] =	vst v63  }
0xab: {  	_ =	swait.ge [sflag:s8], $0x2800  }
0xac: {  	[sflag:s8] =	ssyncset.done $0x0  }
0xad: {  	s17 =	sadd.s32 $0x140, s14;
	[sflag:s8] =	ssyncadd.s32 $0xFFFFD800  }
0xae: {  	[tilespmem:s4], [sflag:$0x2] =	stream.indirect.gather [hbm4b:s13+s3], $0x80, s17, s3, $0xb8;
	[tilespmem:$0x1FEA0] =	vst v63  }
0xaf: {  	_ =	swait.ge [sflag:s11], $0x2800  }
0xb0: {  	[sflag:s11] =	ssyncset.done $0x0  }
0xb1: {  	s18 =	sadd.s32 $0x27B0, s14;
	[sflag:s11] =	ssyncadd.s32 $0xFFFFD800  }
0xb2: {  	[spmem:s9] =	stream.indirect.scatter.add.f32 [tilespmem:s5], [sflag:$0x4], $0x80, s18, s3, $0xb8;
	[tilespmem:$0x1FEA0] =	vst v63  }
0xb3: {  	_ =	swait.ge [sflag:s8], $0x2800  }
0xb4: {  	[sflag:s8] =	ssyncset.done $0x0  }
0xb5: {  	[sflag:s8] =	ssyncadd.s32 $0xFFFFD800  }
0xb6: {  	_ =	swait.ge [sflag:s6], $0x2800  }
0xb7: {  	[sflag:s6] =	ssyncset.done $0x0  }
0xb8: {  	s15 =	simm.s32 $0x4D80;
	[sflag:s6] =	ssyncadd.s32 $0xFFFFD800  }
0xb9: {  	[spmem:s9] =	stream.indirect.scatter.add.f32 [tilespmem:s0], [sflag:$0x6], $0x80, s15, s3, $0xb8;
	[tilespmem:$0x1FEA0] =	vst v63  }
0xba: {  	_ =	swait.ge [sflag:s1], $0x2800  }
0xbb: {  	[sflag:s1] =	ssyncset.done $0x0  }
0xbc: {  	[sflag:s1] =	ssyncadd.s32 $0xFFFFD800  }
0xbd: {  	_ =	swait.ge [sflag:s10], $0x2800  }
0xbe: {  	[sflag:s10] =	ssyncset.done $0x0  }
0xbf: {  	s16 =	simm.s32 $0x4DD0;
	[sflag:s10] =	ssyncadd.s32 $0xFFFFD800  }
0xc0: {  	[spmem:s9] =	stream.indirect.scatter.add.f32 [tilespmem:s4], [sflag:$0x6], $0x80, s16, s3, $0xb8;
	[tilespmem:$0x1FEA0] =	vst v63  }
0xc1: {  	_ =	swait.ge [sflag:s1], $0x2800  }
0xc2: {  	[sflag:s1] =	ssyncset.done $0x0  }
0xc3: {  	s17 =	stileid.u32;
	[sflag:s1] =	ssyncadd.s32 $0xFFFFD800  }
0xc4: {  	s14 =	sshll.u32 s17, $0x6;
	[bflag:$0x0] =	sbarrier.arrive $0xFFFF  }
0xc5: {  	s14 =	sor.u32 $0x1C06, s14;
	s18 =	rddreg [dreg:$0x4]  }
0xc6: {  	[hbm:s18], [sflag:s14] =	dma.local [spmem:s24], $0x500  }
0xc7: {  	_ =	swait.ge [sflag:s1], $0x500  }
0xc8: {  	[sflag:s1] =	ssyncset.done $0x0  }
0xc9: {  	s16 =	rddreg [dreg:$0x5];
	[sflag:s1] =	ssyncadd.s32 $0xFFFFFB00  }
0xca: {  	[hbm:s16], [sflag:s14] =	dma.local [spmem:s25], $0x500  }
0xcb: {  	_ =	swait.ge [sflag:s1], $0x500  }
0xcc: {  	[sflag:s1] =	ssyncset.done $0x0  }
0xcd: {  	s17 =	rddreg [dreg:$0x6];
	[sflag:s1] =	ssyncadd.s32 $0xFFFFFB00  }
0xce: {  	[hbm:s17], [sflag:s14] =	dma.local [spmem:s26], $0x500  }
0xcf: {  	_ =	swait.ge [sflag:s1], $0x500  }
0xd0: {  	[sflag:s1] =	ssyncset.done $0x0  }
0xd1: {  	s18 =	rddreg [dreg:$0x7];
	[sflag:s1] =	ssyncadd.s32 $0xFFFFFB00  }
0xd2: {  	[hbm:s18], [sflag:s14] =	dma.local [spmem:s28], $0x500  }
0xd3: {  	_ =	swait.ge [sflag:s1], $0x500  }
0xd4: {  	[sflag:s1] =	ssyncset.done $0x0  }
0xd5: {  	s16 =	rddreg [dreg:$0x8];
	[sflag:s1] =	ssyncadd.s32 $0xFFFFFB00  }
0xd6: {  	[hbm:s16], [sflag:s14] =	dma.local [spmem:s29], $0x500  }
0xd7: {  	_ =	swait.ge [sflag:s1], $0x500  }
0xd8: {  	[sflag:s1] =	ssyncset.done $0x0  }
0xd9: {  	s17 =	rddreg [dreg:$0x9];
	[sflag:s1] =	ssyncadd.s32 $0xFFFFFB00  }
0xda: {  	[hbm:s17], [sflag:s14] =	dma.local [spmem:s30], $0x500  }
0xdb: {  	_ =	swait.ge [sflag:s1], $0x500  }
0xdc: {  	[sflag:s1] =	ssyncset.done $0x0  }
0xdd: {  	s18 =	rddreg [dreg:$0xa];
	[sflag:s1] =	ssyncadd.s32 $0xFFFFFB00  }
0xde: {  	[hbm:s18], [sflag:s14] =	dma.local [spmem:s31], $0x500  }
0xdf: {  	_ =	swait.ge [sflag:s1], $0x500  }
0xe0: {  	s12 =	sadd.s32 $0x1, s12;
	[sflag:s1] =	ssyncset.done $0x0  }
0xe1: {  	p1 =	sne.s32 s12, s23;
	s15 =	rddreg [dreg:$0xb];
	[sflag:s1] =	ssyncadd.s32 $0xFFFFFB00  }
0xe2: {  	[hbm:s15], [sflag:s14] =	dma.local @!p0 [spmem:s7], $0x500  }
.Ltmp2:
0xe3: {  	_ = 	snop;
	(pc) =	sbr.rel @p1 .LBB2_1-.Ltmp2, $4  }
0xe4: {  	s14 =	simm.s32 @!p0 $0x6  }
0xe5: {  	_ =	swait.ge @!p0 [sflag:s14], $0x500  }
0xe6: {  	[sflag:s14] =	ssyncset.done @!p0 $0x0  }
0xe7: {  	[sflag:s14] =	ssyncadd.s32 @!p0 $0xFFFFFB00  }
0xe8: {  	_ =	sfence.sel $0x180000  }
0xe9: {  	[bflag:$0x0] =	sbarrier.arrive $0xFFFF  }
0xea: {  	_ =	strace $0x9000004A  }
0xeb: {  	s0 =	stileid.u32;
	[bflag:$0x2] =	sbarrier.arrive $0xFFFF  }
0xec: {  	p0 =	sne.s32 s0, $0x0;
	s0 =	rddreg [dreg:$0x3]  }
0xed: {  	s0 =	sadd.s32 @!p0 $0x100000, s0  }
0xee: {  	[sflag:s0] =	ssyncadd.tile.s32 @!p0 $0x1;
	_ =	shalt  }
.Lfunc_end2:
_tile_overlayer_lowered:
.L_overlay_start_2:
0xef: {  	(tag) =	ssettag $0x2  }
0xf0: {  	s0 =	rddreg [dreg:$0x0];
	s2 =	stileid.u32  }
0xf1: {  	s1 =	rddreg [dreg:$0x1];
	p0 =	sne.s32 s2, $0x0  }
0xf2: {  	s3 =	rddreg [dreg:$0x2];
	[bflag:$0x3] =	sbarrier.arrive $0xFFFF;
	s2 =	simm.s32 @!p0 $0x1C06  }
0xf3: {  	[timem:s3], [sflag:s2] =	dma.local @!p0 [hbm:s0], s1  }
0xf4: {  	s0 =	simm.s32 @!p0 $0x6  }
0xf5: {  	_ =	swait.ge @!p0 [sflag:s0], s1  }
0xf6: {  	s1 =	ssub.s32 @!p0 $0x0, s1;
	[sflag:s0] =	ssyncset.done @!p0 $0x0  }
0xf7: {  	[sflag:s0] =	ssyncadd.s32 @!p0 s1  }
0xf8: {  	[bflag:$0x3] =	sbarrier.arrive $0xFFFF  }
0xf9: {  	_ =	shalt  }

// kernel: kernel.15.cloned.1.call-start
scs
__scs_entry_jumppad:
0x0: {  	(pc) =	sbr.rel $0x88, $3  }
0x1: {  	(tag) =	ssettag $0x0;
	lr =	simm.s32 $0x1  }
0x2: {  	[smem:$0x3F99] =	sst lr;
	_ =	strace $0xD0000000  }
0x3: {  	_ = 	snop  }
0x4: {  	_ = 	snop  }
0x5: {  	_ = 	snop  }
0x6: {  	_ = 	snop  }
0x7: {  	_ = 	snop  }
__scs_overlays_trampoline_lowered:
0x8: {  	[smem:$0x3FA8] =	sst s0  }
0x9: {  	[smem:$0x3FA9] =	sst s1  }
0xa: {  	[smem:$0x3FAA] =	sst s2  }
0xb: {  	[smem:$0x3FAB] =	sst s3  }
0xc: {  	[smem:$0x3FAC] =	sst s4  }
0xd: {  	[smem:$0x3FAD] =	sst s5  }
0xe: {  	[smem:$0x3FAE] =	sst s6  }
0xf: {  	[smem:$0x3FAF] =	sst s7  }
0x10: {  	[smem:$0x3FB0] =	sst s8  }
0x11: {  	[smem:$0x3FB1] =	sst s9;
	s0 =	simm.s32 @!p0 $0x0  }
0x12: {  	s1 =	sld [smem:$0x3F97];
	s0 =	simm.s32 @p0 $0x1  }
0x13: {  	[smem:$0x3FB2] =	sst s0;
	s0 =	simm.s32 @!p1 $0x0  }
0x14: {  	s2 =	sld [smem:$0x3F96];
	s0 =	simm.s32 @p1 $0x1  }
0x15: {  	[smem:$0x3FB3] =	sst s0;
	s0 =	simm.s32 @!p2 $0x0  }
0x16: {  	s3 =	sld [smem:$0x3FDB];
	s0 =	simm.s32 @p2 $0x1  }
0x17: {  	s4 =	simm.s32 $0x1BF5;
	[smem:$0x3FB5] =	sst s0  }
0x18: {  	s0 =	sld [smem:$0x3F98];
	_ =	swait.ge [sflag:s4], $0x0  }
0x19: {  	s7 =	sld [smem:$0x3F99]  }
0x1a: {  	s8 =	sadd.s32 $0xFFFFE003, lr  }
0x1b: {  	s9 =	sadd.s32 $0xFFFFFEF7, lr;
	s5 =	simm.s32 $0xFFFFFFFF;
	p2 =	slt.u32 s8, $0xFFFFF086  }
0x1c: {  	p1 =	slt.u32 s9, $0xF7A;
	s5 =	simm.s32 @!p2 $0x0  }
0x1d: {  	s5 =	simm.s32 @p1 $0x1;
	p0 =	seq.s32 s7, s2  }
0x1e: {  	s7 =	smul.u32 @!p0 $0xF7A, s2;
	p2 =	seq.s32 @!p0 s5, $0x0  }
0x1f: {  	s9 =	smul.u32 $0xF7A, s1;
	s8 =	simm.s32 @!p0 $0x1BF5;
	p2 =	por !p2, p0  }
0x20: {  	[sflag:s8] =	ssyncset.s32 @!p0 $0xFFFFF086;
	s6 =	sadd.s32 @!p0 s3, s7;
	s7 =	simm.s32 @!p0 $0x108  }
0x21: {  	s3 =	sadd.s32 s3, s9;
	s6 =	sadd.s32 @!p0 $0x88, s6;
	s7 =	simm.s32 @p2 $0x1082  }
0x22: {  	[simem:s7], [sflag:s8] =	dma.local @!p0 [hbm:s6], $0xF7A  }
0x23: {  	s9 =	sor.u32 $0xD0000000, s2;
	s6 =	simm.s32 $0x108;
	_ =	swait.ge @!p0 [sflag:s8], $0x0  }
0x24: {  	s3 =	sadd.s32 $0x88, s3;
	s6 =	simm.s32 @!p1 $0x1082;
	[sflag:s4] =	ssyncset.s32 $0xFFFFF086  }
0x25: {  	[simem:s6], [sflag:s4] =	dma.local [hbm:s3], $0xF7A  }
0x26: {  	[smem:$0x3F99] =	sst s1;
	(tag) =	ssettag s2;
	_ =	strace s9  }
0x27: {  	s1 =	sld [smem:$0x3FA9]  }
0x28: {  	s2 =	sld [smem:$0x3FAA]  }
0x29: {  	s4 =	sld [smem:$0x3FAC]  }
0x2a: {  	p0 =	seq.s32 s5, $0x0;
	s5 =	sld [smem:$0x3FAD]  }
0x2b: {  	s6 =	sld [smem:$0x3FAE]  }
0x2c: {  	s7 =	sld [smem:$0x3FAF]  }
0x2d: {  	s3 =	simm.s32 $0x108;
	s8 =	sld [smem:$0x3FB0]  }
0x2e: {  	s3 =	simm.s32 @!p0 $0x1082;
	s9 =	sld [smem:$0x3FB1]  }
0x2f: {  	lr =	sadd.s32 s0, s3;
	s0 =	sld [smem:$0x3FA8]  }
0x30: {  	s3 =	sld [smem:$0x3FAB]  }
0x31: {  	[smem:$0x3FB4] =	sst s10  }
0x32: {  	s10 =	sld [smem:$0x3FB2];
	_ =	sdelay $0x3  }
0x33: {  	p0 =	seq.s32 s10, $0x1;
	s10 =	sld [smem:$0x3FB4];
	_ =	sdelay $0x3  }
0x34: {  	[smem:$0x3FB4] =	sst s10  }
0x35: {  	s10 =	sld [smem:$0x3FB3];
	_ =	sdelay $0x3  }
0x36: {  	p1 =	seq.s32 s10, $0x1;
	s10 =	sld [smem:$0x3FB4];
	_ =	sdelay $0x3  }
0x37: {  	[smem:$0x3FB4] =	sst s10  }
0x38: {  	s10 =	sld [smem:$0x3FB5]  }
0x39: {  	_ = 	snop;
	(pc) =	sbr.ind lr, $3  }
0x3a: {  	_ = 	snop  }
0x3b: {  	_ = 	snop  }
0x3c: {  	p2 =	seq.s32 s10, $0x1;
	s10 =	sld [smem:$0x3FB4]  }
0x3d: {  	_ =	shalt  }
0x3e: {  	_ =	shalt  }
0x3f: {  	_ =	shalt  }
0x40: {  	_ =	shalt  }
0x41: {  	_ =	shalt  }
0x42: {  	_ =	shalt  }
0x43: {  	_ =	shalt  }
0x44: {  	_ =	shalt  }
0x45: {  	_ =	shalt  }
0x46: {  	_ =	shalt  }
0x47: {  	_ =	shalt  }
0x48: {  	_ =	shalt  }
0x49: {  	_ =	shalt  }
0x4a: {  	_ =	shalt  }
0x4b: {  	_ =	shalt  }
0x4c: {  	_ =	shalt  }
0x4d: {  	_ =	shalt  }
0x4e: {  	_ =	shalt  }
0x4f: {  	_ =	shalt  }
0x50: {  	_ =	shalt  }
0x51: {  	_ =	shalt  }
0x52: {  	_ =	shalt  }
0x53: {  	_ =	shalt  }
0x54: {  	_ =	shalt  }
0x55: {  	_ =	shalt  }
0x56: {  	_ =	shalt  }
0x57: {  	_ =	shalt  }
0x58: {  	_ =	shalt  }
0x59: {  	_ =	shalt  }
0x5a: {  	_ =	shalt  }
0x5b: {  	_ =	shalt  }
0x5c: {  	_ =	shalt  }
0x5d: {  	_ =	shalt  }
0x5e: {  	_ =	shalt  }
0x5f: {  	_ =	shalt  }
0x60: {  	_ =	shalt  }
0x61: {  	_ =	shalt  }
0x62: {  	_ =	shalt  }
0x63: {  	_ =	shalt  }
0x64: {  	_ =	shalt  }
0x65: {  	_ =	shalt  }
0x66: {  	_ =	shalt  }
0x67: {  	_ =	shalt  }
0x68: {  	_ =	shalt  }
0x69: {  	_ =	shalt  }
0x6a: {  	_ =	shalt  }
0x6b: {  	_ =	shalt  }
0x6c: {  	_ =	shalt  }
0x6d: {  	_ =	shalt  }
0x6e: {  	_ =	shalt  }
0x6f: {  	_ =	shalt  }
0x70: {  	_ =	shalt  }
0x71: {  	_ =	shalt  }
0x72: {  	_ =	shalt  }
0x73: {  	_ =	shalt  }
0x74: {  	_ =	shalt  }
0x75: {  	_ =	shalt  }
0x76: {  	_ =	shalt  }
0x77: {  	_ =	shalt  }
0x78: {  	_ =	shalt  }
0x79: {  	_ =	shalt  }
0x7a: {  	_ =	shalt  }
0x7b: {  	_ =	shalt  }
0x7c: {  	_ =	shalt  }
0x7d: {  	_ =	shalt  }
0x7e: {  	_ =	shalt  }
0x7f: {  	_ =	shalt  }
0x80: {  	_ =	shalt  }
0x81: {  	_ =	shalt  }
0x82: {  	_ =	shalt  }
0x83: {  	_ =	shalt  }
0x84: {  	_ =	shalt  }
0x85: {  	_ =	shalt  }
0x86: {  	_ =	shalt  }
0x87: {  	_ =	shalt  }
.Lfunc_end0:
.L_simem_size_0:
called_computation.2_lowered:
.L_overlay_start_0:
0x88: {  	s2 =	sld [smem:$0x3FD9]  }
0x89: {  	s3 =	sld [smem:$0x3FFE];
	_ =	sdelay $0x1  }
0x8a: {  	s1 =	srdreg.scid  }
0x8b: {  	s0 =	sand.u32 $0x1, s1  }
0x8c: {  	s17 =	sshll.u32 s0, $0xA;
	s2 =	sadd.s32 s3, s2  }
0x8d: {  	s2 =	sadd.s32 s2, s17  }
0x8e: {  	[smem:$0x3FC0] =	sst s2  }
0x8f: {  	_ = 	snop  }
0x90: {  	s2 =	sld [smem:$0x3FD0];
	(tm) =	ssettm $0x1  }
0x91: {  	s18 =	sld [smem:$0x3FFB];
	_ =	sdelay $0x3  }
0x92: {  	_ =	strace s18  }
0x93: {  	s3 =	sld [smem:$0x3FFC];
	_ =	sdelay $0x3  }
0x94: {  	_ =	strace s3  }
0x95: {  	s3 =	sld [smem:$0x3FFD];
	_ =	sdelay $0x3  }
0x96: {  	_ =	strace s3  }
0x97: {  	_ =	strace $0x8FFFFFFF  }
0x98: {  	s19 =	sld [smem:$0x3FDB];
	_ =	sdelay $0x1  }
0x99: {  	s4 =	simm.s32 $_scs_section_size  }
0x9a: {  	s5 =	simm.s32 $_size__tile_overlayer_lowered;
	s6 =	simm.s32 $_tile_overlayer_lowered  }
0x9b: {  	s22 =	simm.s32 $0x1BFF;
	s21 =	sshll.u32 s6, $0x1;
	s3 =	sadd.s32 s4, s19  }
0x9c: {  	s7 =	simm.s32 $0x0;
	s20 =	sshll.u32 s5, $0x1;
	s5 =	sadd.s32 s21, s3  }
0x9d: {  	[timem:s7], [sflag:s22] =	dma.local [hbm:s5], s20  }
0x9e: {  	_ =	swait.ge [sflag:s22], s20  }
0x9f: {  	s4 =	ssub.s32 $0x0, s20;
	[sflag:s22] =	ssyncset.done $0x0  }
0xa0: {  	[sflag:s22] =	ssyncadd.s32 s4;
	_ =	sdelay $0x1  }
0xa1: {  	s23 =	simm.s32 $0x1B8B  }
0xa2: {  	_ =	swait.ge [sflag:s23], $0x1  }
0xa3: {  	[sflag:s23] =	ssyncset.done $0x0  }
0xa4: {  	s25 =	simm.s32 $0x1B8E;
	s24 =	sld [smem:$0x3FFE];
	[sflag:s23] =	ssyncadd.s32 $0xFFFFFFFF  }
0xa5: {  	s26 =	simm.s32 $execute0_lowered;
	[smem:$0x3FD2] =	sst s25  }
0xa6: {  	s5 =	sshll.u32 s26, $0x1;
	_ =	strace $0x8000004C;
	[dreg:$0x1] =	wrdreg $0xFFFFFFFF  }
0xa7: {  	s28 =	simm.s32 $_size_execute0_lowered;
	s3 =	sadd.s32 s3, s5;
	[dreg:$0x0] =	wrdreg $0x0  }
0xa8: {  	s5 =	sshll.u32 s28, $0x1;
	[dreg:$0x2] =	wrdreg s3  }
0xa9: {  	[dreg:$0x3] =	wrdreg s5  }
0xaa: {  	[dreg:$0x4] =	wrdreg $0xC0  }
0xab: {  	_ =	task [dreg:s7], $0x5FFFF  }
0xac: {  	[dreg:$0x1] =	wrdreg $0xFFFFFFFF  }
0xad: {  	[dreg:$0x0] =	wrdreg $0x60  }
0xae: {  	[dreg:$0x2] =	wrdreg s24  }
0xaf: {  	[dreg:$0x3] =	wrdreg s2  }
0xb0: {  	[dreg:$0x4] =	wrdreg $0xC6200  }
0xb1: {  	[dreg:$0x5] =	wrdreg $0x9  }
0xb2: {  	_ =	task.clear_ibuf [dreg:s7], $0x6FFFF;
	_ =	strace $0x9000004C  }
0xb3: {  	s29 =	simm.s32 $0x9;
	_ =	strace $0x8000004E  }
0xb4: {  	_ =	swait.ge [sflag:s29], $0x1  }
0xb5: {  	[sflag:s29] =	ssyncadd.s32 $0xFFFFFFFF  }
0xb6: {  	_ =	strace $0x9000004E  }
0xb7: {  	_ =	sfence  }
0xb8: {  	s30 =	sld [smem:$0x0];
	_ =	sdelay $0x2  }
0xb9: {  	s31 =	sshll.u32 s1, $0xD;
	s1 =	sshrl.u32 s1, $0x2  }
0xba: {  	s3 =	sand.u32 $0x4000, s31;
	s1 =	sadd.s32 s1, s30  }
0xbb: {  	s0 =	sor.u32 s3, s0;
	s1 =	sshll.u32 s1, $0x11  }
0xbc: {  	s0 =	sor.u32 s1, s0  }
0xbd: {  	s0 =	sadd.s32 $0x8F2B, s0  }
0xbe: {  	[sflag:s0] =	ssyncadd.remote.s32 $0x1  }
0xbf: {  	_ =	sfence.sel $0xFFFF  }
0xc0: {  	[dreg:$0x0] =	wrdreg $0xFFFFFFFF;
	(pc) =	sbr.abs _section_cstart, $3  }
0xc1: {  	[dreg:$0x1] =	wrdreg $0xFFFFFFFF  }
0xc2: {  	_ =	task.clear_ibuf [dreg:s7], $0x2FFFF;
	_ =	strace $0x9FFFFFFF  }
0xc3: {  	(tm) =	ssettm $0x7FFFFFFF  }
tec
execute0_lowered:
.L_overlay_start_1:
0x0: {  	(tag) =	ssettag $0x1  }
0x1: {  	s0 =	srdreg.scid  }
0x2: {  	s20 =	stileid.u32;
	s0 =	sand.u32 $0x1, s0  }
0x3: {  	s6 =	simm.s32 $0x0;
	s5 =	sor.u32 $0x10, s20;
	s19 =	smul.u32 $0x27100, s0  }
0x4: {  	[smem:$0x7FF] =	sst s6;
	s6 =	smul.u32 $0xA000, s5  }
0x5: {  	s10 =	sor.u32 $0x30, s20;
	s5 =	smul.u32 $0x2800, s5  }
0x6: {  	s11 =	sor.u32 $0x40, s20;
	s23 =	smul.u32 $0x2800, s10  }
0x7: {  	s14 =	sor.u32 $0x50, s20;
	s24 =	smul.u32 $0x2800, s11  }
0x8: {  	s15 =	sor.u32 $0x60, s20;
	s25 =	smul.u32 $0x2800, s14  }
0x9: {  	s18 =	sor.u32 $0x70, s20;
	s26 =	smul.u32 $0x2800, s15  }
0xa: {  	s2 =	rddreg [dreg:$0x0];
	s1 =	sshll.u32 s0, $0x4;
	s28 =	smul.u32 $0x2800, s18  }
0xb: {  	s3 =	rddreg [dreg:$0x1];
	s14 =	smul.u32 $0xA000, s14;
	s1 =	sor.u32 s20, s1  }
0xc: {  	p0 =	sgt.u32 s20, $0xC;
	s0 =	ssub.s32 $0x2, s0;
	s4 =	smul.u32 $0x4E2, s1  }
0xd: {  	s8 =	sshrl.u32 s0, $0x1;
	s7 =	sadd.s32 s19, s2;
	s1 =	smul.u32 $0x2800, s20  }
0xe: {  	s0 =	ssub.s32 s0, s8;
	s8 =	sor.u32 $0x20, s20;
	s13 =	sshrl.u32 s5, $0x3  }
0xf: {  	s17 =	sshrl.u32 s23, $0x3;
	s20 =	smul.u32 $0xA000, s20;
	s7 =	sadd.s32 $0x8B200, s7  }
0x10: {  	s19 =	sshrl.u32 s24, $0x3;
	s12 =	smul.u32 $0x2800, s8;
	s21 =	sadd.s32 s13, s7  }
0x11: {  	s9 =	sshrl.u32 s1, $0x3;
	s13 =	sadd.s32 s17, s7;
	[dreg:$0x5] =	wrdreg s21  }
0x12: {  	s16 =	sshrl.u32 s12, $0x3;
	s9 =	sadd.s32 s9, s7;
	[dreg:$0x7] =	wrdreg s13  }
0x13: {  	s17 =	sshrl.u32 s25, $0x3;
	[dreg:$0x4] =	wrdreg s9;
	s22 =	sadd.s32 s16, s7  }
0x14: {  	s3 =	sadd.s32 s3, s4;
	s16 =	sadd.s32 s19, s7;
	[dreg:$0x6] =	wrdreg s22  }
0x15: {  	s9 =	sadd.s32 s17, s7;
	s17 =	smul.u32 $0xA000, s15;
	[dreg:$0x8] =	wrdreg s16  }
0x16: {  	s21 =	sadd.s32 s4, s2;
	[dreg:$0x9] =	wrdreg s9;
	s22 =	smul.u32 $0xA000, s8  }
0x17: {  	s19 =	sshrl.u32 s26, $0x3;
	s9 =	rddreg [dreg:$0x2];
	s8 =	smul.u32 $0xA000, s10  }
0x18: {  	s13 =	sadd.s32 s19, s7;
	s10 =	smul.u32 $0xA000, s11;
	s11 =	sshrl.u32 s6, $0x2  }
0x19: {  	s6 =	sshrl.u32 s14, $0x2;
	[dreg:$0xa] =	wrdreg s13;
	s13 =	sshrl.u32 s28, $0x3  }
0x1a: {  	s1 =	sadd.s32 s1, s9;
	s14 =	sadd.s32 s12, s9;
	s15 =	sadd.s32 s23, s9  }
0x1b: {  	s23 =	smax.u32 s0, $0x1;
	s0 =	simm.s32 $0x4E20;
	s12 =	simm.s32 $0x0  }
0x1c: {  	s7 =	sadd.s32 @!p0 s13, s7;
	s13 =	sadd.s32 $0x64000, s2;
	s4 =	sshrl.u32 s22, $0x2  }
0x1d: {  	s22 =	smul.u32 $0xA000, s18;
	s18 =	sadd.s32 s26, s9;
	s26 =	sshrl.u32 s14, $0x3  }
0x1e: {  	[dreg:$0xb] =	wrdreg s7;
	s7 =	sshrl.u32 s20, $0x2;
	s16 =	sadd.s32 s4, s9  }
0x1f: {  	s20 =	sadd.s32 s6, s9;
	s31 =	sshrl.u32 s18, $0x3;
	s6 =	simm.s32 $0x1  }
0x20: {  	_ =	strace $0x8000004D;
	[dreg:$0xc] =	wrdreg s3;
	s3 =	sadd.s32 $0x2200, s21  }
0x21: {  	s2 =	sadd.s32 s7, s9;
	[dreg:$0x10] =	wrdreg s16;
	s21 =	sshrl.u32 s8, $0x2  }
0x22: {  	s8 =	sshrl.u32 s17, $0x2;
	s16 =	sadd.s32 s24, s9;
	s17 =	sadd.s32 s25, s9  }
0x23: {  	s24 =	sshrl.u32 s1, $0x3;
	s1 =	simm.s32 $0x6;
	[dreg:$0xd] =	wrdreg s3  }
0x24: {  	[dreg:$0xe] =	wrdreg s2;
	s3 =	sadd.s32 s11, s9;
	s2 =	sshrl.u32 s10, $0x2  }
0x25: {  	s4 =	sadd.s32 s21, s9;
	s10 =	sshrl.u32 s22, $0x2;
	s21 =	sadd.s32 s8, s9  }
0x26: {  	s11 =	sadd.s32 s5, s9;
	s8 =	sadd.s32 s28, s9;
	s28 =	sshrl.u32 s15, $0x3  }
0x27: {  	s29 =	sshrl.u32 s16, $0x3;
	s30 =	sshrl.u32 s17, $0x3;
	[dreg:$0xf] =	wrdreg s3  }
0x28: {  	s5 =	simm.s32 $0x9E20;
	[dreg:$0x11] =	wrdreg s4;
	s19 =	sadd.s32 s2, s9  }
0x29: {  	s22 =	sadd.s32 s10, s9;
	s25 =	sshrl.u32 s11, $0x3;
	s7 =	sshrl.u32 @!p0 s8, $0x3  }
0x2a: {  	s2 =	simm.s32 $0x5;
	s3 =	simm.s32 $0x50;
	s4 =	simm.s32 $0x7620  }
0x2b: {  	v0 =	vimm.f32 $0.0e+00;
	s8 =	simm.s32 $0x4;
	s10 =	simm.s32 $0x2;
	s11 =	simm.s32 $0x3  }
.LBB2_1:
0x2c: {  	s14 =	simm.s32 $0x0;
	s15 =	rddreg [dreg:$0xc]  }
0x2d: {  	[tilespmem:s14], [sflag:$0x5] =	stream.linear.gather [hbm4b:s15+s14], $0x2710, $0x38;
	[tilespmem:$0x1FEA0] =	vst v63  }
0x2e: {  	s18 =	rddreg [dreg:$0xd];
	s16 =	simm.s32 $0x2710  }
0x2f: {  	[tilespmem:s16], [sflag:$0x5] =	stream.linear.gather [hbm4b:s18+s14], $0x2710, $0x38;
	[tilespmem:$0x1FEA0] =	vst v63  }
0x30: {  	s15 =	simm.s32 $0x200;
	s14 =	simm.s32 $0x0  }
.LBB2_2:
0x31: {  	p1 =	sne.s32 s15, $0x9E00;
	[tilespmem:s14+$0x4E90] =	vst v0  }
0x32: {  	[tilespmem:s14+$0x4E20] =	vst v0  }
0x33: {  	[tilespmem:s14+$0x4E30] =	vst v0  }
.Ltmp0:
0x34: {  	[tilespmem:s14+$0x4E40] =	vst v0;
	(pc) =	sbr.rel @p1 .LBB2_2-.Ltmp0, $4  }
0x35: {  	[tilespmem:s14+$0x4E50] =	vst v0  }
0x36: {  	[tilespmem:s14+$0x4E60] =	vst v0  }
0x37: {  	[tilespmem:s14+$0x4E70] =	vst v0  }
0x38: {  	[tilespmem:s14+$0x4E80] =	vst v0;
	s14 =	sshra.s32 s15, $0x2;
	s15 =	sadd.s32 $0x200, s15  }
0x39: {  	[tilespmem:s14+$0x4E90] =	vst v0  }
0x3a: {  	[tilespmem:s14+$0x4E20] =	vst v0  }
0x3b: {  	[tilespmem:s14+$0x4E30] =	vst v0  }
0x3c: {  	[tilespmem:s14+$0x4E40] =	vst v0  }
0x3d: {  	[tilespmem:s14+$0x4E50] =	vst v0  }
0x3e: {  	[tilespmem:s14+$0x4E60] =	vst v0  }
0x3f: {  	[tilespmem:s14+$0x4E70] =	vst v0  }
0x40: {  	[tilespmem:s14+$0x4E80] =	vst v0;
	s16 =	rddreg [dreg:$0xe]  }
0x41: {  	[spmem:s16] =	stream.linear.scatter [tilespmem:s0], [sflag:$0x6], $0x2800, $0x38;
	[tilespmem:$0x1FEA0] =	vst v63  }
0x42: {  	_ =	swait.ge [sflag:s1], $0x2800  }
0x43: {  	[sflag:s1] =	ssyncset.done $0x0  }
0x44: {  	s17 =	rddreg [dreg:$0xf];
	[sflag:s1] =	ssyncadd.s32 $0xFFFFD800  }
0x45: {  	[spmem:s17] =	stream.linear.scatter [tilespmem:s0], [sflag:$0x6], $0x2800, $0x38;
	[tilespmem:$0x1FEA0] =	vst v63  }
0x46: {  	_ =	swait.ge [sflag:s1], $0x2800  }
0x47: {  	[sflag:s1] =	ssyncset.done $0x0  }
0x48: {  	s18 =	rddreg [dreg:$0x10];
	[sflag:s1] =	ssyncadd.s32 $0xFFFFD800  }
0x49: {  	[spmem:s18] =	stream.linear.scatter [tilespmem:s0], [sflag:$0x6], $0x2800, $0x38;
	[tilespmem:$0x1FEA0] =	vst v63  }
0x4a: {  	_ =	swait.ge [sflag:s1], $0x2800  }
0x4b: {  	[sflag:s1] =	ssyncset.done $0x0  }
0x4c: {  	s15 =	rddreg [dreg:$0x11];
	[sflag:s1] =	ssyncadd.s32 $0xFFFFD800  }
0x4d: {  	[spmem:s15] =	stream.linear.scatter [tilespmem:s0], [sflag:$0x6], $0x2800, $0x38;
	[tilespmem:$0x1FEA0] =	vst v63  }
0x4e: {  	_ =	swait.ge [sflag:s1], $0x2800  }
0x4f: {  	[sflag:s1] =	ssyncset.done $0x0  }
0x50: {  	[sflag:s1] =	ssyncadd.s32 $0xFFFFD800  }
0x51: {  	[spmem:s19] =	stream.linear.scatter [tilespmem:s0], [sflag:$0x6], $0x2800, $0x38;
	[tilespmem:$0x1FEA0] =	vst v63  }
0x52: {  	_ =	swait.ge [sflag:s1], $0x2800  }
0x53: {  	[sflag:s1] =	ssyncset.done $0x0  }
0x54: {  	[sflag:s1] =	ssyncadd.s32 $0xFFFFD800  }
0x55: {  	[spmem:s20] =	stream.linear.scatter [tilespmem:s0], [sflag:$0x6], $0x2800, $0x38;
	[tilespmem:$0x1FEA0] =	vst v63  }
0x56: {  	_ =	swait.ge [sflag:s1], $0x2800  }
0x57: {  	[sflag:s1] =	ssyncset.done $0x0  }
0x58: {  	[sflag:s1] =	ssyncadd.s32 $0xFFFFD800  }
0x59: {  	[spmem:s21] =	stream.linear.scatter [tilespmem:s0], [sflag:$0x6], $0x2800, $0x38;
	[tilespmem:$0x1FEA0] =	vst v63  }
0x5a: {  	_ =	swait.ge [sflag:s1], $0x2800  }
0x5b: {  	[sflag:s1] =	ssyncset.done $0x0  }
0x5c: {  	s14 =	simm.s32 @!p0 $0x4E20;
	[sflag:s1] =	ssyncadd.s32 $0xFFFFD800  }
0x5d: {  	[spmem:s22] =	stream.linear.scatter @!p0 [tilespmem:s14], [sflag:$0x6], $0x2800, $0x38;
	[tilespmem:$0x1FEA0] =	vst v63  }
0x5e: {  	s14 =	simm.s32 @!p0 $0x6  }
0x5f: {  	_ =	swait.ge @!p0 [sflag:s14], $0x2800  }
0x60: {  	[sflag:s14] =	ssyncset.done @!p0 $0x0  }
0x61: {  	[sflag:s14] =	ssyncadd.s32 @!p0 $0xFFFFD800  }
0x62: {  	_ =	swait.ge [sflag:s2], $0x2710  }
0x63: {  	[sflag:s2] =	ssyncset.done $0x0  }
0x64: {  	[sflag:s2] =	ssyncadd.s32 $0xFFFFD8F0  }
0x65: {  	_ =	swait.ge [sflag:s2], $0x2710  }
0x66: {  	[sflag:s2] =	ssyncset.done $0x0  }
0x67: {  	[sflag:s2] =	ssyncadd.s32 $0xFFFFD8F0  }
0x68: {  	s16 =	simm.s32 $0x0;
	[bflag:$0x0] =	sbarrier.arrive $0xFFFF  }
0x69: {  	[tilespmem:s0], [sflag:$0x1] =	stream.indirect.gather [hbm4b:s13+s3], $0x80, s16, s3, $0xb8;
	[tilespmem:$0x1FEA0] =	vst v63  }
0x6a: {  	_ = 	snop  }
0x6b: {  	[tilespmem:s4], [sflag:$0x2] =	stream.indirect.gather [hbm4b:s13+s3], $0x80, s3, s3, $0xb8;
	[tilespmem:$0x1FEA0] =	vst v63  }
0x6c: {  	s17 =	simm.s32 $0xA0  }
0x6d: {  	[tilespmem:s5], [sflag:$0x3] =	stream.indirect.gather [hbm4b:s13+s3], $0x80, s17, s3, $0xb8;
	[tilespmem:$0x1FEA0] =	vst v63  }
0x6e: {  	_ =	swait.ge [sflag:s6], $0x2800  }
0x6f: {  	[sflag:s6] =	ssyncset.done $0x0  }
0x70: {  	s18 =	simm.s32 $0x2710;
	[sflag:s6] =	ssyncadd.s32 $0xFFFFD800  }
0x71: {  	[spmem:s9] =	stream.indirect.scatter.add.f32 [tilespmem:s0], [sflag:$0x4], $0x80, s18, s3, $0xb8;
	[tilespmem:$0x1FEA0] =	vst v63  }
0x72: {  	_ =	swait.ge [sflag:s8], $0x2800  }
0x73: {  	[sflag:s8] =	ssyncset.done $0x0  }
0x74: {  	s15 =	simm.s32 $0xF0;
	[sflag:s8] =	ssyncadd.s32 $0xFFFFD800  }
0x75: {  	[tilespmem:s0], [sflag:$0x1] =	stream.indirect.gather [hbm4b:s13+s3], $0x80, s15, s3, $0xb8;
	[tilespmem:$0x1FEA0] =	vst v63  }
0x76: {  	_ =	swait.ge [sflag:s10], $0x2800  }
0x77: {  	[sflag:s10] =	ssyncset.done $0x0  }
0x78: {  	s16 =	simm.s32 $0x2760;
	[sflag:s10] =	ssyncadd.s32 $0xFFFFD800  }
0x79: {  	[spmem:s9] =	stream.indirect.scatter.add.f32 [tilespmem:s4], [sflag:$0x4], $0x80, s16, s3, $0xb8;
	[tilespmem:$0x1FEA0] =	vst v63  }
0x7a: {  	_ =	swait.ge [sflag:s8], $0x2800  }
0x7b: {  	[sflag:s8] =	ssyncset.done $0x0  }
0x7c: {  	s17 =	simm.s32 $0x140;
	[sflag:s8] =	ssyncadd.s32 $0xFFFFD800  }
0x7d: {  	[tilespmem:s4], [sflag:$0x2] =	stream.indirect.gather [hbm4b:s13+s3], $0x80, s17, s3, $0xb8;
	[tilespmem:$0x1FEA0] =	vst v63  }
0x7e: {  	_ =	swait.ge [sflag:s11], $0x2800  }
0x7f: {  	[sflag:s11] =	ssyncset.done $0x0  }
0x80: {  	s18 =	simm.s32 $0x27B0;
	[sflag:s11] =	ssyncadd.s32 $0xFFFFD800  }
0x81: {  	[spmem:s9] =	stream.indirect.scatter.add.f32 [tilespmem:s5], [sflag:$0x4], $0x80, s18, s3, $0xb8;
	[tilespmem:$0x1FEA0] =	vst v63  }
0x82: {  	_ =	swait.ge [sflag:s8], $0x2800  }
0x83: {  	s14 =	simm.s32 $0xF0;
	s15 =	simm.s32 $0x780;
	[sflag:s8] =	ssyncset.done $0x0  }
.LBB2_4:
0x84: {  	s16 =	sadd.s32 $0xA0, s14  }
0x85: {  	[sflag:s8] =	ssyncadd.s32 $0xFFFFD800;
	s17 =	smov.u32 s15;
	s18 =	sadd.s32 $0x3C0, s15  }
0x86: {  	[tilespmem:s5], [sflag:$0x3] =	stream.indirect.gather [hbm4b:s13+s3], $0x80, s16, s3, $0xb8;
	[tilespmem:$0x1FEA0] =	vst v63  }
0x87: {  	p1 =	sne.s32 s15, $0x9600;
	_ =	swait.ge [sflag:s6], $0x2800  }
0x88: {  	[sflag:s6] =	ssyncset.done $0x0  }
0x89: {  	s15 =	sadd.s32 $0x2710, s14;
	[sflag:s6] =	ssyncadd.s32 $0xFFFFD800  }
0x8a: {  	[spmem:s9] =	stream.indirect.scatter.add.f32 [tilespmem:s0], [sflag:$0x4], $0x80, s15, s3, $0xb8;
	[tilespmem:$0x1FEA0] =	vst v63  }
0x8b: {  	_ =	swait.ge [sflag:s8], $0x2800  }
0x8c: {  	[sflag:s8] =	ssyncset.done $0x0  }
0x8d: {  	s15 =	sadd.s32 $0xF0, s14;
	[sflag:s8] =	ssyncadd.s32 $0xFFFFD800  }
0x8e: {  	[tilespmem:s0], [sflag:$0x1] =	stream.indirect.gather [hbm4b:s13+s3], $0x80, s15, s3, $0xb8;
	[tilespmem:$0x1FEA0] =	vst v63  }
0x8f: {  	_ =	swait.ge [sflag:s10], $0x2800  }
0x90: {  	[sflag:s10] =	ssyncset.done $0x0  }
0x91: {  	s15 =	sadd.s32 $0x2760, s14;
	[sflag:s10] =	ssyncadd.s32 $0xFFFFD800  }
0x92: {  	[spmem:s9] =	stream.indirect.scatter.add.f32 [tilespmem:s4], [sflag:$0x4], $0x80, s15, s3, $0xb8;
	[tilespmem:$0x1FEA0] =	vst v63  }
0x93: {  	_ =	swait.ge [sflag:s8], $0x2800  }
0x94: {  	[sflag:s8] =	ssyncset.done $0x0  }
0x95: {  	s15 =	sadd.s32 $0x140, s14;
	[sflag:s8] =	ssyncadd.s32 $0xFFFFD800  }
0x96: {  	[tilespmem:s4], [sflag:$0x2] =	stream.indirect.gather [hbm4b:s13+s3], $0x80, s15, s3, $0xb8;
	[tilespmem:$0x1FEA0] =	vst v63  }
0x97: {  	_ =	swait.ge [sflag:s11], $0x2800  }
.Ltmp1:
0x98: {  	[sflag:s11] =	ssyncset.done $0x0;
	(pc) =	sbr.rel @p1 .LBB2_4-.Ltmp1, $4  }
0x99: {  	s14 =	sadd.s32 $0x27B0, s14;
	[sflag:s11] =	ssyncadd.s32 $0xFFFFD800  }
0x9a: {  	[spmem:s9] =	stream.indirect.scatter.add.f32 [tilespmem:s5], [sflag:$0x4], $0x80, s14, s3, $0xb8;
	[tilespmem:$0x1FEA0] =	vst v63  }
0x9b: {  	_ =	swait.ge [sflag:s8], $0x2800  }
0x9c: {  	s15 =	smov.u32 s18;
	s14 =	sshra.s32 s17, $0x2;
	[sflag:s8] =	ssyncset.done $0x0  }
0x9d: {  	s15 =	sadd.s32 $0xA0, s14;
	[sflag:s8] =	ssyncadd.s32 $0xFFFFD800  }
0x9e: {  	[tilespmem:s5], [sflag:$0x3] =	stream.indirect.gather [hbm4b:s13+s3], $0x80, s15, s3, $0xb8;
	[tilespmem:$0x1FEA0] =	vst v63  }
0x9f: {  	_ =	swait.ge [sflag:s6], $0x2800  }
0xa0: {  	[sflag:s6] =	ssyncset.done $0x0  }
0xa1: {  	s17 =	sadd.s32 $0x2710, s14;
	[sflag:s6] =	ssyncadd.s32 $0xFFFFD800  }
0xa2: {  	[spmem:s9] =	stream.indirect.scatter.add.f32 [tilespmem:s0], [sflag:$0x4], $0x80, s17, s3, $0xb8;
	[tilespmem:$0x1FEA0] =	vst v63  }
0xa3: {  	_ =	swait.ge [sflag:s8], $0x2800  }
0xa4: {  	[sflag:s8] =	ssyncset.done $0x0  }
0xa5: {  	s18 =	sadd.s32 $0xF0, s14;
	[sflag:s8] =	ssyncadd.s32 $0xFFFFD800  }
0xa6: {  	[tilespmem:s0], [sflag:$0x1] =	stream.indirect.gather [hbm4b:s13+s3], $0x80, s18, s3, $0xb8;
	[tilespmem:$0x1FEA0] =	vst v63  }
0xa7: {  	_ =	swait.ge [sflag:s10], $0x2800  }
0xa8: {  	[sflag:s10] =	ssyncset.done $0x0  }
0xa9: {  	s16 =	sadd.s32 $0x2760, s14;
	[sflag:s10] =	ssyncadd.s32 $0xFFFFD800  }
0xaa: {  	[spmem:s9] =	stream.indirect.scatter.add.f32 [tilespmem:s4], [sflag:$0x4], $0x80, s16, s3, $0xb8;
	[tilespmem:$0x1FEA0] =	vst v63  }
0xab: {  	_ =	swait.ge [sflag:s8], $0x2800  }
0xac: {  	[sflag:s8] =	ssyncset.done $0x0  }
0xad: {  	s17 =	sadd.s32 $0x140, s14;
	[sflag:s8] =	ssyncadd.s32 $0xFFFFD800  }
0xae: {  	[tilespmem:s4], [sflag:$0x2] =	stream.indirect.gather [hbm4b:s13+s3], $0x80, s17, s3, $0xb8;
	[tilespmem:$0x1FEA0] =	vst v63  }
0xaf: {  	_ =	swait.ge [sflag:s11], $0x2800  }
0xb0: {  	[sflag:s11] =	ssyncset.done $0x0  }
0xb1: {  	s18 =	sadd.s32 $0x27B0, s14;
	[sflag:s11] =	ssyncadd.s32 $0xFFFFD800  }
0xb2: {  	[spmem:s9] =	stream.indirect.scatter.add.f32 [tilespmem:s5], [sflag:$0x4], $0x80, s18, s3, $0xb8;
	[tilespmem:$0x1FEA0] =	vst v63  }
0xb3: {  	_ =	swait.ge [sflag:s8], $0x2800  }
0xb4: {  	[sflag:s8] =	ssyncset.done $0x0  }
0xb5: {  	[sflag:s8] =	ssyncadd.s32 $0xFFFFD800  }
0xb6: {  	_ =	swait.ge [sflag:s6], $0x2800  }
0xb7: {  	[sflag:s6] =	ssyncset.done $0x0  }
0xb8: {  	s15 =	simm.s32 $0x4D80;
	[sflag:s6] =	ssyncadd.s32 $0xFFFFD800  }
0xb9: {  	[spmem:s9] =	stream.indirect.scatter.add.f32 [tilespmem:s0], [sflag:$0x6], $0x80, s15, s3, $0xb8;
	[tilespmem:$0x1FEA0] =	vst v63  }
0xba: {  	_ =	swait.ge [sflag:s1], $0x2800  }
0xbb: {  	[sflag:s1] =	ssyncset.done $0x0  }
0xbc: {  	[sflag:s1] =	ssyncadd.s32 $0xFFFFD800  }
0xbd: {  	_ =	swait.ge [sflag:s10], $0x2800  }
0xbe: {  	[sflag:s10] =	ssyncset.done $0x0  }
0xbf: {  	s16 =	simm.s32 $0x4DD0;
	[sflag:s10] =	ssyncadd.s32 $0xFFFFD800  }
0xc0: {  	[spmem:s9] =	stream.indirect.scatter.add.f32 [tilespmem:s4], [sflag:$0x6], $0x80, s16, s3, $0xb8;
	[tilespmem:$0x1FEA0] =	vst v63  }
0xc1: {  	_ =	swait.ge [sflag:s1], $0x2800  }
0xc2: {  	[sflag:s1] =	ssyncset.done $0x0  }
0xc3: {  	s17 =	stileid.u32;
	[sflag:s1] =	ssyncadd.s32 $0xFFFFD800  }
0xc4: {  	s14 =	sshll.u32 s17, $0x6;
	[bflag:$0x0] =	sbarrier.arrive $0xFFFF  }
0xc5: {  	s14 =	sor.u32 $0x1C06, s14;
	s18 =	rddreg [dreg:$0x4]  }
0xc6: {  	[hbm:s18], [sflag:s14] =	dma.local [spmem:s24], $0x500  }
0xc7: {  	_ =	swait.ge [sflag:s1], $0x500  }
0xc8: {  	[sflag:s1] =	ssyncset.done $0x0  }
0xc9: {  	s16 =	rddreg [dreg:$0x5];
	[sflag:s1] =	ssyncadd.s32 $0xFFFFFB00  }
0xca: {  	[hbm:s16], [sflag:s14] =	dma.local [spmem:s25], $0x500  }
0xcb: {  	_ =	swait.ge [sflag:s1], $0x500  }
0xcc: {  	[sflag:s1] =	ssyncset.done $0x0  }
0xcd: {  	s17 =	rddreg [dreg:$0x6];
	[sflag:s1] =	ssyncadd.s32 $0xFFFFFB00  }
0xce: {  	[hbm:s17], [sflag:s14] =	dma.local [spmem:s26], $0x500  }
0xcf: {  	_ =	swait.ge [sflag:s1], $0x500  }
0xd0: {  	[sflag:s1] =	ssyncset.done $0x0  }
0xd1: {  	s18 =	rddreg [dreg:$0x7];
	[sflag:s1] =	ssyncadd.s32 $0xFFFFFB00  }
0xd2: {  	[hbm:s18], [sflag:s14] =	dma.local [spmem:s28], $0x500  }
0xd3: {  	_ =	swait.ge [sflag:s1], $0x500  }
0xd4: {  	[sflag:s1] =	ssyncset.done $0x0  }
0xd5: {  	s16 =	rddreg [dreg:$0x8];
	[sflag:s1] =	ssyncadd.s32 $0xFFFFFB00  }
0xd6: {  	[hbm:s16], [sflag:s14] =	dma.local [spmem:s29], $0x500  }
0xd7: {  	_ =	swait.ge [sflag:s1], $0x500  }
0xd8: {  	[sflag:s1] =	ssyncset.done $0x0  }
0xd9: {  	s17 =	rddreg [dreg:$0x9];
	[sflag:s1] =	ssyncadd.s32 $0xFFFFFB00  }
0xda: {  	[hbm:s17], [sflag:s14] =	dma.local [spmem:s30], $0x500  }
0xdb: {  	_ =	swait.ge [sflag:s1], $0x500  }
0xdc: {  	[sflag:s1] =	ssyncset.done $0x0  }
0xdd: {  	s18 =	rddreg [dreg:$0xa];
	[sflag:s1] =	ssyncadd.s32 $0xFFFFFB00  }
0xde: {  	[hbm:s18], [sflag:s14] =	dma.local [spmem:s31], $0x500  }
0xdf: {  	_ =	swait.ge [sflag:s1], $0x500  }
0xe0: {  	s12 =	sadd.s32 $0x1, s12;
	[sflag:s1] =	ssyncset.done $0x0  }
0xe1: {  	p1 =	sne.s32 s12, s23;
	s15 =	rddreg [dreg:$0xb];
	[sflag:s1] =	ssyncadd.s32 $0xFFFFFB00  }
0xe2: {  	[hbm:s15], [sflag:s14] =	dma.local @!p0 [spmem:s7], $0x500  }
.Ltmp2:
0xe3: {  	_ = 	snop;
	(pc) =	sbr.rel @p1 .LBB2_1-.Ltmp2, $4  }
0xe4: {  	s14 =	simm.s32 @!p0 $0x6  }
0xe5: {  	_ =	swait.ge @!p0 [sflag:s14], $0x500  }
0xe6: {  	[sflag:s14] =	ssyncset.done @!p0 $0x0  }
0xe7: {  	[sflag:s14] =	ssyncadd.s32 @!p0 $0xFFFFFB00  }
0xe8: {  	_ =	sfence.sel $0x180000  }
0xe9: {  	[bflag:$0x0] =	sbarrier.arrive $0xFFFF  }
0xea: {  	_ =	strace $0x9000004D  }
0xeb: {  	s0 =	stileid.u32;
	[bflag:$0x2] =	sbarrier.arrive $0xFFFF  }
0xec: {  	p0 =	sne.s32 s0, $0x0;
	s0 =	rddreg [dreg:$0x3]  }
0xed: {  	s0 =	sadd.s32 @!p0 $0x100000, s0  }
0xee: {  	[sflag:s0] =	ssyncadd.tile.s32 @!p0 $0x1;
	_ =	shalt  }
.Lfunc_end2:
_tile_overlayer_lowered:
.L_overlay_start_2:
0xef: {  	(tag) =	ssettag $0x2  }
0xf0: {  	s0 =	rddreg [dreg:$0x0];
	s2 =	stileid.u32  }
0xf1: {  	s1 =	rddreg [dreg:$0x1];
	p0 =	sne.s32 s2, $0x0  }
0xf2: {  	s3 =	rddreg [dreg:$0x2];
	[bflag:$0x3] =	sbarrier.arrive $0xFFFF;
	s2 =	simm.s32 @!p0 $0x1C06  }
0xf3: {  	[timem:s3], [sflag:s2] =	dma.local @!p0 [hbm:s0], s1  }
0xf4: {  	s0 =	simm.s32 @!p0 $0x6  }
0xf5: {  	_ =	swait.ge @!p0 [sflag:s0], s1  }
0xf6: {  	s1 =	ssub.s32 @!p0 $0x0, s1;
	[sflag:s0] =	ssyncset.done @!p0 $0x0  }
0xf7: {  	[sflag:s0] =	ssyncadd.s32 @!p0 s1  }
0xf8: {  	[bflag:$0x3] =	sbarrier.arrive $0xFFFF  }
0xf9: {  	_ =	shalt  }

// kernel: kernel.9.cloned.1.call-start
scs
__scs_entry_jumppad:
0x0: {  	(pc) =	sbr.rel $0x88, $3  }
0x1: {  	(tag) =	ssettag $0x0;
	lr =	simm.s32 $0x1  }
0x2: {  	[smem:$0x3F99] =	sst lr;
	_ =	strace $0xD0000000  }
0x3: {  	_ = 	snop  }
0x4: {  	_ = 	snop  }
0x5: {  	_ = 	snop  }
0x6: {  	_ = 	snop  }
0x7: {  	_ = 	snop  }
__scs_overlays_trampoline_lowered:
0x8: {  	[smem:$0x3FA8] =	sst s0  }
0x9: {  	[smem:$0x3FA9] =	sst s1  }
0xa: {  	[smem:$0x3FAA] =	sst s2  }
0xb: {  	[smem:$0x3FAB] =	sst s3  }
0xc: {  	[smem:$0x3FAC] =	sst s4  }
0xd: {  	[smem:$0x3FAD] =	sst s5  }
0xe: {  	[smem:$0x3FAE] =	sst s6  }
0xf: {  	[smem:$0x3FAF] =	sst s7  }
0x10: {  	[smem:$0x3FB0] =	sst s8  }
0x11: {  	[smem:$0x3FB1] =	sst s9;
	s0 =	simm.s32 @!p0 $0x0  }
0x12: {  	s1 =	sld [smem:$0x3F97];
	s0 =	simm.s32 @p0 $0x1  }
0x13: {  	[smem:$0x3FB2] =	sst s0;
	s0 =	simm.s32 @!p1 $0x0  }
0x14: {  	s2 =	sld [smem:$0x3F96];
	s0 =	simm.s32 @p1 $0x1  }
0x15: {  	[smem:$0x3FB3] =	sst s0;
	s0 =	simm.s32 @!p2 $0x0  }
0x16: {  	s3 =	sld [smem:$0x3FDB];
	s0 =	simm.s32 @p2 $0x1  }
0x17: {  	s4 =	simm.s32 $0x1BF5;
	[smem:$0x3FB5] =	sst s0  }
0x18: {  	s0 =	sld [smem:$0x3F98];
	_ =	swait.ge [sflag:s4], $0x0  }
0x19: {  	s7 =	sld [smem:$0x3F99]  }
0x1a: {  	s8 =	sadd.s32 $0xFFFFE003, lr  }
0x1b: {  	s9 =	sadd.s32 $0xFFFFFEF7, lr;
	s5 =	simm.s32 $0xFFFFFFFF;
	p2 =	slt.u32 s8, $0xFFFFF086  }
0x1c: {  	p1 =	slt.u32 s9, $0xF7A;
	s5 =	simm.s32 @!p2 $0x0  }
0x1d: {  	s5 =	simm.s32 @p1 $0x1;
	p0 =	seq.s32 s7, s2  }
0x1e: {  	s7 =	smul.u32 @!p0 $0xF7A, s2;
	p2 =	seq.s32 @!p0 s5, $0x0  }
0x1f: {  	s9 =	smul.u32 $0xF7A, s1;
	s8 =	simm.s32 @!p0 $0x1BF5;
	p2 =	por !p2, p0  }
0x20: {  	[sflag:s8] =	ssyncset.s32 @!p0 $0xFFFFF086;
	s6 =	sadd.s32 @!p0 s3, s7;
	s7 =	simm.s32 @!p0 $0x108  }
0x21: {  	s3 =	sadd.s32 s3, s9;
	s6 =	sadd.s32 @!p0 $0x88, s6;
	s7 =	simm.s32 @p2 $0x1082  }
0x22: {  	[simem:s7], [sflag:s8] =	dma.local @!p0 [hbm:s6], $0xF7A  }
0x23: {  	s9 =	sor.u32 $0xD0000000, s2;
	s6 =	simm.s32 $0x108;
	_ =	swait.ge @!p0 [sflag:s8], $0x0  }
0x24: {  	s3 =	sadd.s32 $0x88, s3;
	s6 =	simm.s32 @!p1 $0x1082;
	[sflag:s4] =	ssyncset.s32 $0xFFFFF086  }
0x25: {  	[simem:s6], [sflag:s4] =	dma.local [hbm:s3], $0xF7A  }
0x26: {  	[smem:$0x3F99] =	sst s1;
	(tag) =	ssettag s2;
	_ =	strace s9  }
0x27: {  	s1 =	sld [smem:$0x3FA9]  }
0x28: {  	s2 =	sld [smem:$0x3FAA]  }
0x29: {  	s4 =	sld [smem:$0x3FAC]  }
0x2a: {  	p0 =	seq.s32 s5, $0x0;
	s5 =	sld [smem:$0x3FAD]  }
0x2b: {  	s6 =	sld [smem:$0x3FAE]  }
0x2c: {  	s7 =	sld [smem:$0x3FAF]  }
0x2d: {  	s3 =	simm.s32 $0x108;
	s8 =	sld [smem:$0x3FB0]  }
0x2e: {  	s3 =	simm.s32 @!p0 $0x1082;
	s9 =	sld [smem:$0x3FB1]  }
0x2f: {  	lr =	sadd.s32 s0, s3;
	s0 =	sld [smem:$0x3FA8]  }
0x30: {  	s3 =	sld [smem:$0x3FAB]  }
0x31: {  	[smem:$0x3FB4] =	sst s10  }
0x32: {  	s10 =	sld [smem:$0x3FB2];
	_ =	sdelay $0x3  }
0x33: {  	p0 =	seq.s32 s10, $0x1;
	s10 =	sld [smem:$0x3FB4];
	_ =	sdelay $0x3  }
0x34: {  	[smem:$0x3FB4] =	sst s10  }
0x35: {  	s10 =	sld [smem:$0x3FB3];
	_ =	sdelay $0x3  }
0x36: {  	p1 =	seq.s32 s10, $0x1;
	s10 =	sld [smem:$0x3FB4];
	_ =	sdelay $0x3  }
0x37: {  	[smem:$0x3FB4] =	sst s10  }
0x38: {  	s10 =	sld [smem:$0x3FB5]  }
0x39: {  	_ = 	snop;
	(pc) =	sbr.ind lr, $3  }
0x3a: {  	_ = 	snop  }
0x3b: {  	_ = 	snop  }
0x3c: {  	p2 =	seq.s32 s10, $0x1;
	s10 =	sld [smem:$0x3FB4]  }
0x3d: {  	_ =	shalt  }
0x3e: {  	_ =	shalt  }
0x3f: {  	_ =	shalt  }
0x40: {  	_ =	shalt  }
0x41: {  	_ =	shalt  }
0x42: {  	_ =	shalt  }
0x43: {  	_ =	shalt  }
0x44: {  	_ =	shalt  }
0x45: {  	_ =	shalt  }
0x46: {  	_ =	shalt  }
0x47: {  	_ =	shalt  }
0x48: {  	_ =	shalt  }
0x49: {  	_ =	shalt  }
0x4a: {  	_ =	shalt  }
0x4b: {  	_ =	shalt  }
0x4c: {  	_ =	shalt  }
0x4d: {  	_ =	shalt  }
0x4e: {  	_ =	shalt  }
0x4f: {  	_ =	shalt  }
0x50: {  	_ =	shalt  }
0x51: {  	_ =	shalt  }
0x52: {  	_ =	shalt  }
0x53: {  	_ =	shalt  }
0x54: {  	_ =	shalt  }
0x55: {  	_ =	shalt  }
0x56: {  	_ =	shalt  }
0x57: {  	_ =	shalt  }
0x58: {  	_ =	shalt  }
0x59: {  	_ =	shalt  }
0x5a: {  	_ =	shalt  }
0x5b: {  	_ =	shalt  }
0x5c: {  	_ =	shalt  }
0x5d: {  	_ =	shalt  }
0x5e: {  	_ =	shalt  }
0x5f: {  	_ =	shalt  }
0x60: {  	_ =	shalt  }
0x61: {  	_ =	shalt  }
0x62: {  	_ =	shalt  }
0x63: {  	_ =	shalt  }
0x64: {  	_ =	shalt  }
0x65: {  	_ =	shalt  }
0x66: {  	_ =	shalt  }
0x67: {  	_ =	shalt  }
0x68: {  	_ =	shalt  }
0x69: {  	_ =	shalt  }
0x6a: {  	_ =	shalt  }
0x6b: {  	_ =	shalt  }
0x6c: {  	_ =	shalt  }
0x6d: {  	_ =	shalt  }
0x6e: {  	_ =	shalt  }
0x6f: {  	_ =	shalt  }
0x70: {  	_ =	shalt  }
0x71: {  	_ =	shalt  }
0x72: {  	_ =	shalt  }
0x73: {  	_ =	shalt  }
0x74: {  	_ =	shalt  }
0x75: {  	_ =	shalt  }
0x76: {  	_ =	shalt  }
0x77: {  	_ =	shalt  }
0x78: {  	_ =	shalt  }
0x79: {  	_ =	shalt  }
0x7a: {  	_ =	shalt  }
0x7b: {  	_ =	shalt  }
0x7c: {  	_ =	shalt  }
0x7d: {  	_ =	shalt  }
0x7e: {  	_ =	shalt  }
0x7f: {  	_ =	shalt  }
0x80: {  	_ =	shalt  }
0x81: {  	_ =	shalt  }
0x82: {  	_ =	shalt  }
0x83: {  	_ =	shalt  }
0x84: {  	_ =	shalt  }
0x85: {  	_ =	shalt  }
0x86: {  	_ =	shalt  }
0x87: {  	_ =	shalt  }
.Lfunc_end0:
.L_simem_size_0:
called_computation_lowered:
.L_overlay_start_0:
0x88: {  	s2 =	sld [smem:$0x3FD9]  }
0x89: {  	s3 =	sld [smem:$0x3FFE];
	_ =	sdelay $0x1  }
0x8a: {  	s1 =	srdreg.scid  }
0x8b: {  	s0 =	sand.u32 $0x1, s1  }
0x8c: {  	s16 =	sshll.u32 s0, $0xA;
	s2 =	sadd.s32 s3, s2  }
0x8d: {  	s2 =	sadd.s32 s2, s16  }
0x8e: {  	[smem:$0x3FC0] =	sst s2  }
0x8f: {  	_ = 	snop  }
0x90: {  	(tm) =	ssettm $0x1  }
0x91: {  	s17 =	sld [smem:$0x3FFB];
	_ =	sdelay $0x3  }
0x92: {  	_ =	strace s17  }
0x93: {  	s2 =	sld [smem:$0x3FFC];
	_ =	sdelay $0x3  }
0x94: {  	_ =	strace s2  }
0x95: {  	s2 =	sld [smem:$0x3FFD];
	_ =	sdelay $0x3  }
0x96: {  	_ =	strace s2  }
0x97: {  	_ =	strace $0x8FFFFFFF  }
0x98: {  	s18 =	sld [smem:$0x3FDB];
	_ =	sdelay $0x1  }
0x99: {  	s19 =	simm.s32 $_scs_section_size  }
0x9a: {  	s4 =	simm.s32 $_size__tile_overlayer_lowered;
	s5 =	simm.s32 $_tile_overlayer_lowered  }
0x9b: {  	s22 =	simm.s32 $0x1BFF;
	s21 =	sshll.u32 s5, $0x1;
	s2 =	sadd.s32 s19, s18  }
0x9c: {  	s6 =	simm.s32 $0x0;
	s20 =	sshll.u32 s4, $0x1;
	s4 =	sadd.s32 s21, s2  }
0x9d: {  	[timem:s6], [sflag:s22] =	dma.local [hbm:s4], s20  }
0x9e: {  	_ =	swait.ge [sflag:s22], s20  }
0x9f: {  	s3 =	ssub.s32 $0x0, s20;
	[sflag:s22] =	ssyncset.done $0x0  }
0xa0: {  	[sflag:s22] =	ssyncadd.s32 s3;
	_ =	sdelay $0x1  }
0xa1: {  	s23 =	simm.s32 $0x1B8B  }
0xa2: {  	_ =	swait.ge [sflag:s23], $0x1  }
0xa3: {  	[sflag:s23] =	ssyncset.done $0x0  }
0xa4: {  	s25 =	simm.s32 $0x1B8E;
	s24 =	sld [smem:$0x3FFE];
	[sflag:s23] =	ssyncadd.s32 $0xFFFFFFFF  }
0xa5: {  	s26 =	simm.s32 $execute0_lowered;
	[smem:$0x3FD2] =	sst s25  }
0xa6: {  	s4 =	sshll.u32 s26, $0x1;
	_ =	strace $0x80000046;
	[dreg:$0x1] =	wrdreg $0xFFFFFFFF  }
0xa7: {  	s28 =	simm.s32 $_size_execute0_lowered;
	s2 =	sadd.s32 s2, s4;
	[dreg:$0x0] =	wrdreg $0x0  }
0xa8: {  	s4 =	sshll.u32 s28, $0x1;
	[dreg:$0x2] =	wrdreg s2  }
0xa9: {  	[dreg:$0x3] =	wrdreg s4  }
0xaa: {  	[dreg:$0x4] =	wrdreg $0xC0  }
0xab: {  	_ =	task [dreg:s6], $0x5FFFF  }
0xac: {  	[dreg:$0x1] =	wrdreg $0xFFFFFFFF  }
0xad: {  	[dreg:$0x0] =	wrdreg $0x60  }
0xae: {  	[dreg:$0x2] =	wrdreg s24  }
0xaf: {  	[dreg:$0x3] =	wrdreg $0x45100  }
0xb0: {  	[dreg:$0x4] =	wrdreg $0x9  }
0xb1: {  	_ =	task.clear_ibuf [dreg:s6], $0x5FFFF;
	_ =	strace $0x90000046  }
0xb2: {  	s29 =	simm.s32 $0x9;
	_ =	strace $0x80000048  }
0xb3: {  	_ =	swait.ge [sflag:s29], $0x1  }
0xb4: {  	[sflag:s29] =	ssyncadd.s32 $0xFFFFFFFF  }
0xb5: {  	_ =	strace $0x90000048  }
0xb6: {  	_ =	sfence  }
0xb7: {  	s30 =	sld [smem:$0x0];
	_ =	sdelay $0x2  }
0xb8: {  	s31 =	sshll.u32 s1, $0xD;
	s1 =	sshrl.u32 s1, $0x2  }
0xb9: {  	s3 =	sand.u32 $0x4000, s31;
	s1 =	sadd.s32 s1, s30  }
0xba: {  	s0 =	sor.u32 s3, s0;
	s1 =	sshll.u32 s1, $0x11  }
0xbb: {  	s0 =	sor.u32 s1, s0  }
0xbc: {  	s0 =	sadd.s32 $0x8F2B, s0  }
0xbd: {  	[sflag:s0] =	ssyncadd.remote.s32 $0x1  }
0xbe: {  	_ =	sfence.sel $0xFFFF  }
0xbf: {  	[dreg:$0x0] =	wrdreg $0xFFFFFFFF;
	(pc) =	sbr.abs _section_cstart, $3  }
0xc0: {  	[dreg:$0x1] =	wrdreg $0xFFFFFFFF  }
0xc1: {  	_ =	task.clear_ibuf [dreg:s6], $0x2FFFF;
	_ =	strace $0x9FFFFFFF  }
0xc2: {  	(tm) =	ssettm $0x7FFFFFFF  }
0xc3: {  	_ =	shalt  }
tec
execute0_lowered:
.L_overlay_start_1:
0x0: {  	(tag) =	ssettag $0x1  }
0x1: {  	s5 =	rddreg [dreg:$0x0]  }
0x2: {  	s0 =	srdreg.scid;
	s2 =	rddreg [dreg:$0x1]  }
0x3: {  	s3 =	simm.s32 $0x0;
	s4 =	sand.u32 $0x1, s0;
	s0 =	stileid.u32  }
0x4: {  	[smem:$0x7FF] =	sst s3;
	s7 =	smul.u32 $0x4E20, s4  }
0x5: {  	s1 =	sshll.u32 s4, $0x4;
	s4 =	ssub.s32 $0x2, s4;
	s8 =	smul.u32 $0x6400, s0  }
0x6: {  	s9 =	sor.u32 $0x10, s0;
	s12 =	smul.u32 $0x1900, s0;
	p0 =	sgt.u32 s0, $0x8  }
0x7: {  	s14 =	sshll.u32 s0, $0x6;
	s6 =	sor.u32 s0, s1;
	s1 =	rddreg [dreg:$0x2]  }
0x8: {  	_ =	strace $0x80000047;
	s28 =	sshrl.u32 s4, $0x1;
	s10 =	smul.u32 $0x6400, s9  }
0x9: {  	s31 =	smul.u32 $0x1900, s9;
	s9 =	simm.s32 $0x2;
	s14 =	sor.u32 $0x1C02, s14  }
0xa: {  	s6 =	smul.u32 $0x4E2, s6;
	s7 =	sadd.s32 s7, s5;
	s11 =	ssub.s32 s4, s28  }
0xb: {  	s29 =	sshrl.u32 s8, $0x2;
	s13 =	sshrl.u32 s12, $0x3;
	s15 =	sadd.s32 s12, s2  }
0xc: {  	s8 =	simm.s32 $0x2C10;
	s12 =	simm.s32 $0x2710;
	s30 =	sshrl.u32 s10, $0x2  }
0xd: {  	s16 =	sadd.s32 $0xC000, s7;
	s17 =	sshrl.u32 s31, $0x3;
	s18 =	sadd.s32 s31, s2  }
0xe: {  	s7 =	smax.u32 s11, $0x1;
	s10 =	simm.s32 $0x1;
	s11 =	simm.s32 $0x50  }
0xf: {  	s15 =	sshrl.u32 s15, $0x3;
	s6 =	sadd.s32 s6, s5;
	s5 =	sadd.s32 s29, s2  }
0x10: {  	s13 =	sadd.s32 s13, s16;
	s16 =	sadd.s32 @!p0 s17, s16;
	s17 =	sshrl.u32 @!p0 s18, $0x3  }
0x11: {  	v0 =	vimm.f32 $1.000000000e+00;
	v1 =	vimm.f32 $0.0e+00;
	s18 =	simm.s32 $0x0;
	s4 =	sadd.s32 $0x2200, s6;
	s6 =	sadd.s32 s30, s2  }
.LBB2_1:
0x12: {  	[tilespmem:s3], [sflag:$0x1] =	stream.linear.gather [hbm4b:s4+s3], $0x2710, $0x38;
	[tilespmem:$0x6C20] =	vst v63  }
0x13: {  	s19 =	simm.s32 $0x0  }
.LBB2_2:
0x14: {  	p1 =	sne.s32 s19, $0x13C0  }
.Ltmp0:
0x15: {  	_ = 	snop;
	(pc) =	sbr.rel @p1 .LBB2_2-.Ltmp0, $3  }
0x16: {  	_ =	sdelay $0x1  }
0x17: {  	s20 =	sshra.s32 s19, $0x2  }
0x18: {  	s19 =	sadd.s32 $0x40, s19;
	[tilespmem:s20+$0x2710] =	vst v0  }
0x19: {  	s19 =	simm.s32 $0x40;
	s20 =	simm.s32 $0x0  }
.LBB2_4:
0x1a: {  	p1 =	sne.s32 s19, $0x63C0;
	[tilespmem:s20+$0x2C10] =	vst v1;
	s20 =	smov.u32 s19;
	s19 =	sadd.s32 $0x40, s19  }
.Ltmp1:
0x1b: {  	(pc) =	sbr.rel @p1 .LBB2_4-.Ltmp1, $2  }
0x1c: {  	_ =	sdelay $0x2  }
0x1d: {  	s20 =	sshra.s32 s20, $0x2  }
0x1e: {  	[tilespmem:s20+$0x2C10] =	vst v1  }
0x1f: {  	[spmem:s5] =	stream.linear.scatter [tilespmem:s8], [sflag:$0x2], $0x1900, $0x38;
	[tilespmem:$0x6C20] =	vst v63  }
0x20: {  	_ =	swait.ge [sflag:s9], $0x1900  }
0x21: {  	[sflag:s9] =	ssyncset.done $0x0  }
0x22: {  	s19 =	simm.s32 @!p0 $0x2C10;
	[sflag:s9] =	ssyncadd.s32 $0xFFFFE700  }
0x23: {  	[spmem:s6] =	stream.linear.scatter @!p0 [tilespmem:s19], [sflag:$0x2], $0x1900, $0x38;
	[tilespmem:$0x6C20] =	vst v63  }
0x24: {  	s19 =	simm.s32 @!p0 $0x2  }
0x25: {  	_ =	swait.ge @!p0 [sflag:s19], $0x1900  }
0x26: {  	[sflag:s19] =	ssyncset.done @!p0 $0x0  }
0x27: {  	[sflag:s19] =	ssyncadd.s32 @!p0 $0xFFFFE700  }
0x28: {  	_ =	swait.ge [sflag:s10], $0x2710  }
0x29: {  	[sflag:s10] =	ssyncset.done $0x0  }
0x2a: {  	[sflag:s10] =	ssyncadd.s32 $0xFFFFD8F0  }
0x2b: {  	s31 =	simm.s32 $0x0;
	[bflag:$0x0] =	sbarrier.arrive $0xFFFF  }
0x2c: {  	[spmem:s2] =	stream.indirect.scatter.add.f32 [tilespmem:s12], [sflag:$0x2], $0x10, s31, s11, $0xb8;
	[tilespmem:$0x6C20] =	vst v63  }
0x2d: {  	_ =	swait.ge [sflag:s9], $0x500  }
0x2e: {  	s19 =	simm.s32 $0x140;
	[sflag:s9] =	ssyncset.done $0x0  }
.LBB2_6:
0x2f: {  	s20 =	sshra.s32 s19, $0x2;
	[sflag:s9] =	ssyncadd.s32 $0xFFFFFB00;
	p1 =	sne.s32 s19, $0x9B00  }
0x30: {  	[spmem:s2] =	stream.indirect.scatter.add.f32 [tilespmem:s12], [sflag:$0x2], $0x10, s20, s11, $0xb8;
	[tilespmem:$0x6C20] =	vst v63  }
.Ltmp2:
0x31: {  	_ = 	snop;
	(pc) =	sbr.rel @p1 .LBB2_6-.Ltmp2, $4  }
0x32: {  	_ = 	snop  }
0x33: {  	s19 =	sadd.s32 $0x140, s19  }
0x34: {  	_ =	swait.ge [sflag:s9], $0x500  }
0x35: {  	[sflag:s9] =	ssyncset.done $0x0  }
0x36: {  	[sflag:s9] =	ssyncadd.s32 $0xFFFFFB00  }
0x37: {  	[bflag:$0x0] =	sbarrier.arrive $0xFFFF  }
0x38: {  	[hbm:s13], [sflag:s14] =	dma.local [spmem:s15], $0x320  }
0x39: {  	s18 =	sadd.s32 $0x1, s18;
	_ =	swait.ge [sflag:s9], $0x320  }
0x3a: {  	p1 =	sne.s32 s18, s7;
	[sflag:s9] =	ssyncset.done $0x0  }
.Ltmp3:
0x3b: {  	s19 =	simm.s32 @!p0 $0x2;
	[sflag:s9] =	ssyncadd.s32 $0xFFFFFCE0;
	(pc) =	sbr.rel @p1 .LBB2_1-.Ltmp3, $4  }
0x3c: {  	[hbm:s16], [sflag:s14] =	dma.local @!p0 [spmem:s17], $0x320  }
0x3d: {  	_ =	swait.ge @!p0 [sflag:s19], $0x320  }
0x3e: {  	[sflag:s19] =	ssyncset.done @!p0 $0x0  }
0x3f: {  	[sflag:s19] =	ssyncadd.s32 @!p0 $0xFFFFFCE0  }
0x40: {  	_ =	sfence.sel $0x180000  }
0x41: {  	[bflag:$0x0] =	sbarrier.arrive $0xFFFF  }
0x42: {  	p0 =	sne.s32 s0, $0x0;
	_ =	strace $0x90000047  }
0x43: {  	s0 =	sadd.s32 @!p0 $0x100000, s1;
	[bflag:$0x2] =	sbarrier.arrive $0xFFFF  }
0x44: {  	[sflag:s0] =	ssyncadd.tile.s32 @!p0 $0x1;
	_ =	shalt  }
.Lfunc_end2:
_tile_overlayer_lowered:
.L_overlay_start_2:
0x45: {  	(tag) =	ssettag $0x2  }
0x46: {  	s0 =	rddreg [dreg:$0x0];
	s2 =	stileid.u32  }
0x47: {  	s1 =	rddreg [dreg:$0x1];
	p0 =	sne.s32 s2, $0x0  }
0x48: {  	s3 =	rddreg [dreg:$0x2];
	[bflag:$0x3] =	sbarrier.arrive $0xFFFF;
	s2 =	simm.s32 @!p0 $0x1C02  }
0x49: {  	[timem:s3], [sflag:s2] =	dma.local @!p0 [hbm:s0], s1  }
0x4a: {  	s0 =	simm.s32 @!p0 $0x2  }
0x4b: {  	_ =	swait.ge @!p0 [sflag:s0], s1  }
0x4c: {  	s1 =	ssub.s32 @!p0 $0x0, s1;
	[sflag:s0] =	ssyncset.done @!p0 $0x0  }
0x4d: {  	[sflag:s0] =	ssyncadd.s32 @!p0 s1  }
0x4e: {  	[bflag:$0x3] =	sbarrier.arrive $0xFFFF  }
0x4f: {  	_ =	shalt  }

</sc_bundles>
